<compile_context>
chip_gen: v7x
topology: tpu7x:2x2x1
jax: 0.10.2.dev20260603
libtpu: 0.0.44.dev20260713+nightly
codegen_flags: <defaults>
</compile_context>

<pallas_src>
import functools

import jax
import jax.numpy as jnp
from jax import lax
from jax.experimental import pallas as pl
from jax.experimental.pallas import tpu as pltpu
from jax.experimental.pallas import tpu_sc as plsc

N_NODES = 10000
N_EDGES = 320000
NC = 2
NS = 16
NW = NC * NS
CHUNK = 128
ROWS_PER_TILE = (N_NODES // NS) // 8 * 8
TAIL_BASE = ROWS_PER_TILE * NS
TAIL = N_NODES - TAIL_BASE
CPT = 80
E_PAD = NW * CPT * CHUNK
CPT1 = 81
E_PAD1 = NW * CPT1 * CHUNK
AGG_ROWS = N_NODES + 16

ROW_BLK = 5000
GRID = N_NODES // ROW_BLK


def _seg_sum_partials_grouped(support, src2d, dst2d, zeros, d, gsz, cpt):
    ngrp = cpt // gsz
    mesh = plsc.VectorSubcoreMesh(
        core_axis_name="c", subcore_axis_name="s", num_cores=NC, num_subcores=NS
    )

    @functools.partial(
        pl.kernel,
        compiler_params=pltpu.CompilerParams(use_tc_tiling_on_sc=False),
        out_type=jax.ShapeDtypeStruct((NC, N_NODES, d), jnp.float32),
        mesh=mesh,
        scratch_types=[
            [pltpu.VMEM((gsz, CHUNK), jnp.int32) for _ in range(2)],
            [pltpu.VMEM((gsz, CHUNK), jnp.int32) for _ in range(2)],
            [pltpu.VMEM((CHUNK, d), jnp.float32) for _ in range(gsz)],
            pltpu.VMEM_SHARED((AGG_ROWS, d), jnp.float32),
            [pltpu.SemaphoreType.DMA for _ in range(2)],
            [pltpu.SemaphoreType.DMA for _ in range(gsz)],
            [pltpu.SemaphoreType.DMA for _ in range(gsz)],
        ],
    )
    def k(support_hbm, src_hbm, dst_hbm, zeros_hbm, out_hbm,
          src_idx, dst_idx, rows, agg_sh, isem, gsem, ssem):
        cid = lax.axis_index("c")
        sid = lax.axis_index("s")
        wid = sid * NC + cid

        def idx_start(g, pg):
            row0 = wid * cpt + g * gsz
            pltpu.async_copy(src_hbm.at[pl.ds(row0, gsz)], src_idx[pg], isem[pg])
            pltpu.async_copy(dst_hbm.at[pl.ds(row0, gsz)], dst_idx[pg], isem[pg])

        def idx_wait(pg):
            pltpu.make_async_copy(src_hbm.at[pl.ds(0, gsz)], src_idx[pg], isem[pg]).wait()
            pltpu.make_async_copy(dst_hbm.at[pl.ds(0, gsz)], dst_idx[pg], isem[pg]).wait()

        def group(g, pg, first=False):
            idx_wait(pg)
            for u in range(gsz):
                if not first:
                    pltpu.make_async_copy(
                        rows[u], agg_sh.at[dst_idx[1 - pg].at[u]], ssem[u]
                    ).wait()
                pltpu.async_copy(support_hbm.at[src_idx[pg].at[u]], rows[u], gsem[u])
            if isinstance(g, int):
                if g + 1 < ngrp:
                    idx_start(g + 1, 1 - pg)
            else:
                @pl.when(g + 1 < ngrp)
                def _():
                    idx_start(g + 1, 1 - pg)
            for u in range(gsz):
                pltpu.make_async_copy(
                    support_hbm.at[src_idx[pg].at[u]], rows[u], gsem[u]
                ).wait()
                pltpu.async_copy(
                    rows[u], agg_sh.at[dst_idx[pg].at[u]], ssem[u], add=True
                )

        idx_start(0, 0)
        idx_wait(0)
        for u in range(gsz):
            pltpu.async_copy(support_hbm.at[src_idx[0].at[u]], rows[u], gsem[u])

        pltpu.sync_copy(zeros_hbm, agg_sh.at[pl.ds(sid * ROWS_PER_TILE, ROWS_PER_TILE)])

        @pl.when(sid == 0)
        def _():
            pltpu.sync_copy(
                zeros_hbm.at[pl.ds(0, AGG_ROWS - TAIL_BASE)],
                agg_sh.at[pl.ds(TAIL_BASE, AGG_ROWS - TAIL_BASE)],
            )

        plsc.subcore_barrier()

        idx_start(1, 1)
        for u in range(gsz):
            pltpu.make_async_copy(
                support_hbm.at[src_idx[0].at[u]], rows[u], gsem[u]
            ).wait()
            pltpu.async_copy(rows[u], agg_sh.at[dst_idx[0].at[u]], ssem[u], add=True)

        def two_groups(jo, carry):
            g = 1 + 2 * jo
            group(g, 1)
            group(g + 1, 0)
            return carry

        lax.fori_loop(0, (ngrp - 1) // 2, two_groups, None)

        if ngrp % 2 == 0:
            group(ngrp - 1, (ngrp - 1) % 2)
        for u in range(gsz):
            pltpu.make_async_copy(
                rows[u], agg_sh.at[dst_idx[(ngrp - 1) % 2].at[u]], ssem[u]
            ).wait()

        plsc.subcore_barrier()
        pltpu.sync_copy(
            agg_sh.at[pl.ds(sid * ROWS_PER_TILE, ROWS_PER_TILE)],
            out_hbm.at[cid, pl.ds(sid * ROWS_PER_TILE, ROWS_PER_TILE)],
        )

        @pl.when(sid == 0)
        def _():
            pltpu.sync_copy(
                agg_sh.at[pl.ds(TAIL_BASE, TAIL)],
                out_hbm.at[cid, pl.ds(TAIL_BASE, TAIL)],
            )

    return k(support, src2d, dst2d, zeros)


def _layer1_tc(parts, w0, b0, w1, nhid, ncls):
    def body(p_ref, w0_ref, b0_ref, w1_ref, o_ref):
        agg = p_ref[0] + p_ref[1]
        h = jnp.maximum(
            jnp.dot(agg, w0_ref[...], preferred_element_type=jnp.float32) + b0_ref[...],
            0.0,
        )
        o_ref[...] = jnp.dot(h, w1_ref[...], preferred_element_type=jnp.float32)

    d = parts.shape[2]
    return pl.pallas_call(
        body,
        grid=(GRID,),
        in_specs=[
            pl.BlockSpec((NC, ROW_BLK, d), lambda i: (0, i, 0)),
            pl.BlockSpec(w0.shape, lambda i: (0, 0)),
            pl.BlockSpec((1, nhid), lambda i: (0, 0)),
            pl.BlockSpec(w1.shape, lambda i: (0, 0)),
        ],
        out_specs=pl.BlockSpec((ROW_BLK, ncls), lambda i: (i, 0)),
        out_shape=jax.ShapeDtypeStruct((N_NODES, ncls), jnp.float32),
    )(parts, w0, b0.reshape(1, nhid), w1)


def _bias_log_softmax(parts, b, n_out):
    def body(p_ref, b_ref, o_ref):
        o = p_ref[0] + p_ref[1] + b_ref[...]
        m = jnp.max(o, axis=1, keepdims=True)
        e = jnp.exp(o - m)
        s = jnp.sum(e, axis=1, keepdims=True)
        o_ref[...] = o - m - jnp.log(s)

    return pl.pallas_call(
        body,
        grid=(GRID,),
        in_specs=[
            pl.BlockSpec((NC, ROW_BLK, n_out), lambda i: (0, i, 0)),
            pl.BlockSpec((1, n_out), lambda i: (0, 0)),
        ],
        out_specs=pl.BlockSpec((ROW_BLK, n_out), lambda i: (i, 0)),
        out_shape=jax.ShapeDtypeStruct((N_NODES, n_out), jnp.float32),
    )(parts, b.reshape(1, n_out))


def kernel(x, adjs, W0, b0, W1, b1):
    src0 = adjs[0].astype(jnp.int32)
    dst0 = adjs[1].astype(jnp.int32)

    def pad_edges(n_total):
        pad = n_total - N_EDGES
        s = jnp.concatenate([src0, jnp.arange(pad, dtype=jnp.int32) * 997 % N_NODES])
        t = jnp.concatenate([dst0, N_NODES + (jnp.arange(pad, dtype=jnp.int32) % 16)])
        return s.reshape(-1, CHUNK), t.reshape(-1, CHUNK)

    nfeat = x.shape[1]
    nhid = W0.shape[1]
    ncls = W1.shape[1]
    z128 = jnp.zeros((ROWS_PER_TILE, nfeat), jnp.float32)
    z64 = jnp.zeros((ROWS_PER_TILE, ncls), jnp.float32)
    src1, dst1 = pad_edges(E_PAD1)
    src2, dst2 = pad_edges(E_PAD)

    parts1 = _seg_sum_partials_grouped(x, src1, dst1, z128, nfeat, 3, CPT1)
    s2 = _layer1_tc(parts1, W0, b0, W1, nhid, ncls)
    parts2 = _seg_sum_partials_grouped(s2, src2, dst2, z64, ncls, 8, CPT)
    return _bias_log_softmax(parts2, b1, ncls)

# --- scband reference (transcript-rebuilt; emitter-appended) ---
"""Pipeline reference for scband-gcn-11278584119813 (READ-ONLY COPY).

The authoritative reference and input builder live on the scoring server;
editing this copy changes nothing except your own understanding.
"""

import jax, jax.numpy as jnp
import numpy as np

N_NODES = 10000
N_EDGES = 320000
NFEAT = 128
NHID = 128
NCLASS = 64


def setup_inputs(seed: int = 0) -> dict:
    key = jax.random.key(seed)
    k_x, k_e, k_w0, k_b0, k_w1, k_b1 = jax.random.split(key, 6)
    x = jax.random.normal(k_x, (N_NODES, NFEAT), dtype=jnp.float32)
    adjs = jax.random.randint(k_e, (2, N_EDGES), 0, N_NODES, dtype=jnp.int64)
    # GraphConvolution parameters (Kipf & Welling style: out = adj @ (x @ W) + b)
    s0 = 1.0 / np.sqrt(NFEAT)
    s1 = 1.0 / np.sqrt(NHID)
    W0 = jax.random.uniform(k_w0, (NFEAT, NHID), dtype=jnp.float32, minval=-s0, maxval=s0)
    b0 = jax.random.uniform(k_b0, (NHID,), dtype=jnp.float32, minval=-s0, maxval=s0)
    W1 = jax.random.uniform(k_w1, (NHID, NCLASS), dtype=jnp.float32, minval=-s1, maxval=s1)
    b1 = jax.random.uniform(k_b1, (NCLASS,), dtype=jnp.float32, minval=-s1, maxval=s1)
    return {"x": x, "adjs": adjs, "W0": W0, "b0": b0, "W1": W1, "b1": b1}


def _graph_conv(h, src, dst, W, b, n_nodes):
    support = h @ W                      # dense transform
    msgs = jnp.take(support, src, axis=0)  # gather per-edge source features
    agg = jax.ops.segment_sum(msgs, dst, num_segments=n_nodes)  # scatter-add (adj @ support)
    return agg + b


def reference(x, adjs, W0, b0, W1, b1):
    # GCN forward, eval mode (dropout is identity).
    # nlayers=2 -> middle loop (range(nlayers-2)) is empty.
    src = adjs[0]
    dst = adjs[1]
    h = jax.nn.relu(_graph_conv(x, src, dst, W0, b0, N_NODES))
    out = _graph_conv(h, src, dst, W1, b1, N_NODES)
    return jax.nn.log_softmax(out, axis=1)

if __name__ == "__main__":
    import jax
    _d = setup_inputs()
    print(jax.jit(kernel)(*tuple(_d.values())))

</pallas_src>

<mosaic_0001>
#map = affine_map<(d0, d1) -> (0, 0)>
#map1 = affine_map<(d0, d1) -> (0, 0, 0)>
module attributes {stable_mosaic.version = 14 : i64} {
  func.func @k(%arg0: i32, %arg1: i32, %arg2: memref<10000x128xf32, #tpu.memory_space<hbm>>, %arg3: memref<2592x128xi32, #tpu.memory_space<hbm>>, %arg4: memref<2592x128xi32, #tpu.memory_space<hbm>>, %arg5: memref<624x128xf32, #tpu.memory_space<hbm>>, %arg6: memref<2x10000x128xf32, #tpu.memory_space<hbm>>, %arg7: memref<3x128xi32, #tpu.memory_space<vmem>>, %arg8: memref<3x128xi32, #tpu.memory_space<vmem>>, %arg9: memref<3x128xi32, #tpu.memory_space<vmem>>, %arg10: memref<3x128xi32, #tpu.memory_space<vmem>>, %arg11: memref<128x128xf32, #tpu.memory_space<vmem>>, %arg12: memref<128x128xf32, #tpu.memory_space<vmem>>, %arg13: memref<128x128xf32, #tpu.memory_space<vmem>>, %arg14: memref<10016x128xf32, #tpu.memory_space<vmem_shared>>, %arg15: memref<!tpu.dma_semaphore, #tpu.memory_space<semaphore_mem>>, %arg16: memref<!tpu.dma_semaphore, #tpu.memory_space<semaphore_mem>>, %arg17: memref<!tpu.dma_semaphore, #tpu.memory_space<semaphore_mem>>, %arg18: memref<!tpu.dma_semaphore, #tpu.memory_space<semaphore_mem>>, %arg19: memref<!tpu.dma_semaphore, #tpu.memory_space<semaphore_mem>>, %arg20: memref<!tpu.dma_semaphore, #tpu.memory_space<semaphore_mem>>, %arg21: memref<!tpu.dma_semaphore, #tpu.memory_space<semaphore_mem>>, %arg22: memref<!tpu.dma_semaphore, #tpu.memory_space<semaphore_mem>>) attributes {dimension_semantics = [#tpu.dimension_semantics<core_parallel>, #tpu.dimension_semantics<subcore_parallel>], iteration_bounds = array<i64: 2, 16>, scalar_prefetch = 0 : i64, scratch_operands = 16 : i64, tpu.core_type = #tpu.core_type<sc_vector_subcore>, window_params = [{transform_indices = #map}, {transform_indices = #map}, {transform_indices = #map}, {transform_indices = #map}, {transform_indices = #map1}]} {
    %mul3A = arith.constant 2 : i32
    %mul3A_0 = arith.muli %arg1, %mul3A : i32
    %add3A = arith.addi %mul3A_0, %arg0 : i32
    %mul3A_1 = arith.constant 81 : i32
    %mul3A_2 = arith.muli %add3A, %mul3A_1 : i32
    %add3A_3 = arith.constant 0 : i32
    %add3A_4 = arith.addi %mul3A_2, %add3A_3 : i32
    %dma_start3A = arith.constant 0 : i32
    %dma_start3A_5 = tpu.memref_slice %arg3[%add3A_4, %dma_start3A] : memref<2592x128xi32, #tpu.memory_space<hbm>> -> memref<3x128xi32, #tpu.memory_space<hbm>>
    %dma_start3A_6 = arith.constant 0 : i32
    %dma_start3A_7 = tpu.memref_slice %arg3[%add3A_4, %dma_start3A_6] : memref<2592x128xi32, #tpu.memory_space<hbm>> -> memref<3x128xi32, #tpu.memory_space<hbm>>
    tpu.enqueue_dma source(%dma_start3A_7 : memref<3x128xi32, #tpu.memory_space<hbm>>) target(%arg7 : memref<3x128xi32, #tpu.memory_space<vmem>>) target_semaphore(%arg15 : memref<!tpu.dma_semaphore, #tpu.memory_space<semaphore_mem>>)
    %dma_start3A_8 = arith.constant 0 : i32
    %dma_start3A_9 = tpu.memref_slice %arg4[%add3A_4, %dma_start3A_8] : memref<2592x128xi32, #tpu.memory_space<hbm>> -> memref<3x128xi32, #tpu.memory_space<hbm>>
    %dma_start3A_10 = arith.constant 0 : i32
    %dma_start3A_11 = tpu.memref_slice %arg4[%add3A_4, %dma_start3A_10] : memref<2592x128xi32, #tpu.memory_space<hbm>> -> memref<3x128xi32, #tpu.memory_space<hbm>>
    tpu.enqueue_dma source(%dma_start3A_11 : memref<3x128xi32, #tpu.memory_space<hbm>>) target(%arg9 : memref<3x128xi32, #tpu.memory_space<vmem>>) target_semaphore(%arg15 : memref<!tpu.dma_semaphore, #tpu.memory_space<semaphore_mem>>)
    %dma_wait3A = arith.constant 0 : i32
    %dma_wait3A_12 = arith.constant 0 : i32
    %dma_wait3A_13 = tpu.memref_slice %arg3[%dma_wait3A, %dma_wait3A_12] : memref<2592x128xi32, #tpu.memory_space<hbm>> -> memref<3x128xi32, #tpu.memory_space<hbm>>
    %dma_wait3A_14 = arith.constant 0 : i32
    %dma_wait3A_15 = arith.constant 0 : i32
    %dma_wait3A_16 = tpu.memref_slice %arg3[%dma_wait3A_14, %dma_wait3A_15] : memref<2592x128xi32, #tpu.memory_space<hbm>> -> memref<3x128xi32, #tpu.memory_space<hbm>>
    tpu.wait_dma2 semaphore(%arg15 : memref<!tpu.dma_semaphore, #tpu.memory_space<semaphore_mem>>) src(%dma_wait3A_16 : memref<3x128xi32, #tpu.memory_space<hbm>>) dst(%arg7 : memref<3x128xi32, #tpu.memory_space<vmem>>)
    %dma_wait3A_17 = arith.constant 0 : i32
    %dma_wait3A_18 = arith.constant 0 : i32
    %dma_wait3A_19 = tpu.memref_slice %arg4[%dma_wait3A_17, %dma_wait3A_18] : memref<2592x128xi32, #tpu.memory_space<hbm>> -> memref<3x128xi32, #tpu.memory_space<hbm>>
    %dma_wait3A_20 = arith.constant 0 : i32
    %dma_wait3A_21 = arith.constant 0 : i32
    %dma_wait3A_22 = tpu.memref_slice %arg4[%dma_wait3A_20, %dma_wait3A_21] : memref<2592x128xi32, #tpu.memory_space<hbm>> -> memref<3x128xi32, #tpu.memory_space<hbm>>
    tpu.wait_dma2 semaphore(%arg15 : memref<!tpu.dma_semaphore, #tpu.memory_space<semaphore_mem>>) src(%dma_wait3A_22 : memref<3x128xi32, #tpu.memory_space<hbm>>) dst(%arg9 : memref<3x128xi32, #tpu.memory_space<vmem>>)
    %dma_start3A_23 = arith.constant 0 : i32
    %dma_start3A_24 = arith.constant 0 : i32
    %dma_start3A_25 = tpu.memref_slice %arg7[%dma_start3A_23, %dma_start3A_24] : memref<3x128xi32, #tpu.memory_space<vmem>> -> memref<1x128xi32, #tpu.memory_space<vmem>>
    %dma_start3A_26 = tpu.memref_squeeze %dma_start3A_25 : memref<1x128xi32, #tpu.memory_space<vmem>> -> memref<128xi32, #tpu.memory_space<vmem>>
    %dma_start3A_27 = arith.constant 0 : i32
    %dma_start3A_28 = arith.constant 0 : i32
    %dma_start3A_29 = tpu.memref_slice %arg2[%dma_start3A_27, %dma_start3A_28] : memref<10000x128xf32, #tpu.memory_space<hbm>> -> memref<10000x128xf32, #tpu.memory_space<hbm>>
    tpu.enqueue_indirect_dma source(%dma_start3A_29 : memref<10000x128xf32, #tpu.memory_space<hbm>>) target(%arg11 : memref<128x128xf32, #tpu.memory_space<vmem>>) offsets(%dma_start3A_26 : memref<128xi32, #tpu.memory_space<vmem>>) semaphore(%arg17 : memref<!tpu.dma_semaphore, #tpu.memory_space<semaphore_mem>>)
    %dma_start3A_30 = arith.constant 1 : i32
    %dma_start3A_31 = arith.constant 0 : i32
    %dma_start3A_32 = tpu.memref_slice %arg7[%dma_start3A_30, %dma_start3A_31] : memref<3x128xi32, #tpu.memory_space<vmem>> -> memref<1x128xi32, #tpu.memory_space<vmem>>
    %dma_start3A_33 = tpu.memref_squeeze %dma_start3A_32 : memref<1x128xi32, #tpu.memory_space<vmem>> -> memref<128xi32, #tpu.memory_space<vmem>>
    %dma_start3A_34 = arith.constant 0 : i32
    %dma_start3A_35 = arith.constant 0 : i32
    %dma_start3A_36 = tpu.memref_slice %arg2[%dma_start3A_34, %dma_start3A_35] : memref<10000x128xf32, #tpu.memory_space<hbm>> -> memref<10000x128xf32, #tpu.memory_space<hbm>>
    tpu.enqueue_indirect_dma source(%dma_start3A_36 : memref<10000x128xf32, #tpu.memory_space<hbm>>) target(%arg12 : memref<128x128xf32, #tpu.memory_space<vmem>>) offsets(%dma_start3A_33 : memref<128xi32, #tpu.memory_space<vmem>>) semaphore(%arg18 : memref<!tpu.dma_semaphore, #tpu.memory_space<semaphore_mem>>)
    %dma_start3A_37 = arith.constant 2 : i32
    %dma_start3A_38 = arith.constant 0 : i32
    %dma_start3A_39 = tpu.memref_slice %arg7[%dma_start3A_37, %dma_start3A_38] : memref<3x128xi32, #tpu.memory_space<vmem>> -> memref<1x128xi32, #tpu.memory_space<vmem>>
    %dma_start3A_40 = tpu.memref_squeeze %dma_start3A_39 : memref<1x128xi32, #tpu.memory_space<vmem>> -> memref<128xi32, #tpu.memory_space<vmem>>
    %dma_start3A_41 = arith.constant 0 : i32
    %dma_start3A_42 = arith.constant 0 : i32
    %dma_start3A_43 = tpu.memref_slice %arg2[%dma_start3A_41, %dma_start3A_42] : memref<10000x128xf32, #tpu.memory_space<hbm>> -> memref<10000x128xf32, #tpu.memory_space<hbm>>
    tpu.enqueue_indirect_dma source(%dma_start3A_43 : memref<10000x128xf32, #tpu.memory_space<hbm>>) target(%arg13 : memref<128x128xf32, #tpu.memory_space<vmem>>) offsets(%dma_start3A_40 : memref<128xi32, #tpu.memory_space<vmem>>) semaphore(%arg19 : memref<!tpu.dma_semaphore, #tpu.memory_space<semaphore_mem>>)
    %mul3A_44 = arith.constant 624 : i32
    %mul3A_45 = arith.muli %arg1, %mul3A_44 : i32
    "tpu.region"() ({
      %run_scoped3A = tpu.sem_alloc : memref<!tpu.dma_semaphore, #tpu.memory_space<semaphore_mem>>
      %dma_start3A_137 = arith.constant 0 : i32
      %dma_start3A_138 = tpu.memref_slice %arg14[%mul3A_45, %dma_start3A_137] : memref<10016x128xf32, #tpu.memory_space<vmem_shared>> -> memref<624x128xf32, #tpu.memory_space<vmem_shared>>
      tpu.enqueue_dma source(%arg5 : memref<624x128xf32, #tpu.memory_space<hbm>>) target(%dma_start3A_138 : memref<624x128xf32, #tpu.memory_space<vmem_shared>>) target_semaphore(%run_scoped3A : memref<!tpu.dma_semaphore, #tpu.memory_space<semaphore_mem>>)
      %dma_wait3A_139 = arith.constant 0 : i32
      %dma_wait3A_140 = tpu.memref_slice %arg14[%mul3A_45, %dma_wait3A_139] : memref<10016x128xf32, #tpu.memory_space<vmem_shared>> -> memref<624x128xf32, #tpu.memory_space<vmem_shared>>
      tpu.wait_dma2 semaphore(%run_scoped3A : memref<!tpu.dma_semaphore, #tpu.memory_space<semaphore_mem>>) src(%arg5 : memref<624x128xf32, #tpu.memory_space<hbm>>) dst(%dma_wait3A_140 : memref<624x128xf32, #tpu.memory_space<vmem_shared>>)
      tpu.yield
    }) : () -> ()
    %eq3A = arith.constant 0 : i32
    %eq3A_46 = arith.cmpi eq, %arg1, %eq3A : i32
    %convert_element_type3A = arith.extui %eq3A_46 : i1 to i32
    %cond3A = arith.constant 0 : i32
    %cond3A_47 = arith.cmpi ne, %convert_element_type3A, %cond3A : i32
    scf.if %cond3A_47 {
      "tpu.region"() ({
        %run_scoped3A = tpu.sem_alloc : memref<!tpu.dma_semaphore, #tpu.memory_space<semaphore_mem>>
        %dma_start3A_137 = arith.constant 9984 : i32
        %dma_start3A_138 = arith.constant 0 : i32
        %dma_start3A_139 = tpu.memref_slice %arg14[%dma_start3A_137, %dma_start3A_138] : memref<10016x128xf32, #tpu.memory_space<vmem_shared>> -> memref<32x128xf32, #tpu.memory_space<vmem_shared>>
        %dma_start3A_140 = arith.constant 0 : i32
        %dma_start3A_141 = arith.constant 0 : i32
        %dma_start3A_142 = tpu.memref_slice %arg5[%dma_start3A_140, %dma_start3A_141] : memref<624x128xf32, #tpu.memory_space<hbm>> -> memref<32x128xf32, #tpu.memory_space<hbm>>
        tpu.enqueue_dma source(%dma_start3A_142 : memref<32x128xf32, #tpu.memory_space<hbm>>) target(%dma_start3A_139 : memref<32x128xf32, #tpu.memory_space<vmem_shared>>) target_semaphore(%run_scoped3A : memref<!tpu.dma_semaphore, #tpu.memory_space<semaphore_mem>>)
        %dma_wait3A_143 = arith.constant 9984 : i32
        %dma_wait3A_144 = arith.constant 0 : i32
        %dma_wait3A_145 = tpu.memref_slice %arg14[%dma_wait3A_143, %dma_wait3A_144] : memref<10016x128xf32, #tpu.memory_space<vmem_shared>> -> memref<32x128xf32, #tpu.memory_space<vmem_shared>>
        %dma_wait3A_146 = arith.constant 0 : i32
        %dma_wait3A_147 = arith.constant 0 : i32
        %dma_wait3A_148 = tpu.memref_slice %arg5[%dma_wait3A_146, %dma_wait3A_147] : memref<624x128xf32, #tpu.memory_space<hbm>> -> memref<32x128xf32, #tpu.memory_space<hbm>>
        tpu.wait_dma2 semaphore(%run_scoped3A : memref<!tpu.dma_semaphore, #tpu.memory_space<semaphore_mem>>) src(%dma_wait3A_148 : memref<32x128xf32, #tpu.memory_space<hbm>>) dst(%dma_wait3A_145 : memref<32x128xf32, #tpu.memory_space<vmem_shared>>)
        tpu.yield
      }) : () -> ()
    } else {
    }
    %barrier3A = arith.constant 0 : index
    tpu.barrier barrier_id(%barrier3A)
    %mul3A_48 = arith.constant 81 : i32
    %mul3A_49 = arith.muli %add3A, %mul3A_48 : i32
    %add3A_50 = arith.constant 3 : i32
    %add3A_51 = arith.addi %mul3A_49, %add3A_50 : i32
    %dma_start3A_52 = arith.constant 0 : i32
    %dma_start3A_53 = tpu.memref_slice %arg3[%add3A_51, %dma_start3A_52] : memref<2592x128xi32, #tpu.memory_space<hbm>> -> memref<3x128xi32, #tpu.memory_space<hbm>>
    %dma_start3A_54 = arith.constant 0 : i32
    %dma_start3A_55 = tpu.memref_slice %arg3[%add3A_51, %dma_start3A_54] : memref<2592x128xi32, #tpu.memory_space<hbm>> -> memref<3x128xi32, #tpu.memory_space<hbm>>
    tpu.enqueue_dma source(%dma_start3A_55 : memref<3x128xi32, #tpu.memory_space<hbm>>) target(%arg8 : memref<3x128xi32, #tpu.memory_space<vmem>>) target_semaphore(%arg16 : memref<!tpu.dma_semaphore, #tpu.memory_space<semaphore_mem>>)
    %dma_start3A_56 = arith.constant 0 : i32
    %dma_start3A_57 = tpu.memref_slice %arg4[%add3A_51, %dma_start3A_56] : memref<2592x128xi32, #tpu.memory_space<hbm>> -> memref<3x128xi32, #tpu.memory_space<hbm>>
    %dma_start3A_58 = arith.constant 0 : i32
    %dma_start3A_59 = tpu.memref_slice %arg4[%add3A_51, %dma_start3A_58] : memref<2592x128xi32, #tpu.memory_space<hbm>> -> memref<3x128xi32, #tpu.memory_space<hbm>>
    tpu.enqueue_dma source(%dma_start3A_59 : memref<3x128xi32, #tpu.memory_space<hbm>>) target(%arg10 : memref<3x128xi32, #tpu.memory_space<vmem>>) target_semaphore(%arg16 : memref<!tpu.dma_semaphore, #tpu.memory_space<semaphore_mem>>)
    %dma_wait3A_60 = arith.constant 0 : i32
    %dma_wait3A_61 = arith.constant 0 : i32
    %dma_wait3A_62 = tpu.memref_slice %arg7[%dma_wait3A_60, %dma_wait3A_61] : memref<3x128xi32, #tpu.memory_space<vmem>> -> memref<1x128xi32, #tpu.memory_space<vmem>>
    %dma_wait3A_63 = tpu.memref_squeeze %dma_wait3A_62 : memref<1x128xi32, #tpu.memory_space<vmem>> -> memref<128xi32, #tpu.memory_space<vmem>>
    %dma_wait3A_64 = arith.constant 0 : i32
    %dma_wait3A_65 = arith.constant 0 : i32
    %dma_wait3A_66 = tpu.memref_slice %arg2[%dma_wait3A_64, %dma_wait3A_65] : memref<10000x128xf32, #tpu.memory_space<hbm>> -> memref<10000x128xf32, #tpu.memory_space<hbm>>
    tpu.wait_indirect_dma semaphore(%arg17 : memref<!tpu.dma_semaphore, #tpu.memory_space<semaphore_mem>>) src(%dma_wait3A_66 : memref<10000x128xf32, #tpu.memory_space<hbm>>) dst(%arg11 : memref<128x128xf32, #tpu.memory_space<vmem>>)
    %dma_start3A_67 = arith.constant 0 : i32
    %dma_start3A_68 = arith.constant 0 : i32
    %dma_start3A_69 = tpu.memref_slice %arg9[%dma_start3A_67, %dma_start3A_68] : memref<3x128xi32, #tpu.memory_space<vmem>> -> memref<1x128xi32, #tpu.memory_space<vmem>>
    %dma_start3A_70 = tpu.memref_squeeze %dma_start3A_69 : memref<1x128xi32, #tpu.memory_space<vmem>> -> memref<128xi32, #tpu.memory_space<vmem>>
    %dma_start3A_71 = arith.constant 0 : i32
    %dma_start3A_72 = arith.constant 0 : i32
    %dma_start3A_73 = tpu.memref_slice %arg14[%dma_start3A_71, %dma_start3A_72] : memref<10016x128xf32, #tpu.memory_space<vmem_shared>> -> memref<10016x128xf32, #tpu.memory_space<vmem_shared>>
    tpu.enqueue_indirect_dma source(%arg11 : memref<128x128xf32, #tpu.memory_space<vmem>>) target(%dma_start3A_73 : memref<10016x128xf32, #tpu.memory_space<vmem_shared>>) offsets(%dma_start3A_70 : memref<128xi32, #tpu.memory_space<vmem>>) semaphore(%arg20 : memref<!tpu.dma_semaphore, #tpu.memory_space<semaphore_mem>>) {add = true}
    %dma_wait3A_74 = arith.constant 1 : i32
    %dma_wait3A_75 = arith.constant 0 : i32
    %dma_wait3A_76 = tpu.memref_slice %arg7[%dma_wait3A_74, %dma_wait3A_75] : memref<3x128xi32, #tpu.memory_space<vmem>> -> memref<1x128xi32, #tpu.memory_space<vmem>>
    %dma_wait3A_77 = tpu.memref_squeeze %dma_wait3A_76 : memref<1x128xi32, #tpu.memory_space<vmem>> -> memref<128xi32, #tpu.memory_space<vmem>>
    %dma_wait3A_78 = arith.constant 0 : i32
    %dma_wait3A_79 = arith.constant 0 : i32
    %dma_wait3A_80 = tpu.memref_slice %arg2[%dma_wait3A_78, %dma_wait3A_79] : memref<10000x128xf32, #tpu.memory_space<hbm>> -> memref<10000x128xf32, #tpu.memory_space<hbm>>
    tpu.wait_indirect_dma semaphore(%arg18 : memref<!tpu.dma_semaphore, #tpu.memory_space<semaphore_mem>>) src(%dma_wait3A_80 : memref<10000x128xf32, #tpu.memory_space<hbm>>) dst(%arg12 : memref<128x128xf32, #tpu.memory_space<vmem>>)
    %dma_start3A_81 = arith.constant 1 : i32
    %dma_start3A_82 = arith.constant 0 : i32
    %dma_start3A_83 = tpu.memref_slice %arg9[%dma_start3A_81, %dma_start3A_82] : memref<3x128xi32, #tpu.memory_space<vmem>> -> memref<1x128xi32, #tpu.memory_space<vmem>>
    %dma_start3A_84 = tpu.memref_squeeze %dma_start3A_83 : memref<1x128xi32, #tpu.memory_space<vmem>> -> memref<128xi32, #tpu.memory_space<vmem>>
    %dma_start3A_85 = arith.constant 0 : i32
    %dma_start3A_86 = arith.constant 0 : i32
    %dma_start3A_87 = tpu.memref_slice %arg14[%dma_start3A_85, %dma_start3A_86] : memref<10016x128xf32, #tpu.memory_space<vmem_shared>> -> memref<10016x128xf32, #tpu.memory_space<vmem_shared>>
    tpu.enqueue_indirect_dma source(%arg12 : memref<128x128xf32, #tpu.memory_space<vmem>>) target(%dma_start3A_87 : memref<10016x128xf32, #tpu.memory_space<vmem_shared>>) offsets(%dma_start3A_84 : memref<128xi32, #tpu.memory_space<vmem>>) semaphore(%arg21 : memref<!tpu.dma_semaphore, #tpu.memory_space<semaphore_mem>>) {add = true}
    %dma_wait3A_88 = arith.constant 2 : i32
    %dma_wait3A_89 = arith.constant 0 : i32
    %dma_wait3A_90 = tpu.memref_slice %arg7[%dma_wait3A_88, %dma_wait3A_89] : memref<3x128xi32, #tpu.memory_space<vmem>> -> memref<1x128xi32, #tpu.memory_space<vmem>>
    %dma_wait3A_91 = tpu.memref_squeeze %dma_wait3A_90 : memref<1x128xi32, #tpu.memory_space<vmem>> -> memref<128xi32, #tpu.memory_space<vmem>>
    %dma_wait3A_92 = arith.constant 0 : i32
    %dma_wait3A_93 = arith.constant 0 : i32
    %dma_wait3A_94 = tpu.memref_slice %arg2[%dma_wait3A_92, %dma_wait3A_93] : memref<10000x128xf32, #tpu.memory_space<hbm>> -> memref<10000x128xf32, #tpu.memory_space<hbm>>
    tpu.wait_indirect_dma semaphore(%arg19 : memref<!tpu.dma_semaphore, #tpu.memory_space<semaphore_mem>>) src(%dma_wait3A_94 : memref<10000x128xf32, #tpu.memory_space<hbm>>) dst(%arg13 : memref<128x128xf32, #tpu.memory_space<vmem>>)
    %dma_start3A_95 = arith.constant 2 : i32
    %dma_start3A_96 = arith.constant 0 : i32
    %dma_start3A_97 = tpu.memref_slice %arg9[%dma_start3A_95, %dma_start3A_96] : memref<3x128xi32, #tpu.memory_space<vmem>> -> memref<1x128xi32, #tpu.memory_space<vmem>>
    %dma_start3A_98 = tpu.memref_squeeze %dma_start3A_97 : memref<1x128xi32, #tpu.memory_space<vmem>> -> memref<128xi32, #tpu.memory_space<vmem>>
    %dma_start3A_99 = arith.constant 0 : i32
    %dma_start3A_100 = arith.constant 0 : i32
    %dma_start3A_101 = tpu.memref_slice %arg14[%dma_start3A_99, %dma_start3A_100] : memref<10016x128xf32, #tpu.memory_space<vmem_shared>> -> memref<10016x128xf32, #tpu.memory_space<vmem_shared>>
    tpu.enqueue_indirect_dma source(%arg13 : memref<128x128xf32, #tpu.memory_space<vmem>>) target(%dma_start3A_101 : memref<10016x128xf32, #tpu.memory_space<vmem_shared>>) offsets(%dma_start3A_98 : memref<128xi32, #tpu.memory_space<vmem>>) semaphore(%arg22 : memref<!tpu.dma_semaphore, #tpu.memory_space<semaphore_mem>>) {add = true}
    %scan3A = arith.constant 0 : i32
    %scan3A_102 = arith.constant 13 : i32
    %scan3A_103 = arith.addi %scan3A, %scan3A_102 : i32
    %scan3A_104 = arith.constant 1 : i32
    scf.for %scan3A_137 = %scan3A to %scan3A_103 step %scan3A_104  : i32 {
      %mul3A_138 = arith.constant 2 : i32
      %mul3A_139 = arith.muli %mul3A_138, %scan3A_137 : i32
      %add3A_140 = arith.constant 1 : i32
      %add3A_141 = arith.addi %add3A_140, %mul3A_139 : i32
      %dma_wait3A_142 = arith.constant 0 : i32
      %dma_wait3A_143 = arith.constant 0 : i32
      %dma_wait3A_144 = tpu.memref_slice %arg3[%dma_wait3A_142, %dma_wait3A_143] : memref<2592x128xi32, #tpu.memory_space<hbm>> -> memref<3x128xi32, #tpu.memory_space<hbm>>
      %dma_wait3A_145 = arith.constant 0 : i32
      %dma_wait3A_146 = arith.constant 0 : i32
      %dma_wait3A_147 = tpu.memref_slice %arg3[%dma_wait3A_145, %dma_wait3A_146] : memref<2592x128xi32, #tpu.memory_space<hbm>> -> memref<3x128xi32, #tpu.memory_space<hbm>>
      tpu.wait_dma2 semaphore(%arg16 : memref<!tpu.dma_semaphore, #tpu.memory_space<semaphore_mem>>) src(%dma_wait3A_147 : memref<3x128xi32, #tpu.memory_space<hbm>>) dst(%arg8 : memref<3x128xi32, #tpu.memory_space<vmem>>)
      %dma_wait3A_148 = arith.constant 0 : i32
      %dma_wait3A_149 = arith.constant 0 : i32
      %dma_wait3A_150 = tpu.memref_slice %arg4[%dma_wait3A_148, %dma_wait3A_149] : memref<2592x128xi32, #tpu.memory_space<hbm>> -> memref<3x128xi32, #tpu.memory_space<hbm>>
      %dma_wait3A_151 = arith.constant 0 : i32
      %dma_wait3A_152 = arith.constant 0 : i32
      %dma_wait3A_153 = tpu.memref_slice %arg4[%dma_wait3A_151, %dma_wait3A_152] : memref<2592x128xi32, #tpu.memory_space<hbm>> -> memref<3x128xi32, #tpu.memory_space<hbm>>
      tpu.wait_dma2 semaphore(%arg16 : memref<!tpu.dma_semaphore, #tpu.memory_space<semaphore_mem>>) src(%dma_wait3A_153 : memref<3x128xi32, #tpu.memory_space<hbm>>) dst(%arg10 : memref<3x128xi32, #tpu.memory_space<vmem>>)
      %dma_wait3A_154 = arith.constant 0 : i32
      %dma_wait3A_155 = arith.constant 0 : i32
      %dma_wait3A_156 = tpu.memref_slice %arg9[%dma_wait3A_154, %dma_wait3A_155] : memref<3x128xi32, #tpu.memory_space<vmem>> -> memref<1x128xi32, #tpu.memory_space<vmem>>
      %dma_wait3A_157 = tpu.memref_squeeze %dma_wait3A_156 : memref<1x128xi32, #tpu.memory_space<vmem>> -> memref<128xi32, #tpu.memory_space<vmem>>
      %dma_wait3A_158 = arith.constant 0 : i32
      %dma_wait3A_159 = arith.constant 0 : i32
      %dma_wait3A_160 = tpu.memref_slice %arg14[%dma_wait3A_158, %dma_wait3A_159] : memref<10016x128xf32, #tpu.memory_space<vmem_shared>> -> memref<10016x128xf32, #tpu.memory_space<vmem_shared>>
      tpu.wait_indirect_dma semaphore(%arg20 : memref<!tpu.dma_semaphore, #tpu.memory_space<semaphore_mem>>) src(%arg11 : memref<128x128xf32, #tpu.memory_space<vmem>>) dst(%dma_wait3A_160 : memref<10016x128xf32, #tpu.memory_space<vmem_shared>>)
      %dma_start3A_161 = arith.constant 0 : i32
      %dma_start3A_162 = arith.constant 0 : i32
      %dma_start3A_163 = tpu.memref_slice %arg8[%dma_start3A_161, %dma_start3A_162] : memref<3x128xi32, #tpu.memory_space<vmem>> -> memref<1x128xi32, #tpu.memory_space<vmem>>
      %dma_start3A_164 = tpu.memref_squeeze %dma_start3A_163 : memref<1x128xi32, #tpu.memory_space<vmem>> -> memref<128xi32, #tpu.memory_space<vmem>>
      %dma_start3A_165 = arith.constant 0 : i32
      %dma_start3A_166 = arith.constant 0 : i32
      %dma_start3A_167 = tpu.memref_slice %arg2[%dma_start3A_165, %dma_start3A_166] : memref<10000x128xf32, #tpu.memory_space<hbm>> -> memref<10000x128xf32, #tpu.memory_space<hbm>>
      tpu.enqueue_indirect_dma source(%dma_start3A_167 : memref<10000x128xf32, #tpu.memory_space<hbm>>) target(%arg11 : memref<128x128xf32, #tpu.memory_space<vmem>>) offsets(%dma_start3A_164 : memref<128xi32, #tpu.memory_space<vmem>>) semaphore(%arg17 : memref<!tpu.dma_semaphore, #tpu.memory_space<semaphore_mem>>)
      %dma_wait3A_168 = arith.constant 1 : i32
      %dma_wait3A_169 = arith.constant 0 : i32
      %dma_wait3A_170 = tpu.memref_slice %arg9[%dma_wait3A_168, %dma_wait3A_169] : memref<3x128xi32, #tpu.memory_space<vmem>> -> memref<1x128xi32, #tpu.memory_space<vmem>>
      %dma_wait3A_171 = tpu.memref_squeeze %dma_wait3A_170 : memref<1x128xi32, #tpu.memory_space<vmem>> -> memref<128xi32, #tpu.memory_space<vmem>>
      %dma_wait3A_172 = arith.constant 0 : i32
      %dma_wait3A_173 = arith.constant 0 : i32
      %dma_wait3A_174 = tpu.memref_slice %arg14[%dma_wait3A_172, %dma_wait3A_173] : memref<10016x128xf32, #tpu.memory_space<vmem_shared>> -> memref<10016x128xf32, #tpu.memory_space<vmem_shared>>
      tpu.wait_indirect_dma semaphore(%arg21 : memref<!tpu.dma_semaphore, #tpu.memory_space<semaphore_mem>>) src(%arg12 : memref<128x128xf32, #tpu.memory_space<vmem>>) dst(%dma_wait3A_174 : memref<10016x128xf32, #tpu.memory_space<vmem_shared>>)
      %dma_start3A_175 = arith.constant 1 : i32
      %dma_start3A_176 = arith.constant 0 : i32
      %dma_start3A_177 = tpu.memref_slice %arg8[%dma_start3A_175, %dma_start3A_176] : memref<3x128xi32, #tpu.memory_space<vmem>> -> memref<1x128xi32, #tpu.memory_space<vmem>>
      %dma_start3A_178 = tpu.memref_squeeze %dma_start3A_177 : memref<1x128xi32, #tpu.memory_space<vmem>> -> memref<128xi32, #tpu.memory_space<vmem>>
      %dma_start3A_179 = arith.constant 0 : i32
      %dma_start3A_180 = arith.constant 0 : i32
      %dma_start3A_181 = tpu.memref_slice %arg2[%dma_start3A_179, %dma_start3A_180] : memref<10000x128xf32, #tpu.memory_space<hbm>> -> memref<10000x128xf32, #tpu.memory_space<hbm>>
      tpu.enqueue_indirect_dma source(%dma_start3A_181 : memref<10000x128xf32, #tpu.memory_space<hbm>>) target(%arg12 : memref<128x128xf32, #tpu.memory_space<vmem>>) offsets(%dma_start3A_178 : memref<128xi32, #tpu.memory_space<vmem>>) semaphore(%arg18 : memref<!tpu.dma_semaphore, #tpu.memory_space<semaphore_mem>>)
      %dma_wait3A_182 = arith.constant 2 : i32
      %dma_wait3A_183 = arith.constant 0 : i32
      %dma_wait3A_184 = tpu.memref_slice %arg9[%dma_wait3A_182, %dma_wait3A_183] : memref<3x128xi32, #tpu.memory_space<vmem>> -> memref<1x128xi32, #tpu.memory_space<vmem>>
      %dma_wait3A_185 = tpu.memref_squeeze %dma_wait3A_184 : memref<1x128xi32, #tpu.memory_space<vmem>> -> memref<128xi32, #tpu.memory_space<vmem>>
      %dma_wait3A_186 = arith.constant 0 : i32
      %dma_wait3A_187 = arith.constant 0 : i32
      %dma_wait3A_188 = tpu.memref_slice %arg14[%dma_wait3A_186, %dma_wait3A_187] : memref<10016x128xf32, #tpu.memory_space<vmem_shared>> -> memref<10016x128xf32, #tpu.memory_space<vmem_shared>>
      tpu.wait_indirect_dma semaphore(%arg22 : memref<!tpu.dma_semaphore, #tpu.memory_space<semaphore_mem>>) src(%arg13 : memref<128x128xf32, #tpu.memory_space<vmem>>) dst(%dma_wait3A_188 : memref<10016x128xf32, #tpu.memory_space<vmem_shared>>)
      %dma_start3A_189 = arith.constant 2 : i32
      %dma_start3A_190 = arith.constant 0 : i32
      %dma_start3A_191 = tpu.memref_slice %arg8[%dma_start3A_189, %dma_start3A_190] : memref<3x128xi32, #tpu.memory_space<vmem>> -> memref<1x128xi32, #tpu.memory_space<vmem>>
      %dma_start3A_192 = tpu.memref_squeeze %dma_start3A_191 : memref<1x128xi32, #tpu.memory_space<vmem>> -> memref<128xi32, #tpu.memory_space<vmem>>
      %dma_start3A_193 = arith.constant 0 : i32
      %dma_start3A_194 = arith.constant 0 : i32
      %dma_start3A_195 = tpu.memref_slice %arg2[%dma_start3A_193, %dma_start3A_194] : memref<10000x128xf32, #tpu.memory_space<hbm>> -> memref<10000x128xf32, #tpu.memory_space<hbm>>
      tpu.enqueue_indirect_dma source(%dma_start3A_195 : memref<10000x128xf32, #tpu.memory_space<hbm>>) target(%arg13 : memref<128x128xf32, #tpu.memory_space<vmem>>) offsets(%dma_start3A_192 : memref<128xi32, #tpu.memory_space<vmem>>) semaphore(%arg19 : memref<!tpu.dma_semaphore, #tpu.memory_space<semaphore_mem>>)
      %add3A_196 = arith.constant 1 : i32
      %add3A_197 = arith.addi %add3A_141, %add3A_196 : i32
      %lt3A = arith.constant 27 : i32
      %lt3A_198 = arith.cmpi slt, %add3A_197, %lt3A : i32
      %convert_element_type3A_199 = arith.extui %lt3A_198 : i1 to i32
      %cond3A_200 = arith.constant 0 : i32
      %cond3A_201 = arith.cmpi ne, %convert_element_type3A_199, %cond3A_200 : i32
      scf.if %cond3A_201 {
        %add3A_349 = arith.constant 1 : i32
        %add3A_350 = arith.addi %add3A_141, %add3A_349 : i32
        %mul3A_351 = arith.constant 81 : i32
        %mul3A_352 = arith.muli %add3A, %mul3A_351 : i32
        %mul3A_353 = arith.constant 3 : i32
        %mul3A_354 = arith.muli %add3A_350, %mul3A_353 : i32
        %add3A_355 = arith.addi %mul3A_352, %mul3A_354 : i32
        %dma_start3A_356 = arith.constant 0 : i32
        %dma_start3A_357 = tpu.memref_slice %arg3[%add3A_355, %dma_start3A_356] : memref<2592x128xi32, #tpu.memory_space<hbm>> -> memref<3x128xi32, #tpu.memory_space<hbm>>
        %dma_start3A_358 = arith.constant 0 : i32
        %dma_start3A_359 = tpu.memref_slice %arg3[%add3A_355, %dma_start3A_358] : memref<2592x128xi32, #tpu.memory_space<hbm>> -> memref<3x128xi32, #tpu.memory_space<hbm>>
        tpu.enqueue_dma source(%dma_start3A_359 : memref<3x128xi32, #tpu.memory_space<hbm>>) target(%arg7 : memref<3x128xi32, #tpu.memory_space<vmem>>) target_semaphore(%arg15 : memref<!tpu.dma_semaphore, #tpu.memory_space<semaphore_mem>>)
        %dma_start3A_360 = arith.constant 0 : i32
        %dma_start3A_361 = tpu.memref_slice %arg4[%add3A_355, %dma_start3A_360] : memref<2592x128xi32, #tpu.memory_space<hbm>> -> memref<3x128xi32, #tpu.memory_space<hbm>>
        %dma_start3A_362 = arith.constant 0 : i32
        %dma_start3A_363 = tpu.memref_slice %arg4[%add3A_355, %dma_start3A_362] : memref<2592x128xi32, #tpu.memory_space<hbm>> -> memref<3x128xi32, #tpu.memory_space<hbm>>
        tpu.enqueue_dma source(%dma_start3A_363 : memref<3x128xi32, #tpu.memory_space<hbm>>) target(%arg9 : memref<3x128xi32, #tpu.memory_space<vmem>>) target_semaphore(%arg15 : memref<!tpu.dma_semaphore, #tpu.memory_space<semaphore_mem>>)
      } else {
      }
      %dma_wait3A_202 = arith.constant 0 : i32
      %dma_wait3A_203 = arith.constant 0 : i32
      %dma_wait3A_204 = tpu.memref_slice %arg8[%dma_wait3A_202, %dma_wait3A_203] : memref<3x128xi32, #tpu.memory_space<vmem>> -> memref<1x128xi32, #tpu.memory_space<vmem>>
      %dma_wait3A_205 = tpu.memref_squeeze %dma_wait3A_204 : memref<1x128xi32, #tpu.memory_space<vmem>> -> memref<128xi32, #tpu.memory_space<vmem>>
      %dma_wait3A_206 = arith.constant 0 : i32
      %dma_wait3A_207 = arith.constant 0 : i32
      %dma_wait3A_208 = tpu.memref_slice %arg2[%dma_wait3A_206, %dma_wait3A_207] : memref<10000x128xf32, #tpu.memory_space<hbm>> -> memref<10000x128xf32, #tpu.memory_space<hbm>>
      tpu.wait_indirect_dma semaphore(%arg17 : memref<!tpu.dma_semaphore, #tpu.memory_space<semaphore_mem>>) src(%dma_wait3A_208 : memref<10000x128xf32, #tpu.memory_space<hbm>>) dst(%arg11 : memref<128x128xf32, #tpu.memory_space<vmem>>)
      %dma_start3A_209 = arith.constant 0 : i32
      %dma_start3A_210 = arith.constant 0 : i32
      %dma_start3A_211 = tpu.memref_slice %arg10[%dma_start3A_209, %dma_start3A_210] : memref<3x128xi32, #tpu.memory_space<vmem>> -> memref<1x128xi32, #tpu.memory_space<vmem>>
      %dma_start3A_212 = tpu.memref_squeeze %dma_start3A_211 : memref<1x128xi32, #tpu.memory_space<vmem>> -> memref<128xi32, #tpu.memory_space<vmem>>
      %dma_start3A_213 = arith.constant 0 : i32
      %dma_start3A_214 = arith.constant 0 : i32
      %dma_start3A_215 = tpu.memref_slice %arg14[%dma_start3A_213, %dma_start3A_214] : memref<10016x128xf32, #tpu.memory_space<vmem_shared>> -> memref<10016x128xf32, #tpu.memory_space<vmem_shared>>
      tpu.enqueue_indirect_dma source(%arg11 : memref<128x128xf32, #tpu.memory_space<vmem>>) target(%dma_start3A_215 : memref<10016x128xf32, #tpu.memory_space<vmem_shared>>) offsets(%dma_start3A_212 : memref<128xi32, #tpu.memory_space<vmem>>) semaphore(%arg20 : memref<!tpu.dma_semaphore, #tpu.memory_space<semaphore_mem>>) {add = true}
      %dma_wait3A_216 = arith.constant 1 : i32
      %dma_wait3A_217 = arith.constant 0 : i32
      %dma_wait3A_218 = tpu.memref_slice %arg8[%dma_wait3A_216, %dma_wait3A_217] : memref<3x128xi32, #tpu.memory_space<vmem>> -> memref<1x128xi32, #tpu.memory_space<vmem>>
      %dma_wait3A_219 = tpu.memref_squeeze %dma_wait3A_218 : memref<1x128xi32, #tpu.memory_space<vmem>> -> memref<128xi32, #tpu.memory_space<vmem>>
      %dma_wait3A_220 = arith.constant 0 : i32
      %dma_wait3A_221 = arith.constant 0 : i32
      %dma_wait3A_222 = tpu.memref_slice %arg2[%dma_wait3A_220, %dma_wait3A_221] : memref<10000x128xf32, #tpu.memory_space<hbm>> -> memref<10000x128xf32, #tpu.memory_space<hbm>>
      tpu.wait_indirect_dma semaphore(%arg18 : memref<!tpu.dma_semaphore, #tpu.memory_space<semaphore_mem>>) src(%dma_wait3A_222 : memref<10000x128xf32, #tpu.memory_space<hbm>>) dst(%arg12 : memref<128x128xf32, #tpu.memory_space<vmem>>)
      %dma_start3A_223 = arith.constant 1 : i32
      %dma_start3A_224 = arith.constant 0 : i32
      %dma_start3A_225 = tpu.memref_slice %arg10[%dma_start3A_223, %dma_start3A_224] : memref<3x128xi32, #tpu.memory_space<vmem>> -> memref<1x128xi32, #tpu.memory_space<vmem>>
      %dma_start3A_226 = tpu.memref_squeeze %dma_start3A_225 : memref<1x128xi32, #tpu.memory_space<vmem>> -> memref<128xi32, #tpu.memory_space<vmem>>
      %dma_start3A_227 = arith.constant 0 : i32
      %dma_start3A_228 = arith.constant 0 : i32
      %dma_start3A_229 = tpu.memref_slice %arg14[%dma_start3A_227, %dma_start3A_228] : memref<10016x128xf32, #tpu.memory_space<vmem_shared>> -> memref<10016x128xf32, #tpu.memory_space<vmem_shared>>
      tpu.enqueue_indirect_dma source(%arg12 : memref<128x128xf32, #tpu.memory_space<vmem>>) target(%dma_start3A_229 : memref<10016x128xf32, #tpu.memory_space<vmem_shared>>) offsets(%dma_start3A_226 : memref<128xi32, #tpu.memory_space<vmem>>) semaphore(%arg21 : memref<!tpu.dma_semaphore, #tpu.memory_space<semaphore_mem>>) {add = true}
      %dma_wait3A_230 = arith.constant 2 : i32
      %dma_wait3A_231 = arith.constant 0 : i32
      %dma_wait3A_232 = tpu.memref_slice %arg8[%dma_wait3A_230, %dma_wait3A_231] : memref<3x128xi32, #tpu.memory_space<vmem>> -> memref<1x128xi32, #tpu.memory_space<vmem>>
      %dma_wait3A_233 = tpu.memref_squeeze %dma_wait3A_232 : memref<1x128xi32, #tpu.memory_space<vmem>> -> memref<128xi32, #tpu.memory_space<vmem>>
      %dma_wait3A_234 = arith.constant 0 : i32
      %dma_wait3A_235 = arith.constant 0 : i32
      %dma_wait3A_236 = tpu.memref_slice %arg2[%dma_wait3A_234, %dma_wait3A_235] : memref<10000x128xf32, #tpu.memory_space<hbm>> -> memref<10000x128xf32, #tpu.memory_space<hbm>>
      tpu.wait_indirect_dma semaphore(%arg19 : memref<!tpu.dma_semaphore, #tpu.memory_space<semaphore_mem>>) src(%dma_wait3A_236 : memref<10000x128xf32, #tpu.memory_space<hbm>>) dst(%arg13 : memref<128x128xf32, #tpu.memory_space<vmem>>)
      %dma_start3A_237 = arith.constant 2 : i32
      %dma_start3A_238 = arith.constant 0 : i32
      %dma_start3A_239 = tpu.memref_slice %arg10[%dma_start3A_237, %dma_start3A_238] : memref<3x128xi32, #tpu.memory_space<vmem>> -> memref<1x128xi32, #tpu.memory_space<vmem>>
      %dma_start3A_240 = tpu.memref_squeeze %dma_start3A_239 : memref<1x128xi32, #tpu.memory_space<vmem>> -> memref<128xi32, #tpu.memory_space<vmem>>
      %dma_start3A_241 = arith.constant 0 : i32
      %dma_start3A_242 = arith.constant 0 : i32
      %dma_start3A_243 = tpu.memref_slice %arg14[%dma_start3A_241, %dma_start3A_242] : memref<10016x128xf32, #tpu.memory_space<vmem_shared>> -> memref<10016x128xf32, #tpu.memory_space<vmem_shared>>
      tpu.enqueue_indirect_dma source(%arg13 : memref<128x128xf32, #tpu.memory_space<vmem>>) target(%dma_start3A_243 : memref<10016x128xf32, #tpu.memory_space<vmem_shared>>) offsets(%dma_start3A_240 : memref<128xi32, #tpu.memory_space<vmem>>) semaphore(%arg22 : memref<!tpu.dma_semaphore, #tpu.memory_space<semaphore_mem>>) {add = true}
      %add3A_244 = arith.constant 1 : i32
      %add3A_245 = arith.addi %add3A_141, %add3A_244 : i32
      %dma_wait3A_246 = arith.constant 0 : i32
      %dma_wait3A_247 = arith.constant 0 : i32
      %dma_wait3A_248 = tpu.memref_slice %arg3[%dma_wait3A_246, %dma_wait3A_247] : memref<2592x128xi32, #tpu.memory_space<hbm>> -> memref<3x128xi32, #tpu.memory_space<hbm>>
      %dma_wait3A_249 = arith.constant 0 : i32
      %dma_wait3A_250 = arith.constant 0 : i32
      %dma_wait3A_251 = tpu.memref_slice %arg3[%dma_wait3A_249, %dma_wait3A_250] : memref<2592x128xi32, #tpu.memory_space<hbm>> -> memref<3x128xi32, #tpu.memory_space<hbm>>
      tpu.wait_dma2 semaphore(%arg15 : memref<!tpu.dma_semaphore, #tpu.memory_space<semaphore_mem>>) src(%dma_wait3A_251 : memref<3x128xi32, #tpu.memory_space<hbm>>) dst(%arg7 : memref<3x128xi32, #tpu.memory_space<vmem>>)
      %dma_wait3A_252 = arith.constant 0 : i32
      %dma_wait3A_253 = arith.constant 0 : i32
      %dma_wait3A_254 = tpu.memref_slice %arg4[%dma_wait3A_252, %dma_wait3A_253] : memref<2592x128xi32, #tpu.memory_space<hbm>> -> memref<3x128xi32, #tpu.memory_space<hbm>>
      %dma_wait3A_255 = arith.constant 0 : i32
      %dma_wait3A_256 = arith.constant 0 : i32
      %dma_wait3A_257 = tpu.memref_slice %arg4[%dma_wait3A_255, %dma_wait3A_256] : memref<2592x128xi32, #tpu.memory_space<hbm>> -> memref<3x128xi32, #tpu.memory_space<hbm>>
      tpu.wait_dma2 semaphore(%arg15 : memref<!tpu.dma_semaphore, #tpu.memory_space<semaphore_mem>>) src(%dma_wait3A_257 : memref<3x128xi32, #tpu.memory_space<hbm>>) dst(%arg9 : memref<3x128xi32, #tpu.memory_space<vmem>>)
      %dma_wait3A_258 = arith.constant 0 : i32
      %dma_wait3A_259 = arith.constant 0 : i32
      %dma_wait3A_260 = tpu.memref_slice %arg10[%dma_wait3A_258, %dma_wait3A_259] : memref<3x128xi32, #tpu.memory_space<vmem>> -> memref<1x128xi32, #tpu.memory_space<vmem>>
      %dma_wait3A_261 = tpu.memref_squeeze %dma_wait3A_260 : memref<1x128xi32, #tpu.memory_space<vmem>> -> memref<128xi32, #tpu.memory_space<vmem>>
      %dma_wait3A_262 = arith.constant 0 : i32
      %dma_wait3A_263 = arith.constant 0 : i32
      %dma_wait3A_264 = tpu.memref_slice %arg14[%dma_wait3A_262, %dma_wait3A_263] : memref<10016x128xf32, #tpu.memory_space<vmem_shared>> -> memref<10016x128xf32, #tpu.memory_space<vmem_shared>>
      tpu.wait_indirect_dma semaphore(%arg20 : memref<!tpu.dma_semaphore, #tpu.memory_space<semaphore_mem>>) src(%arg11 : memref<128x128xf32, #tpu.memory_space<vmem>>) dst(%dma_wait3A_264 : memref<10016x128xf32, #tpu.memory_space<vmem_shared>>)
      %dma_start3A_265 = arith.constant 0 : i32
      %dma_start3A_266 = arith.constant 0 : i32
      %dma_start3A_267 = tpu.memref_slice %arg7[%dma_start3A_265, %dma_start3A_266] : memref<3x128xi32, #tpu.memory_space<vmem>> -> memref<1x128xi32, #tpu.memory_space<vmem>>
      %dma_start3A_268 = tpu.memref_squeeze %dma_start3A_267 : memref<1x128xi32, #tpu.memory_space<vmem>> -> memref<128xi32, #tpu.memory_space<vmem>>
      %dma_start3A_269 = arith.constant 0 : i32
      %dma_start3A_270 = arith.constant 0 : i32
      %dma_start3A_271 = tpu.memref_slice %arg2[%dma_start3A_269, %dma_start3A_270] : memref<10000x128xf32, #tpu.memory_space<hbm>> -> memref<10000x128xf32, #tpu.memory_space<hbm>>
      tpu.enqueue_indirect_dma source(%dma_start3A_271 : memref<10000x128xf32, #tpu.memory_space<hbm>>) target(%arg11 : memref<128x128xf32, #tpu.memory_space<vmem>>) offsets(%dma_start3A_268 : memref<128xi32, #tpu.memory_space<vmem>>) semaphore(%arg17 : memref<!tpu.dma_semaphore, #tpu.memory_space<semaphore_mem>>)
      %dma_wait3A_272 = arith.constant 1 : i32
      %dma_wait3A_273 = arith.constant 0 : i32
      %dma_wait3A_274 = tpu.memref_slice %arg10[%dma_wait3A_272, %dma_wait3A_273] : memref<3x128xi32, #tpu.memory_space<vmem>> -> memref<1x128xi32, #tpu.memory_space<vmem>>
      %dma_wait3A_275 = tpu.memref_squeeze %dma_wait3A_274 : memref<1x128xi32, #tpu.memory_space<vmem>> -> memref<128xi32, #tpu.memory_space<vmem>>
      %dma_wait3A_276 = arith.constant 0 : i32
      %dma_wait3A_277 = arith.constant 0 : i32
      %dma_wait3A_278 = tpu.memref_slice %arg14[%dma_wait3A_276, %dma_wait3A_277] : memref<10016x128xf32, #tpu.memory_space<vmem_shared>> -> memref<10016x128xf32, #tpu.memory_space<vmem_shared>>
      tpu.wait_indirect_dma semaphore(%arg21 : memref<!tpu.dma_semaphore, #tpu.memory_space<semaphore_mem>>) src(%arg12 : memref<128x128xf32, #tpu.memory_space<vmem>>) dst(%dma_wait3A_278 : memref<10016x128xf32, #tpu.memory_space<vmem_shared>>)
      %dma_start3A_279 = arith.constant 1 : i32
      %dma_start3A_280 = arith.constant 0 : i32
      %dma_start3A_281 = tpu.memref_slice %arg7[%dma_start3A_279, %dma_start3A_280] : memref<3x128xi32, #tpu.memory_space<vmem>> -> memref<1x128xi32, #tpu.memory_space<vmem>>
      %dma_start3A_282 = tpu.memref_squeeze %dma_start3A_281 : memref<1x128xi32, #tpu.memory_space<vmem>> -> memref<128xi32, #tpu.memory_space<vmem>>
      %dma_start3A_283 = arith.constant 0 : i32
      %dma_start3A_284 = arith.constant 0 : i32
      %dma_start3A_285 = tpu.memref_slice %arg2[%dma_start3A_283, %dma_start3A_284] : memref<10000x128xf32, #tpu.memory_space<hbm>> -> memref<10000x128xf32, #tpu.memory_space<hbm>>
      tpu.enqueue_indirect_dma source(%dma_start3A_285 : memref<10000x128xf32, #tpu.memory_space<hbm>>) target(%arg12 : memref<128x128xf32, #tpu.memory_space<vmem>>) offsets(%dma_start3A_282 : memref<128xi32, #tpu.memory_space<vmem>>) semaphore(%arg18 : memref<!tpu.dma_semaphore, #tpu.memory_space<semaphore_mem>>)
      %dma_wait3A_286 = arith.constant 2 : i32
      %dma_wait3A_287 = arith.constant 0 : i32
      %dma_wait3A_288 = tpu.memref_slice %arg10[%dma_wait3A_286, %dma_wait3A_287] : memref<3x128xi32, #tpu.memory_space<vmem>> -> memref<1x128xi32, #tpu.memory_space<vmem>>
      %dma_wait3A_289 = tpu.memref_squeeze %dma_wait3A_288 : memref<1x128xi32, #tpu.memory_space<vmem>> -> memref<128xi32, #tpu.memory_space<vmem>>
      %dma_wait3A_290 = arith.constant 0 : i32
      %dma_wait3A_291 = arith.constant 0 : i32
      %dma_wait3A_292 = tpu.memref_slice %arg14[%dma_wait3A_290, %dma_wait3A_291] : memref<10016x128xf32, #tpu.memory_space<vmem_shared>> -> memref<10016x128xf32, #tpu.memory_space<vmem_shared>>
      tpu.wait_indirect_dma semaphore(%arg22 : memref<!tpu.dma_semaphore, #tpu.memory_space<semaphore_mem>>) src(%arg13 : memref<128x128xf32, #tpu.memory_space<vmem>>) dst(%dma_wait3A_292 : memref<10016x128xf32, #tpu.memory_space<vmem_shared>>)
      %dma_start3A_293 = arith.constant 2 : i32
      %dma_start3A_294 = arith.constant 0 : i32
      %dma_start3A_295 = tpu.memref_slice %arg7[%dma_start3A_293, %dma_start3A_294] : memref<3x128xi32, #tpu.memory_space<vmem>> -> memref<1x128xi32, #tpu.memory_space<vmem>>
      %dma_start3A_296 = tpu.memref_squeeze %dma_start3A_295 : memref<1x128xi32, #tpu.memory_space<vmem>> -> memref<128xi32, #tpu.memory_space<vmem>>
      %dma_start3A_297 = arith.constant 0 : i32
      %dma_start3A_298 = arith.constant 0 : i32
      %dma_start3A_299 = tpu.memref_slice %arg2[%dma_start3A_297, %dma_start3A_298] : memref<10000x128xf32, #tpu.memory_space<hbm>> -> memref<10000x128xf32, #tpu.memory_space<hbm>>
      tpu.enqueue_indirect_dma source(%dma_start3A_299 : memref<10000x128xf32, #tpu.memory_space<hbm>>) target(%arg13 : memref<128x128xf32, #tpu.memory_space<vmem>>) offsets(%dma_start3A_296 : memref<128xi32, #tpu.memory_space<vmem>>) semaphore(%arg19 : memref<!tpu.dma_semaphore, #tpu.memory_space<semaphore_mem>>)
      %add3A_300 = arith.constant 1 : i32
      %add3A_301 = arith.addi %add3A_245, %add3A_300 : i32
      %lt3A_302 = arith.constant 27 : i32
      %lt3A_303 = arith.cmpi slt, %add3A_301, %lt3A_302 : i32
      %convert_element_type3A_304 = arith.extui %lt3A_303 : i1 to i32
      %cond3A_305 = arith.constant 0 : i32
      %cond3A_306 = arith.cmpi ne, %convert_element_type3A_304, %cond3A_305 : i32
      scf.if %cond3A_306 {
        %add3A_349 = arith.constant 1 : i32
        %add3A_350 = arith.addi %add3A_245, %add3A_349 : i32
        %mul3A_351 = arith.constant 81 : i32
        %mul3A_352 = arith.muli %add3A, %mul3A_351 : i32
        %mul3A_353 = arith.constant 3 : i32
        %mul3A_354 = arith.muli %add3A_350, %mul3A_353 : i32
        %add3A_355 = arith.addi %mul3A_352, %mul3A_354 : i32
        %dma_start3A_356 = arith.constant 0 : i32
        %dma_start3A_357 = tpu.memref_slice %arg3[%add3A_355, %dma_start3A_356] : memref<2592x128xi32, #tpu.memory_space<hbm>> -> memref<3x128xi32, #tpu.memory_space<hbm>>
        %dma_start3A_358 = arith.constant 0 : i32
        %dma_start3A_359 = tpu.memref_slice %arg3[%add3A_355, %dma_start3A_358] : memref<2592x128xi32, #tpu.memory_space<hbm>> -> memref<3x128xi32, #tpu.memory_space<hbm>>
        tpu.enqueue_dma source(%dma_start3A_359 : memref<3x128xi32, #tpu.memory_space<hbm>>) target(%arg8 : memref<3x128xi32, #tpu.memory_space<vmem>>) target_semaphore(%arg16 : memref<!tpu.dma_semaphore, #tpu.memory_space<semaphore_mem>>)
        %dma_start3A_360 = arith.constant 0 : i32
        %dma_start3A_361 = tpu.memref_slice %arg4[%add3A_355, %dma_start3A_360] : memref<2592x128xi32, #tpu.memory_space<hbm>> -> memref<3x128xi32, #tpu.memory_space<hbm>>
        %dma_start3A_362 = arith.constant 0 : i32
        %dma_start3A_363 = tpu.memref_slice %arg4[%add3A_355, %dma_start3A_362] : memref<2592x128xi32, #tpu.memory_space<hbm>> -> memref<3x128xi32, #tpu.memory_space<hbm>>
        tpu.enqueue_dma source(%dma_start3A_363 : memref<3x128xi32, #tpu.memory_space<hbm>>) target(%arg10 : memref<3x128xi32, #tpu.memory_space<vmem>>) target_semaphore(%arg16 : memref<!tpu.dma_semaphore, #tpu.memory_space<semaphore_mem>>)
      } else {
      }
      %dma_wait3A_307 = arith.constant 0 : i32
      %dma_wait3A_308 = arith.constant 0 : i32
      %dma_wait3A_309 = tpu.memref_slice %arg7[%dma_wait3A_307, %dma_wait3A_308] : memref<3x128xi32, #tpu.memory_space<vmem>> -> memref<1x128xi32, #tpu.memory_space<vmem>>
      %dma_wait3A_310 = tpu.memref_squeeze %dma_wait3A_309 : memref<1x128xi32, #tpu.memory_space<vmem>> -> memref<128xi32, #tpu.memory_space<vmem>>
      %dma_wait3A_311 = arith.constant 0 : i32
      %dma_wait3A_312 = arith.constant 0 : i32
      %dma_wait3A_313 = tpu.memref_slice %arg2[%dma_wait3A_311, %dma_wait3A_312] : memref<10000x128xf32, #tpu.memory_space<hbm>> -> memref<10000x128xf32, #tpu.memory_space<hbm>>
      tpu.wait_indirect_dma semaphore(%arg17 : memref<!tpu.dma_semaphore, #tpu.memory_space<semaphore_mem>>) src(%dma_wait3A_313 : memref<10000x128xf32, #tpu.memory_space<hbm>>) dst(%arg11 : memref<128x128xf32, #tpu.memory_space<vmem>>)
      %dma_start3A_314 = arith.constant 0 : i32
      %dma_start3A_315 = arith.constant 0 : i32
      %dma_start3A_316 = tpu.memref_slice %arg9[%dma_start3A_314, %dma_start3A_315] : memref<3x128xi32, #tpu.memory_space<vmem>> -> memref<1x128xi32, #tpu.memory_space<vmem>>
      %dma_start3A_317 = tpu.memref_squeeze %dma_start3A_316 : memref<1x128xi32, #tpu.memory_space<vmem>> -> memref<128xi32, #tpu.memory_space<vmem>>
      %dma_start3A_318 = arith.constant 0 : i32
      %dma_start3A_319 = arith.constant 0 : i32
      %dma_start3A_320 = tpu.memref_slice %arg14[%dma_start3A_318, %dma_start3A_319] : memref<10016x128xf32, #tpu.memory_space<vmem_shared>> -> memref<10016x128xf32, #tpu.memory_space<vmem_shared>>
      tpu.enqueue_indirect_dma source(%arg11 : memref<128x128xf32, #tpu.memory_space<vmem>>) target(%dma_start3A_320 : memref<10016x128xf32, #tpu.memory_space<vmem_shared>>) offsets(%dma_start3A_317 : memref<128xi32, #tpu.memory_space<vmem>>) semaphore(%arg20 : memref<!tpu.dma_semaphore, #tpu.memory_space<semaphore_mem>>) {add = true}
      %dma_wait3A_321 = arith.constant 1 : i32
      %dma_wait3A_322 = arith.constant 0 : i32
      %dma_wait3A_323 = tpu.memref_slice %arg7[%dma_wait3A_321, %dma_wait3A_322] : memref<3x128xi32, #tpu.memory_space<vmem>> -> memref<1x128xi32, #tpu.memory_space<vmem>>
      %dma_wait3A_324 = tpu.memref_squeeze %dma_wait3A_323 : memref<1x128xi32, #tpu.memory_space<vmem>> -> memref<128xi32, #tpu.memory_space<vmem>>
      %dma_wait3A_325 = arith.constant 0 : i32
      %dma_wait3A_326 = arith.constant 0 : i32
      %dma_wait3A_327 = tpu.memref_slice %arg2[%dma_wait3A_325, %dma_wait3A_326] : memref<10000x128xf32, #tpu.memory_space<hbm>> -> memref<10000x128xf32, #tpu.memory_space<hbm>>
      tpu.wait_indirect_dma semaphore(%arg18 : memref<!tpu.dma_semaphore, #tpu.memory_space<semaphore_mem>>) src(%dma_wait3A_327 : memref<10000x128xf32, #tpu.memory_space<hbm>>) dst(%arg12 : memref<128x128xf32, #tpu.memory_space<vmem>>)
      %dma_start3A_328 = arith.constant 1 : i32
      %dma_start3A_329 = arith.constant 0 : i32
      %dma_start3A_330 = tpu.memref_slice %arg9[%dma_start3A_328, %dma_start3A_329] : memref<3x128xi32, #tpu.memory_space<vmem>> -> memref<1x128xi32, #tpu.memory_space<vmem>>
      %dma_start3A_331 = tpu.memref_squeeze %dma_start3A_330 : memref<1x128xi32, #tpu.memory_space<vmem>> -> memref<128xi32, #tpu.memory_space<vmem>>
      %dma_start3A_332 = arith.constant 0 : i32
      %dma_start3A_333 = arith.constant 0 : i32
      %dma_start3A_334 = tpu.memref_slice %arg14[%dma_start3A_332, %dma_start3A_333] : memref<10016x128xf32, #tpu.memory_space<vmem_shared>> -> memref<10016x128xf32, #tpu.memory_space<vmem_shared>>
      tpu.enqueue_indirect_dma source(%arg12 : memref<128x128xf32, #tpu.memory_space<vmem>>) target(%dma_start3A_334 : memref<10016x128xf32, #tpu.memory_space<vmem_shared>>) offsets(%dma_start3A_331 : memref<128xi32, #tpu.memory_space<vmem>>) semaphore(%arg21 : memref<!tpu.dma_semaphore, #tpu.memory_space<semaphore_mem>>) {add = true}
      %dma_wait3A_335 = arith.constant 2 : i32
      %dma_wait3A_336 = arith.constant 0 : i32
      %dma_wait3A_337 = tpu.memref_slice %arg7[%dma_wait3A_335, %dma_wait3A_336] : memref<3x128xi32, #tpu.memory_space<vmem>> -> memref<1x128xi32, #tpu.memory_space<vmem>>
      %dma_wait3A_338 = tpu.memref_squeeze %dma_wait3A_337 : memref<1x128xi32, #tpu.memory_space<vmem>> -> memref<128xi32, #tpu.memory_space<vmem>>
      %dma_wait3A_339 = arith.constant 0 : i32
      %dma_wait3A_340 = arith.constant 0 : i32
      %dma_wait3A_341 = tpu.memref_slice %arg2[%dma_wait3A_339, %dma_wait3A_340] : memref<10000x128xf32, #tpu.memory_space<hbm>> -> memref<10000x128xf32, #tpu.memory_space<hbm>>
      tpu.wait_indirect_dma semaphore(%arg19 : memref<!tpu.dma_semaphore, #tpu.memory_space<semaphore_mem>>) src(%dma_wait3A_341 : memref<10000x128xf32, #tpu.memory_space<hbm>>) dst(%arg13 : memref<128x128xf32, #tpu.memory_space<vmem>>)
      %dma_start3A_342 = arith.constant 2 : i32
      %dma_start3A_343 = arith.constant 0 : i32
      %dma_start3A_344 = tpu.memref_slice %arg9[%dma_start3A_342, %dma_start3A_343] : memref<3x128xi32, #tpu.memory_space<vmem>> -> memref<1x128xi32, #tpu.memory_space<vmem>>
      %dma_start3A_345 = tpu.memref_squeeze %dma_start3A_344 : memref<1x128xi32, #tpu.memory_space<vmem>> -> memref<128xi32, #tpu.memory_space<vmem>>
      %dma_start3A_346 = arith.constant 0 : i32
      %dma_start3A_347 = arith.constant 0 : i32
      %dma_start3A_348 = tpu.memref_slice %arg14[%dma_start3A_346, %dma_start3A_347] : memref<10016x128xf32, #tpu.memory_space<vmem_shared>> -> memref<10016x128xf32, #tpu.memory_space<vmem_shared>>
      tpu.enqueue_indirect_dma source(%arg13 : memref<128x128xf32, #tpu.memory_space<vmem>>) target(%dma_start3A_348 : memref<10016x128xf32, #tpu.memory_space<vmem_shared>>) offsets(%dma_start3A_345 : memref<128xi32, #tpu.memory_space<vmem>>) semaphore(%arg22 : memref<!tpu.dma_semaphore, #tpu.memory_space<semaphore_mem>>) {add = true}
    }
    %scan3A_105 = arith.constant 13 : i32
    %dma_wait3A_106 = arith.constant 0 : i32
    %dma_wait3A_107 = arith.constant 0 : i32
    %dma_wait3A_108 = tpu.memref_slice %arg9[%dma_wait3A_106, %dma_wait3A_107] : memref<3x128xi32, #tpu.memory_space<vmem>> -> memref<1x128xi32, #tpu.memory_space<vmem>>
    %dma_wait3A_109 = tpu.memref_squeeze %dma_wait3A_108 : memref<1x128xi32, #tpu.memory_space<vmem>> -> memref<128xi32, #tpu.memory_space<vmem>>
    %dma_wait3A_110 = arith.constant 0 : i32
    %dma_wait3A_111 = arith.constant 0 : i32
    %dma_wait3A_112 = tpu.memref_slice %arg14[%dma_wait3A_110, %dma_wait3A_111] : memref<10016x128xf32, #tpu.memory_space<vmem_shared>> -> memref<10016x128xf32, #tpu.memory_space<vmem_shared>>
    tpu.wait_indirect_dma semaphore(%arg20 : memref<!tpu.dma_semaphore, #tpu.memory_space<semaphore_mem>>) src(%arg11 : memref<128x128xf32, #tpu.memory_space<vmem>>) dst(%dma_wait3A_112 : memref<10016x128xf32, #tpu.memory_space<vmem_shared>>)
    %dma_wait3A_113 = arith.constant 1 : i32
    %dma_wait3A_114 = arith.constant 0 : i32
    %dma_wait3A_115 = tpu.memref_slice %arg9[%dma_wait3A_113, %dma_wait3A_114] : memref<3x128xi32, #tpu.memory_space<vmem>> -> memref<1x128xi32, #tpu.memory_space<vmem>>
    %dma_wait3A_116 = tpu.memref_squeeze %dma_wait3A_115 : memref<1x128xi32, #tpu.memory_space<vmem>> -> memref<128xi32, #tpu.memory_space<vmem>>
    %dma_wait3A_117 = arith.constant 0 : i32
    %dma_wait3A_118 = arith.constant 0 : i32
    %dma_wait3A_119 = tpu.memref_slice %arg14[%dma_wait3A_117, %dma_wait3A_118] : memref<10016x128xf32, #tpu.memory_space<vmem_shared>> -> memref<10016x128xf32, #tpu.memory_space<vmem_shared>>
    tpu.wait_indirect_dma semaphore(%arg21 : memref<!tpu.dma_semaphore, #tpu.memory_space<semaphore_mem>>) src(%arg12 : memref<128x128xf32, #tpu.memory_space<vmem>>) dst(%dma_wait3A_119 : memref<10016x128xf32, #tpu.memory_space<vmem_shared>>)
    %dma_wait3A_120 = arith.constant 2 : i32
    %dma_wait3A_121 = arith.constant 0 : i32
    %dma_wait3A_122 = tpu.memref_slice %arg9[%dma_wait3A_120, %dma_wait3A_121] : memref<3x128xi32, #tpu.memory_space<vmem>> -> memref<1x128xi32, #tpu.memory_space<vmem>>
    %dma_wait3A_123 = tpu.memref_squeeze %dma_wait3A_122 : memref<1x128xi32, #tpu.memory_space<vmem>> -> memref<128xi32, #tpu.memory_space<vmem>>
    %dma_wait3A_124 = arith.constant 0 : i32
    %dma_wait3A_125 = arith.constant 0 : i32
    %dma_wait3A_126 = tpu.memref_slice %arg14[%dma_wait3A_124, %dma_wait3A_125] : memref<10016x128xf32, #tpu.memory_space<vmem_shared>> -> memref<10016x128xf32, #tpu.memory_space<vmem_shared>>
    tpu.wait_indirect_dma semaphore(%arg22 : memref<!tpu.dma_semaphore, #tpu.memory_space<semaphore_mem>>) src(%arg13 : memref<128x128xf32, #tpu.memory_space<vmem>>) dst(%dma_wait3A_126 : memref<10016x128xf32, #tpu.memory_space<vmem_shared>>)
    %barrier3A_127 = arith.constant 0 : index
    tpu.barrier barrier_id(%barrier3A_127)
    %mul3A_128 = arith.constant 624 : i32
    %mul3A_129 = arith.muli %arg1, %mul3A_128 : i32
    %mul3A_130 = arith.constant 624 : i32
    %mul3A_131 = arith.muli %arg1, %mul3A_130 : i32
    "tpu.region"() ({
      %run_scoped3A = tpu.sem_alloc : memref<!tpu.dma_semaphore, #tpu.memory_space<semaphore_mem>>
      %dma_start3A_137 = arith.constant 0 : i32
      %dma_start3A_138 = tpu.memref_slice %arg6[%arg0, %mul3A_131, %dma_start3A_137] : memref<2x10000x128xf32, #tpu.memory_space<hbm>> -> memref<1x624x128xf32, #tpu.memory_space<hbm>>
      %dma_start3A_139 = tpu.memref_squeeze %dma_start3A_138 : memref<1x624x128xf32, #tpu.memory_space<hbm>> -> memref<624x128xf32, #tpu.memory_space<hbm>>
      %dma_start3A_140 = arith.constant 0 : i32
      %dma_start3A_141 = tpu.memref_slice %arg14[%mul3A_129, %dma_start3A_140] : memref<10016x128xf32, #tpu.memory_space<vmem_shared>> -> memref<624x128xf32, #tpu.memory_space<vmem_shared>>
      tpu.enqueue_dma source(%dma_start3A_141 : memref<624x128xf32, #tpu.memory_space<vmem_shared>>) target(%dma_start3A_139 : memref<624x128xf32, #tpu.memory_space<hbm>>) target_semaphore(%run_scoped3A : memref<!tpu.dma_semaphore, #tpu.memory_space<semaphore_mem>>)
      %dma_wait3A_142 = arith.constant 0 : i32
      %dma_wait3A_143 = tpu.memref_slice %arg6[%arg0, %mul3A_131, %dma_wait3A_142] : memref<2x10000x128xf32, #tpu.memory_space<hbm>> -> memref<1x624x128xf32, #tpu.memory_space<hbm>>
      %dma_wait3A_144 = tpu.memref_squeeze %dma_wait3A_143 : memref<1x624x128xf32, #tpu.memory_space<hbm>> -> memref<624x128xf32, #tpu.memory_space<hbm>>
      %dma_wait3A_145 = arith.constant 0 : i32
      %dma_wait3A_146 = tpu.memref_slice %arg14[%mul3A_129, %dma_wait3A_145] : memref<10016x128xf32, #tpu.memory_space<vmem_shared>> -> memref<624x128xf32, #tpu.memory_space<vmem_shared>>
      tpu.wait_dma2 semaphore(%run_scoped3A : memref<!tpu.dma_semaphore, #tpu.memory_space<semaphore_mem>>) src(%dma_wait3A_146 : memref<624x128xf32, #tpu.memory_space<vmem_shared>>) dst(%dma_wait3A_144 : memref<624x128xf32, #tpu.memory_space<hbm>>)
      tpu.yield
    }) : () -> ()
    %eq3A_132 = arith.constant 0 : i32
    %eq3A_133 = arith.cmpi eq, %arg1, %eq3A_132 : i32
    %convert_element_type3A_134 = arith.extui %eq3A_133 : i1 to i32
    %cond3A_135 = arith.constant 0 : i32
    %cond3A_136 = arith.cmpi ne, %convert_element_type3A_134, %cond3A_135 : i32
    scf.if %cond3A_136 {
      "tpu.region"() ({
        %run_scoped3A = tpu.sem_alloc : memref<!tpu.dma_semaphore, #tpu.memory_space<semaphore_mem>>
        %dma_start3A_137 = arith.constant 9984 : i32
        %dma_start3A_138 = arith.constant 0 : i32
        %dma_start3A_139 = tpu.memref_slice %arg6[%arg0, %dma_start3A_137, %dma_start3A_138] : memref<2x10000x128xf32, #tpu.memory_space<hbm>> -> memref<1x16x128xf32, #tpu.memory_space<hbm>>
        %dma_start3A_140 = tpu.memref_squeeze %dma_start3A_139 : memref<1x16x128xf32, #tpu.memory_space<hbm>> -> memref<16x128xf32, #tpu.memory_space<hbm>>
        %dma_start3A_141 = arith.constant 9984 : i32
        %dma_start3A_142 = arith.constant 0 : i32
        %dma_start3A_143 = tpu.memref_slice %arg14[%dma_start3A_141, %dma_start3A_142] : memref<10016x128xf32, #tpu.memory_space<vmem_shared>> -> memref<16x128xf32, #tpu.memory_space<vmem_shared>>
        tpu.enqueue_dma source(%dma_start3A_143 : memref<16x128xf32, #tpu.memory_space<vmem_shared>>) target(%dma_start3A_140 : memref<16x128xf32, #tpu.memory_space<hbm>>) target_semaphore(%run_scoped3A : memref<!tpu.dma_semaphore, #tpu.memory_space<semaphore_mem>>)
        %dma_wait3A_144 = arith.constant 9984 : i32
        %dma_wait3A_145 = arith.constant 0 : i32
        %dma_wait3A_146 = tpu.memref_slice %arg6[%arg0, %dma_wait3A_144, %dma_wait3A_145] : memref<2x10000x128xf32, #tpu.memory_space<hbm>> -> memref<1x16x128xf32, #tpu.memory_space<hbm>>
        %dma_wait3A_147 = tpu.memref_squeeze %dma_wait3A_146 : memref<1x16x128xf32, #tpu.memory_space<hbm>> -> memref<16x128xf32, #tpu.memory_space<hbm>>
        %dma_wait3A_148 = arith.constant 9984 : i32
        %dma_wait3A_149 = arith.constant 0 : i32
        %dma_wait3A_150 = tpu.memref_slice %arg14[%dma_wait3A_148, %dma_wait3A_149] : memref<10016x128xf32, #tpu.memory_space<vmem_shared>> -> memref<16x128xf32, #tpu.memory_space<vmem_shared>>
        tpu.wait_dma2 semaphore(%run_scoped3A : memref<!tpu.dma_semaphore, #tpu.memory_space<semaphore_mem>>) src(%dma_wait3A_150 : memref<16x128xf32, #tpu.memory_space<vmem_shared>>) dst(%dma_wait3A_147 : memref<16x128xf32, #tpu.memory_space<hbm>>)
        tpu.yield
      }) : () -> ()
    } else {
    }
    return
  }
}

#map = affine_map<(d0, d1) -> (0, 0)>
#map1 = affine_map<(d0, d1) -> (0, 0, 0)>
module attributes {stable_mosaic.version = 14 : i64} {
  func.func @k(%arg0: i32, %arg1: i32, %arg2: memref<10000x64xf32, #tpu.memory_space<hbm>>, %arg3: memref<2560x128xi32, #tpu.memory_space<hbm>>, %arg4: memref<2560x128xi32, #tpu.memory_space<hbm>>, %arg5: memref<624x64xf32, #tpu.memory_space<hbm>>, %arg6: memref<2x10000x64xf32, #tpu.memory_space<hbm>>, %arg7: memref<8x128xi32, #tpu.memory_space<vmem>>, %arg8: memref<8x128xi32, #tpu.memory_space<vmem>>, %arg9: memref<8x128xi32, #tpu.memory_space<vmem>>, %arg10: memref<8x128xi32, #tpu.memory_space<vmem>>, %arg11: memref<128x64xf32, #tpu.memory_space<vmem>>, %arg12: memref<128x64xf32, #tpu.memory_space<vmem>>, %arg13: memref<128x64xf32, #tpu.memory_space<vmem>>, %arg14: memref<128x64xf32, #tpu.memory_space<vmem>>, %arg15: memref<128x64xf32, #tpu.memory_space<vmem>>, %arg16: memref<128x64xf32, #tpu.memory_space<vmem>>, %arg17: memref<128x64xf32, #tpu.memory_space<vmem>>, %arg18: memref<128x64xf32, #tpu.memory_space<vmem>>, %arg19: memref<10016x64xf32, #tpu.memory_space<vmem_shared>>, %arg20: memref<!tpu.dma_semaphore, #tpu.memory_space<semaphore_mem>>, %arg21: memref<!tpu.dma_semaphore, #tpu.memory_space<semaphore_mem>>, %arg22: memref<!tpu.dma_semaphore, #tpu.memory_space<semaphore_mem>>, %arg23: memref<!tpu.dma_semaphore, #tpu.memory_space<semaphore_mem>>, %arg24: memref<!tpu.dma_semaphore, #tpu.memory_space<semaphore_mem>>, %arg25: memref<!tpu.dma_semaphore, #tpu.memory_space<semaphore_mem>>, %arg26: memref<!tpu.dma_semaphore, #tpu.memory_space<semaphore_mem>>, %arg27: memref<!tpu.dma_semaphore, #tpu.memory_space<semaphore_mem>>, %arg28: memref<!tpu.dma_semaphore, #tpu.memory_space<semaphore_mem>>, %arg29: memref<!tpu.dma_semaphore, #tpu.memory_space<semaphore_mem>>, %arg30: memref<!tpu.dma_semaphore, #tpu.memory_space<semaphore_mem>>, %arg31: memref<!tpu.dma_semaphore, #tpu.memory_space<semaphore_mem>>, %arg32: memref<!tpu.dma_semaphore, #tpu.memory_space<semaphore_mem>>, %arg33: memref<!tpu.dma_semaphore, #tpu.memory_space<semaphore_mem>>, %arg34: memref<!tpu.dma_semaphore, #tpu.memory_space<semaphore_mem>>, %arg35: memref<!tpu.dma_semaphore, #tpu.memory_space<semaphore_mem>>, %arg36: memref<!tpu.dma_semaphore, #tpu.memory_space<semaphore_mem>>, %arg37: memref<!tpu.dma_semaphore, #tpu.memory_space<semaphore_mem>>) attributes {dimension_semantics = [#tpu.dimension_semantics<core_parallel>, #tpu.dimension_semantics<subcore_parallel>], iteration_bounds = array<i64: 2, 16>, scalar_prefetch = 0 : i64, scratch_operands = 31 : i64, tpu.core_type = #tpu.core_type<sc_vector_subcore>, window_params = [{transform_indices = #map}, {transform_indices = #map}, {transform_indices = #map}, {transform_indices = #map}, {transform_indices = #map1}]} {
    %mul3A = arith.constant 2 : i32
    %mul3A_0 = arith.muli %arg1, %mul3A : i32
    %add3A = arith.addi %mul3A_0, %arg0 : i32
    %mul3A_1 = arith.constant 80 : i32
    %mul3A_2 = arith.muli %add3A, %mul3A_1 : i32
    %add3A_3 = arith.constant 0 : i32
    %add3A_4 = arith.addi %mul3A_2, %add3A_3 : i32
    %dma_start3A = arith.constant 0 : i32
    %dma_start3A_5 = tpu.memref_slice %arg3[%add3A_4, %dma_start3A] : memref<2560x128xi32, #tpu.memory_space<hbm>> -> memref<8x128xi32, #tpu.memory_space<hbm>>
    %dma_start3A_6 = arith.constant 0 : i32
    %dma_start3A_7 = tpu.memref_slice %arg3[%add3A_4, %dma_start3A_6] : memref<2560x128xi32, #tpu.memory_space<hbm>> -> memref<8x128xi32, #tpu.memory_space<hbm>>
    tpu.enqueue_dma source(%dma_start3A_7 : memref<8x128xi32, #tpu.memory_space<hbm>>) target(%arg7 : memref<8x128xi32, #tpu.memory_space<vmem>>) target_semaphore(%arg20 : memref<!tpu.dma_semaphore, #tpu.memory_space<semaphore_mem>>)
    %dma_start3A_8 = arith.constant 0 : i32
    %dma_start3A_9 = tpu.memref_slice %arg4[%add3A_4, %dma_start3A_8] : memref<2560x128xi32, #tpu.memory_space<hbm>> -> memref<8x128xi32, #tpu.memory_space<hbm>>
    %dma_start3A_10 = arith.constant 0 : i32
    %dma_start3A_11 = tpu.memref_slice %arg4[%add3A_4, %dma_start3A_10] : memref<2560x128xi32, #tpu.memory_space<hbm>> -> memref<8x128xi32, #tpu.memory_space<hbm>>
    tpu.enqueue_dma source(%dma_start3A_11 : memref<8x128xi32, #tpu.memory_space<hbm>>) target(%arg9 : memref<8x128xi32, #tpu.memory_space<vmem>>) target_semaphore(%arg20 : memref<!tpu.dma_semaphore, #tpu.memory_space<semaphore_mem>>)
    %dma_wait3A = arith.constant 0 : i32
    %dma_wait3A_12 = arith.constant 0 : i32
    %dma_wait3A_13 = tpu.memref_slice %arg3[%dma_wait3A, %dma_wait3A_12] : memref<2560x128xi32, #tpu.memory_space<hbm>> -> memref<8x128xi32, #tpu.memory_space<hbm>>
    %dma_wait3A_14 = arith.constant 0 : i32
    %dma_wait3A_15 = arith.constant 0 : i32
    %dma_wait3A_16 = tpu.memref_slice %arg3[%dma_wait3A_14, %dma_wait3A_15] : memref<2560x128xi32, #tpu.memory_space<hbm>> -> memref<8x128xi32, #tpu.memory_space<hbm>>
    tpu.wait_dma2 semaphore(%arg20 : memref<!tpu.dma_semaphore, #tpu.memory_space<semaphore_mem>>) src(%dma_wait3A_16 : memref<8x128xi32, #tpu.memory_space<hbm>>) dst(%arg7 : memref<8x128xi32, #tpu.memory_space<vmem>>)
    %dma_wait3A_17 = arith.constant 0 : i32
    %dma_wait3A_18 = arith.constant 0 : i32
    %dma_wait3A_19 = tpu.memref_slice %arg4[%dma_wait3A_17, %dma_wait3A_18] : memref<2560x128xi32, #tpu.memory_space<hbm>> -> memref<8x128xi32, #tpu.memory_space<hbm>>
    %dma_wait3A_20 = arith.constant 0 : i32
    %dma_wait3A_21 = arith.constant 0 : i32
    %dma_wait3A_22 = tpu.memref_slice %arg4[%dma_wait3A_20, %dma_wait3A_21] : memref<2560x128xi32, #tpu.memory_space<hbm>> -> memref<8x128xi32, #tpu.memory_space<hbm>>
    tpu.wait_dma2 semaphore(%arg20 : memref<!tpu.dma_semaphore, #tpu.memory_space<semaphore_mem>>) src(%dma_wait3A_22 : memref<8x128xi32, #tpu.memory_space<hbm>>) dst(%arg9 : memref<8x128xi32, #tpu.memory_space<vmem>>)
    %dma_start3A_23 = arith.constant 0 : i32
    %dma_start3A_24 = arith.constant 0 : i32
    %dma_start3A_25 = tpu.memref_slice %arg7[%dma_start3A_23, %dma_start3A_24] : memref<8x128xi32, #tpu.memory_space<vmem>> -> memref<1x128xi32, #tpu.memory_space<vmem>>
    %dma_start3A_26 = tpu.memref_squeeze %dma_start3A_25 : memref<1x128xi32, #tpu.memory_space<vmem>> -> memref<128xi32, #tpu.memory_space<vmem>>
    %dma_start3A_27 = arith.constant 0 : i32
    %dma_start3A_28 = arith.constant 0 : i32
    %dma_start3A_29 = tpu.memref_slice %arg2[%dma_start3A_27, %dma_start3A_28] : memref<10000x64xf32, #tpu.memory_space<hbm>> -> memref<10000x64xf32, #tpu.memory_space<hbm>>
    tpu.enqueue_indirect_dma source(%dma_start3A_29 : memref<10000x64xf32, #tpu.memory_space<hbm>>) target(%arg11 : memref<128x64xf32, #tpu.memory_space<vmem>>) offsets(%dma_start3A_26 : memref<128xi32, #tpu.memory_space<vmem>>) semaphore(%arg22 : memref<!tpu.dma_semaphore, #tpu.memory_space<semaphore_mem>>)
    %dma_start3A_30 = arith.constant 1 : i32
    %dma_start3A_31 = arith.constant 0 : i32
    %dma_start3A_32 = tpu.memref_slice %arg7[%dma_start3A_30, %dma_start3A_31] : memref<8x128xi32, #tpu.memory_space<vmem>> -> memref<1x128xi32, #tpu.memory_space<vmem>>
    %dma_start3A_33 = tpu.memref_squeeze %dma_start3A_32 : memref<1x128xi32, #tpu.memory_space<vmem>> -> memref<128xi32, #tpu.memory_space<vmem>>
    %dma_start3A_34 = arith.constant 0 : i32
    %dma_start3A_35 = arith.constant 0 : i32
    %dma_start3A_36 = tpu.memref_slice %arg2[%dma_start3A_34, %dma_start3A_35] : memref<10000x64xf32, #tpu.memory_space<hbm>> -> memref<10000x64xf32, #tpu.memory_space<hbm>>
    tpu.enqueue_indirect_dma source(%dma_start3A_36 : memref<10000x64xf32, #tpu.memory_space<hbm>>) target(%arg12 : memref<128x64xf32, #tpu.memory_space<vmem>>) offsets(%dma_start3A_33 : memref<128xi32, #tpu.memory_space<vmem>>) semaphore(%arg23 : memref<!tpu.dma_semaphore, #tpu.memory_space<semaphore_mem>>)
    %dma_start3A_37 = arith.constant 2 : i32
    %dma_start3A_38 = arith.constant 0 : i32
    %dma_start3A_39 = tpu.memref_slice %arg7[%dma_start3A_37, %dma_start3A_38] : memref<8x128xi32, #tpu.memory_space<vmem>> -> memref<1x128xi32, #tpu.memory_space<vmem>>
    %dma_start3A_40 = tpu.memref_squeeze %dma_start3A_39 : memref<1x128xi32, #tpu.memory_space<vmem>> -> memref<128xi32, #tpu.memory_space<vmem>>
    %dma_start3A_41 = arith.constant 0 : i32
    %dma_start3A_42 = arith.constant 0 : i32
    %dma_start3A_43 = tpu.memref_slice %arg2[%dma_start3A_41, %dma_start3A_42] : memref<10000x64xf32, #tpu.memory_space<hbm>> -> memref<10000x64xf32, #tpu.memory_space<hbm>>
    tpu.enqueue_indirect_dma source(%dma_start3A_43 : memref<10000x64xf32, #tpu.memory_space<hbm>>) target(%arg13 : memref<128x64xf32, #tpu.memory_space<vmem>>) offsets(%dma_start3A_40 : memref<128xi32, #tpu.memory_space<vmem>>) semaphore(%arg24 : memref<!tpu.dma_semaphore, #tpu.memory_space<semaphore_mem>>)
    %dma_start3A_44 = arith.constant 3 : i32
    %dma_start3A_45 = arith.constant 0 : i32
    %dma_start3A_46 = tpu.memref_slice %arg7[%dma_start3A_44, %dma_start3A_45] : memref<8x128xi32, #tpu.memory_space<vmem>> -> memref<1x128xi32, #tpu.memory_space<vmem>>
    %dma_start3A_47 = tpu.memref_squeeze %dma_start3A_46 : memref<1x128xi32, #tpu.memory_space<vmem>> -> memref<128xi32, #tpu.memory_space<vmem>>
    %dma_start3A_48 = arith.constant 0 : i32
    %dma_start3A_49 = arith.constant 0 : i32
    %dma_start3A_50 = tpu.memref_slice %arg2[%dma_start3A_48, %dma_start3A_49] : memref<10000x64xf32, #tpu.memory_space<hbm>> -> memref<10000x64xf32, #tpu.memory_space<hbm>>
    tpu.enqueue_indirect_dma source(%dma_start3A_50 : memref<10000x64xf32, #tpu.memory_space<hbm>>) target(%arg14 : memref<128x64xf32, #tpu.memory_space<vmem>>) offsets(%dma_start3A_47 : memref<128xi32, #tpu.memory_space<vmem>>) semaphore(%arg25 : memref<!tpu.dma_semaphore, #tpu.memory_space<semaphore_mem>>)
    %dma_start3A_51 = arith.constant 4 : i32
    %dma_start3A_52 = arith.constant 0 : i32
    %dma_start3A_53 = tpu.memref_slice %arg7[%dma_start3A_51, %dma_start3A_52] : memref<8x128xi32, #tpu.memory_space<vmem>> -> memref<1x128xi32, #tpu.memory_space<vmem>>
    %dma_start3A_54 = tpu.memref_squeeze %dma_start3A_53 : memref<1x128xi32, #tpu.memory_space<vmem>> -> memref<128xi32, #tpu.memory_space<vmem>>
    %dma_start3A_55 = arith.constant 0 : i32
    %dma_start3A_56 = arith.constant 0 : i32
    %dma_start3A_57 = tpu.memref_slice %arg2[%dma_start3A_55, %dma_start3A_56] : memref<10000x64xf32, #tpu.memory_space<hbm>> -> memref<10000x64xf32, #tpu.memory_space<hbm>>
    tpu.enqueue_indirect_dma source(%dma_start3A_57 : memref<10000x64xf32, #tpu.memory_space<hbm>>) target(%arg15 : memref<128x64xf32, #tpu.memory_space<vmem>>) offsets(%dma_start3A_54 : memref<128xi32, #tpu.memory_space<vmem>>) semaphore(%arg26 : memref<!tpu.dma_semaphore, #tpu.memory_space<semaphore_mem>>)
    %dma_start3A_58 = arith.constant 5 : i32
    %dma_start3A_59 = arith.constant 0 : i32
    %dma_start3A_60 = tpu.memref_slice %arg7[%dma_start3A_58, %dma_start3A_59] : memref<8x128xi32, #tpu.memory_space<vmem>> -> memref<1x128xi32, #tpu.memory_space<vmem>>
    %dma_start3A_61 = tpu.memref_squeeze %dma_start3A_60 : memref<1x128xi32, #tpu.memory_space<vmem>> -> memref<128xi32, #tpu.memory_space<vmem>>
    %dma_start3A_62 = arith.constant 0 : i32
    %dma_start3A_63 = arith.constant 0 : i32
    %dma_start3A_64 = tpu.memref_slice %arg2[%dma_start3A_62, %dma_start3A_63] : memref<10000x64xf32, #tpu.memory_space<hbm>> -> memref<10000x64xf32, #tpu.memory_space<hbm>>
    tpu.enqueue_indirect_dma source(%dma_start3A_64 : memref<10000x64xf32, #tpu.memory_space<hbm>>) target(%arg16 : memref<128x64xf32, #tpu.memory_space<vmem>>) offsets(%dma_start3A_61 : memref<128xi32, #tpu.memory_space<vmem>>) semaphore(%arg27 : memref<!tpu.dma_semaphore, #tpu.memory_space<semaphore_mem>>)
    %dma_start3A_65 = arith.constant 6 : i32
    %dma_start3A_66 = arith.constant 0 : i32
    %dma_start3A_67 = tpu.memref_slice %arg7[%dma_start3A_65, %dma_start3A_66] : memref<8x128xi32, #tpu.memory_space<vmem>> -> memref<1x128xi32, #tpu.memory_space<vmem>>
    %dma_start3A_68 = tpu.memref_squeeze %dma_start3A_67 : memref<1x128xi32, #tpu.memory_space<vmem>> -> memref<128xi32, #tpu.memory_space<vmem>>
    %dma_start3A_69 = arith.constant 0 : i32
    %dma_start3A_70 = arith.constant 0 : i32
    %dma_start3A_71 = tpu.memref_slice %arg2[%dma_start3A_69, %dma_start3A_70] : memref<10000x64xf32, #tpu.memory_space<hbm>> -> memref<10000x64xf32, #tpu.memory_space<hbm>>
    tpu.enqueue_indirect_dma source(%dma_start3A_71 : memref<10000x64xf32, #tpu.memory_space<hbm>>) target(%arg17 : memref<128x64xf32, #tpu.memory_space<vmem>>) offsets(%dma_start3A_68 : memref<128xi32, #tpu.memory_space<vmem>>) semaphore(%arg28 : memref<!tpu.dma_semaphore, #tpu.memory_space<semaphore_mem>>)
    %dma_start3A_72 = arith.constant 7 : i32
    %dma_start3A_73 = arith.constant 0 : i32
    %dma_start3A_74 = tpu.memref_slice %arg7[%dma_start3A_72, %dma_start3A_73] : memref<8x128xi32, #tpu.memory_space<vmem>> -> memref<1x128xi32, #tpu.memory_space<vmem>>
    %dma_start3A_75 = tpu.memref_squeeze %dma_start3A_74 : memref<1x128xi32, #tpu.memory_space<vmem>> -> memref<128xi32, #tpu.memory_space<vmem>>
    %dma_start3A_76 = arith.constant 0 : i32
    %dma_start3A_77 = arith.constant 0 : i32
    %dma_start3A_78 = tpu.memref_slice %arg2[%dma_start3A_76, %dma_start3A_77] : memref<10000x64xf32, #tpu.memory_space<hbm>> -> memref<10000x64xf32, #tpu.memory_space<hbm>>
    tpu.enqueue_indirect_dma source(%dma_start3A_78 : memref<10000x64xf32, #tpu.memory_space<hbm>>) target(%arg18 : memref<128x64xf32, #tpu.memory_space<vmem>>) offsets(%dma_start3A_75 : memref<128xi32, #tpu.memory_space<vmem>>) semaphore(%arg29 : memref<!tpu.dma_semaphore, #tpu.memory_space<semaphore_mem>>)
    %mul3A_79 = arith.constant 624 : i32
    %mul3A_80 = arith.muli %arg1, %mul3A_79 : i32
    "tpu.region"() ({
      %run_scoped3A = tpu.sem_alloc : memref<!tpu.dma_semaphore, #tpu.memory_space<semaphore_mem>>
      %dma_start3A_513 = arith.constant 0 : i32
      %dma_start3A_514 = tpu.memref_slice %arg19[%mul3A_80, %dma_start3A_513] : memref<10016x64xf32, #tpu.memory_space<vmem_shared>> -> memref<624x64xf32, #tpu.memory_space<vmem_shared>>
      tpu.enqueue_dma source(%arg5 : memref<624x64xf32, #tpu.memory_space<hbm>>) target(%dma_start3A_514 : memref<624x64xf32, #tpu.memory_space<vmem_shared>>) target_semaphore(%run_scoped3A : memref<!tpu.dma_semaphore, #tpu.memory_space<semaphore_mem>>)
      %dma_wait3A_515 = arith.constant 0 : i32
      %dma_wait3A_516 = tpu.memref_slice %arg19[%mul3A_80, %dma_wait3A_515] : memref<10016x64xf32, #tpu.memory_space<vmem_shared>> -> memref<624x64xf32, #tpu.memory_space<vmem_shared>>
      tpu.wait_dma2 semaphore(%run_scoped3A : memref<!tpu.dma_semaphore, #tpu.memory_space<semaphore_mem>>) src(%arg5 : memref<624x64xf32, #tpu.memory_space<hbm>>) dst(%dma_wait3A_516 : memref<624x64xf32, #tpu.memory_space<vmem_shared>>)
      tpu.yield
    }) : () -> ()
    %eq3A = arith.constant 0 : i32
    %eq3A_81 = arith.cmpi eq, %arg1, %eq3A : i32
    %convert_element_type3A = arith.extui %eq3A_81 : i1 to i32
    %cond3A = arith.constant 0 : i32
    %cond3A_82 = arith.cmpi ne, %convert_element_type3A, %cond3A : i32
    scf.if %cond3A_82 {
      "tpu.region"() ({
        %run_scoped3A = tpu.sem_alloc : memref<!tpu.dma_semaphore, #tpu.memory_space<semaphore_mem>>
        %dma_start3A_513 = arith.constant 9984 : i32
        %dma_start3A_514 = arith.constant 0 : i32
        %dma_start3A_515 = tpu.memref_slice %arg19[%dma_start3A_513, %dma_start3A_514] : memref<10016x64xf32, #tpu.memory_space<vmem_shared>> -> memref<32x64xf32, #tpu.memory_space<vmem_shared>>
        %dma_start3A_516 = arith.constant 0 : i32
        %dma_start3A_517 = arith.constant 0 : i32
        %dma_start3A_518 = tpu.memref_slice %arg5[%dma_start3A_516, %dma_start3A_517] : memref<624x64xf32, #tpu.memory_space<hbm>> -> memref<32x64xf32, #tpu.memory_space<hbm>>
        tpu.enqueue_dma source(%dma_start3A_518 : memref<32x64xf32, #tpu.memory_space<hbm>>) target(%dma_start3A_515 : memref<32x64xf32, #tpu.memory_space<vmem_shared>>) target_semaphore(%run_scoped3A : memref<!tpu.dma_semaphore, #tpu.memory_space<semaphore_mem>>)
        %dma_wait3A_519 = arith.constant 9984 : i32
        %dma_wait3A_520 = arith.constant 0 : i32
        %dma_wait3A_521 = tpu.memref_slice %arg19[%dma_wait3A_519, %dma_wait3A_520] : memref<10016x64xf32, #tpu.memory_space<vmem_shared>> -> memref<32x64xf32, #tpu.memory_space<vmem_shared>>
        %dma_wait3A_522 = arith.constant 0 : i32
        %dma_wait3A_523 = arith.constant 0 : i32
        %dma_wait3A_524 = tpu.memref_slice %arg5[%dma_wait3A_522, %dma_wait3A_523] : memref<624x64xf32, #tpu.memory_space<hbm>> -> memref<32x64xf32, #tpu.memory_space<hbm>>
        tpu.wait_dma2 semaphore(%run_scoped3A : memref<!tpu.dma_semaphore, #tpu.memory_space<semaphore_mem>>) src(%dma_wait3A_524 : memref<32x64xf32, #tpu.memory_space<hbm>>) dst(%dma_wait3A_521 : memref<32x64xf32, #tpu.memory_space<vmem_shared>>)
        tpu.yield
      }) : () -> ()
    } else {
    }
    %barrier3A = arith.constant 0 : index
    tpu.barrier barrier_id(%barrier3A)
    %mul3A_83 = arith.constant 80 : i32
    %mul3A_84 = arith.muli %add3A, %mul3A_83 : i32
    %add3A_85 = arith.constant 8 : i32
    %add3A_86 = arith.addi %mul3A_84, %add3A_85 : i32
    %dma_start3A_87 = arith.constant 0 : i32
    %dma_start3A_88 = tpu.memref_slice %arg3[%add3A_86, %dma_start3A_87] : memref<2560x128xi32, #tpu.memory_space<hbm>> -> memref<8x128xi32, #tpu.memory_space<hbm>>
    %dma_start3A_89 = arith.constant 0 : i32
    %dma_start3A_90 = tpu.memref_slice %arg3[%add3A_86, %dma_start3A_89] : memref<2560x128xi32, #tpu.memory_space<hbm>> -> memref<8x128xi32, #tpu.memory_space<hbm>>
    tpu.enqueue_dma source(%dma_start3A_90 : memref<8x128xi32, #tpu.memory_space<hbm>>) target(%arg8 : memref<8x128xi32, #tpu.memory_space<vmem>>) target_semaphore(%arg21 : memref<!tpu.dma_semaphore, #tpu.memory_space<semaphore_mem>>)
    %dma_start3A_91 = arith.constant 0 : i32
    %dma_start3A_92 = tpu.memref_slice %arg4[%add3A_86, %dma_start3A_91] : memref<2560x128xi32, #tpu.memory_space<hbm>> -> memref<8x128xi32, #tpu.memory_space<hbm>>
    %dma_start3A_93 = arith.constant 0 : i32
    %dma_start3A_94 = tpu.memref_slice %arg4[%add3A_86, %dma_start3A_93] : memref<2560x128xi32, #tpu.memory_space<hbm>> -> memref<8x128xi32, #tpu.memory_space<hbm>>
    tpu.enqueue_dma source(%dma_start3A_94 : memref<8x128xi32, #tpu.memory_space<hbm>>) target(%arg10 : memref<8x128xi32, #tpu.memory_space<vmem>>) target_semaphore(%arg21 : memref<!tpu.dma_semaphore, #tpu.memory_space<semaphore_mem>>)
    %dma_wait3A_95 = arith.constant 0 : i32
    %dma_wait3A_96 = arith.constant 0 : i32
    %dma_wait3A_97 = tpu.memref_slice %arg7[%dma_wait3A_95, %dma_wait3A_96] : memref<8x128xi32, #tpu.memory_space<vmem>> -> memref<1x128xi32, #tpu.memory_space<vmem>>
    %dma_wait3A_98 = tpu.memref_squeeze %dma_wait3A_97 : memref<1x128xi32, #tpu.memory_space<vmem>> -> memref<128xi32, #tpu.memory_space<vmem>>
    %dma_wait3A_99 = arith.constant 0 : i32
    %dma_wait3A_100 = arith.constant 0 : i32
    %dma_wait3A_101 = tpu.memref_slice %arg2[%dma_wait3A_99, %dma_wait3A_100] : memref<10000x64xf32, #tpu.memory_space<hbm>> -> memref<10000x64xf32, #tpu.memory_space<hbm>>
    tpu.wait_indirect_dma semaphore(%arg22 : memref<!tpu.dma_semaphore, #tpu.memory_space<semaphore_mem>>) src(%dma_wait3A_101 : memref<10000x64xf32, #tpu.memory_space<hbm>>) dst(%arg11 : memref<128x64xf32, #tpu.memory_space<vmem>>)
    %dma_start3A_102 = arith.constant 0 : i32
    %dma_start3A_103 = arith.constant 0 : i32
    %dma_start3A_104 = tpu.memref_slice %arg9[%dma_start3A_102, %dma_start3A_103] : memref<8x128xi32, #tpu.memory_space<vmem>> -> memref<1x128xi32, #tpu.memory_space<vmem>>
    %dma_start3A_105 = tpu.memref_squeeze %dma_start3A_104 : memref<1x128xi32, #tpu.memory_space<vmem>> -> memref<128xi32, #tpu.memory_space<vmem>>
    %dma_start3A_106 = arith.constant 0 : i32
    %dma_start3A_107 = arith.constant 0 : i32
    %dma_start3A_108 = tpu.memref_slice %arg19[%dma_start3A_106, %dma_start3A_107] : memref<10016x64xf32, #tpu.memory_space<vmem_shared>> -> memref<10016x64xf32, #tpu.memory_space<vmem_shared>>
    tpu.enqueue_indirect_dma source(%arg11 : memref<128x64xf32, #tpu.memory_space<vmem>>) target(%dma_start3A_108 : memref<10016x64xf32, #tpu.memory_space<vmem_shared>>) offsets(%dma_start3A_105 : memref<128xi32, #tpu.memory_space<vmem>>) semaphore(%arg30 : memref<!tpu.dma_semaphore, #tpu.memory_space<semaphore_mem>>) {add = true}
    %dma_wait3A_109 = arith.constant 1 : i32
    %dma_wait3A_110 = arith.constant 0 : i32
    %dma_wait3A_111 = tpu.memref_slice %arg7[%dma_wait3A_109, %dma_wait3A_110] : memref<8x128xi32, #tpu.memory_space<vmem>> -> memref<1x128xi32, #tpu.memory_space<vmem>>
    %dma_wait3A_112 = tpu.memref_squeeze %dma_wait3A_111 : memref<1x128xi32, #tpu.memory_space<vmem>> -> memref<128xi32, #tpu.memory_space<vmem>>
    %dma_wait3A_113 = arith.constant 0 : i32
    %dma_wait3A_114 = arith.constant 0 : i32
    %dma_wait3A_115 = tpu.memref_slice %arg2[%dma_wait3A_113, %dma_wait3A_114] : memref<10000x64xf32, #tpu.memory_space<hbm>> -> memref<10000x64xf32, #tpu.memory_space<hbm>>
    tpu.wait_indirect_dma semaphore(%arg23 : memref<!tpu.dma_semaphore, #tpu.memory_space<semaphore_mem>>) src(%dma_wait3A_115 : memref<10000x64xf32, #tpu.memory_space<hbm>>) dst(%arg12 : memref<128x64xf32, #tpu.memory_space<vmem>>)
    %dma_start3A_116 = arith.constant 1 : i32
    %dma_start3A_117 = arith.constant 0 : i32
    %dma_start3A_118 = tpu.memref_slice %arg9[%dma_start3A_116, %dma_start3A_117] : memref<8x128xi32, #tpu.memory_space<vmem>> -> memref<1x128xi32, #tpu.memory_space<vmem>>
    %dma_start3A_119 = tpu.memref_squeeze %dma_start3A_118 : memref<1x128xi32, #tpu.memory_space<vmem>> -> memref<128xi32, #tpu.memory_space<vmem>>
    %dma_start3A_120 = arith.constant 0 : i32
    %dma_start3A_121 = arith.constant 0 : i32
    %dma_start3A_122 = tpu.memref_slice %arg19[%dma_start3A_120, %dma_start3A_121] : memref<10016x64xf32, #tpu.memory_space<vmem_shared>> -> memref<10016x64xf32, #tpu.memory_space<vmem_shared>>
    tpu.enqueue_indirect_dma source(%arg12 : memref<128x64xf32, #tpu.memory_space<vmem>>) target(%dma_start3A_122 : memref<10016x64xf32, #tpu.memory_space<vmem_shared>>) offsets(%dma_start3A_119 : memref<128xi32, #tpu.memory_space<vmem>>) semaphore(%arg31 : memref<!tpu.dma_semaphore, #tpu.memory_space<semaphore_mem>>) {add = true}
    %dma_wait3A_123 = arith.constant 2 : i32
    %dma_wait3A_124 = arith.constant 0 : i32
    %dma_wait3A_125 = tpu.memref_slice %arg7[%dma_wait3A_123, %dma_wait3A_124] : memref<8x128xi32, #tpu.memory_space<vmem>> -> memref<1x128xi32, #tpu.memory_space<vmem>>
    %dma_wait3A_126 = tpu.memref_squeeze %dma_wait3A_125 : memref<1x128xi32, #tpu.memory_space<vmem>> -> memref<128xi32, #tpu.memory_space<vmem>>
    %dma_wait3A_127 = arith.constant 0 : i32
    %dma_wait3A_128 = arith.constant 0 : i32
    %dma_wait3A_129 = tpu.memref_slice %arg2[%dma_wait3A_127, %dma_wait3A_128] : memref<10000x64xf32, #tpu.memory_space<hbm>> -> memref<10000x64xf32, #tpu.memory_space<hbm>>
    tpu.wait_indirect_dma semaphore(%arg24 : memref<!tpu.dma_semaphore, #tpu.memory_space<semaphore_mem>>) src(%dma_wait3A_129 : memref<10000x64xf32, #tpu.memory_space<hbm>>) dst(%arg13 : memref<128x64xf32, #tpu.memory_space<vmem>>)
    %dma_start3A_130 = arith.constant 2 : i32
    %dma_start3A_131 = arith.constant 0 : i32
    %dma_start3A_132 = tpu.memref_slice %arg9[%dma_start3A_130, %dma_start3A_131] : memref<8x128xi32, #tpu.memory_space<vmem>> -> memref<1x128xi32, #tpu.memory_space<vmem>>
    %dma_start3A_133 = tpu.memref_squeeze %dma_start3A_132 : memref<1x128xi32, #tpu.memory_space<vmem>> -> memref<128xi32, #tpu.memory_space<vmem>>
    %dma_start3A_134 = arith.constant 0 : i32
    %dma_start3A_135 = arith.constant 0 : i32
    %dma_start3A_136 = tpu.memref_slice %arg19[%dma_start3A_134, %dma_start3A_135] : memref<10016x64xf32, #tpu.memory_space<vmem_shared>> -> memref<10016x64xf32, #tpu.memory_space<vmem_shared>>
    tpu.enqueue_indirect_dma source(%arg13 : memref<128x64xf32, #tpu.memory_space<vmem>>) target(%dma_start3A_136 : memref<10016x64xf32, #tpu.memory_space<vmem_shared>>) offsets(%dma_start3A_133 : memref<128xi32, #tpu.memory_space<vmem>>) semaphore(%arg32 : memref<!tpu.dma_semaphore, #tpu.memory_space<semaphore_mem>>) {add = true}
    %dma_wait3A_137 = arith.constant 3 : i32
    %dma_wait3A_138 = arith.constant 0 : i32
    %dma_wait3A_139 = tpu.memref_slice %arg7[%dma_wait3A_137, %dma_wait3A_138] : memref<8x128xi32, #tpu.memory_space<vmem>> -> memref<1x128xi32, #tpu.memory_space<vmem>>
    %dma_wait3A_140 = tpu.memref_squeeze %dma_wait3A_139 : memref<1x128xi32, #tpu.memory_space<vmem>> -> memref<128xi32, #tpu.memory_space<vmem>>
    %dma_wait3A_141 = arith.constant 0 : i32
    %dma_wait3A_142 = arith.constant 0 : i32
    %dma_wait3A_143 = tpu.memref_slice %arg2[%dma_wait3A_141, %dma_wait3A_142] : memref<10000x64xf32, #tpu.memory_space<hbm>> -> memref<10000x64xf32, #tpu.memory_space<hbm>>
    tpu.wait_indirect_dma semaphore(%arg25 : memref<!tpu.dma_semaphore, #tpu.memory_space<semaphore_mem>>) src(%dma_wait3A_143 : memref<10000x64xf32, #tpu.memory_space<hbm>>) dst(%arg14 : memref<128x64xf32, #tpu.memory_space<vmem>>)
    %dma_start3A_144 = arith.constant 3 : i32
    %dma_start3A_145 = arith.constant 0 : i32
    %dma_start3A_146 = tpu.memref_slice %arg9[%dma_start3A_144, %dma_start3A_145] : memref<8x128xi32, #tpu.memory_space<vmem>> -> memref<1x128xi32, #tpu.memory_space<vmem>>
    %dma_start3A_147 = tpu.memref_squeeze %dma_start3A_146 : memref<1x128xi32, #tpu.memory_space<vmem>> -> memref<128xi32, #tpu.memory_space<vmem>>
    %dma_start3A_148 = arith.constant 0 : i32
    %dma_start3A_149 = arith.constant 0 : i32
    %dma_start3A_150 = tpu.memref_slice %arg19[%dma_start3A_148, %dma_start3A_149] : memref<10016x64xf32, #tpu.memory_space<vmem_shared>> -> memref<10016x64xf32, #tpu.memory_space<vmem_shared>>
    tpu.enqueue_indirect_dma source(%arg14 : memref<128x64xf32, #tpu.memory_space<vmem>>) target(%dma_start3A_150 : memref<10016x64xf32, #tpu.memory_space<vmem_shared>>) offsets(%dma_start3A_147 : memref<128xi32, #tpu.memory_space<vmem>>) semaphore(%arg33 : memref<!tpu.dma_semaphore, #tpu.memory_space<semaphore_mem>>) {add = true}
    %dma_wait3A_151 = arith.constant 4 : i32
    %dma_wait3A_152 = arith.constant 0 : i32
    %dma_wait3A_153 = tpu.memref_slice %arg7[%dma_wait3A_151, %dma_wait3A_152] : memref<8x128xi32, #tpu.memory_space<vmem>> -> memref<1x128xi32, #tpu.memory_space<vmem>>
    %dma_wait3A_154 = tpu.memref_squeeze %dma_wait3A_153 : memref<1x128xi32, #tpu.memory_space<vmem>> -> memref<128xi32, #tpu.memory_space<vmem>>
    %dma_wait3A_155 = arith.constant 0 : i32
    %dma_wait3A_156 = arith.constant 0 : i32
    %dma_wait3A_157 = tpu.memref_slice %arg2[%dma_wait3A_155, %dma_wait3A_156] : memref<10000x64xf32, #tpu.memory_space<hbm>> -> memref<10000x64xf32, #tpu.memory_space<hbm>>
    tpu.wait_indirect_dma semaphore(%arg26 : memref<!tpu.dma_semaphore, #tpu.memory_space<semaphore_mem>>) src(%dma_wait3A_157 : memref<10000x64xf32, #tpu.memory_space<hbm>>) dst(%arg15 : memref<128x64xf32, #tpu.memory_space<vmem>>)
    %dma_start3A_158 = arith.constant 4 : i32
    %dma_start3A_159 = arith.constant 0 : i32
    %dma_start3A_160 = tpu.memref_slice %arg9[%dma_start3A_158, %dma_start3A_159] : memref<8x128xi32, #tpu.memory_space<vmem>> -> memref<1x128xi32, #tpu.memory_space<vmem>>
    %dma_start3A_161 = tpu.memref_squeeze %dma_start3A_160 : memref<1x128xi32, #tpu.memory_space<vmem>> -> memref<128xi32, #tpu.memory_space<vmem>>
    %dma_start3A_162 = arith.constant 0 : i32
    %dma_start3A_163 = arith.constant 0 : i32
    %dma_start3A_164 = tpu.memref_slice %arg19[%dma_start3A_162, %dma_start3A_163] : memref<10016x64xf32, #tpu.memory_space<vmem_shared>> -> memref<10016x64xf32, #tpu.memory_space<vmem_shared>>
    tpu.enqueue_indirect_dma source(%arg15 : memref<128x64xf32, #tpu.memory_space<vmem>>) target(%dma_start3A_164 : memref<10016x64xf32, #tpu.memory_space<vmem_shared>>) offsets(%dma_start3A_161 : memref<128xi32, #tpu.memory_space<vmem>>) semaphore(%arg34 : memref<!tpu.dma_semaphore, #tpu.memory_space<semaphore_mem>>) {add = true}
    %dma_wait3A_165 = arith.constant 5 : i32
    %dma_wait3A_166 = arith.constant 0 : i32
    %dma_wait3A_167 = tpu.memref_slice %arg7[%dma_wait3A_165, %dma_wait3A_166] : memref<8x128xi32, #tpu.memory_space<vmem>> -> memref<1x128xi32, #tpu.memory_space<vmem>>
    %dma_wait3A_168 = tpu.memref_squeeze %dma_wait3A_167 : memref<1x128xi32, #tpu.memory_space<vmem>> -> memref<128xi32, #tpu.memory_space<vmem>>
    %dma_wait3A_169 = arith.constant 0 : i32
    %dma_wait3A_170 = arith.constant 0 : i32
    %dma_wait3A_171 = tpu.memref_slice %arg2[%dma_wait3A_169, %dma_wait3A_170] : memref<10000x64xf32, #tpu.memory_space<hbm>> -> memref<10000x64xf32, #tpu.memory_space<hbm>>
    tpu.wait_indirect_dma semaphore(%arg27 : memref<!tpu.dma_semaphore, #tpu.memory_space<semaphore_mem>>) src(%dma_wait3A_171 : memref<10000x64xf32, #tpu.memory_space<hbm>>) dst(%arg16 : memref<128x64xf32, #tpu.memory_space<vmem>>)
    %dma_start3A_172 = arith.constant 5 : i32
    %dma_start3A_173 = arith.constant 0 : i32
    %dma_start3A_174 = tpu.memref_slice %arg9[%dma_start3A_172, %dma_start3A_173] : memref<8x128xi32, #tpu.memory_space<vmem>> -> memref<1x128xi32, #tpu.memory_space<vmem>>
    %dma_start3A_175 = tpu.memref_squeeze %dma_start3A_174 : memref<1x128xi32, #tpu.memory_space<vmem>> -> memref<128xi32, #tpu.memory_space<vmem>>
    %dma_start3A_176 = arith.constant 0 : i32
    %dma_start3A_177 = arith.constant 0 : i32
    %dma_start3A_178 = tpu.memref_slice %arg19[%dma_start3A_176, %dma_start3A_177] : memref<10016x64xf32, #tpu.memory_space<vmem_shared>> -> memref<10016x64xf32, #tpu.memory_space<vmem_shared>>
    tpu.enqueue_indirect_dma source(%arg16 : memref<128x64xf32, #tpu.memory_space<vmem>>) target(%dma_start3A_178 : memref<10016x64xf32, #tpu.memory_space<vmem_shared>>) offsets(%dma_start3A_175 : memref<128xi32, #tpu.memory_space<vmem>>) semaphore(%arg35 : memref<!tpu.dma_semaphore, #tpu.memory_space<semaphore_mem>>) {add = true}
    %dma_wait3A_179 = arith.constant 6 : i32
    %dma_wait3A_180 = arith.constant 0 : i32
    %dma_wait3A_181 = tpu.memref_slice %arg7[%dma_wait3A_179, %dma_wait3A_180] : memref<8x128xi32, #tpu.memory_space<vmem>> -> memref<1x128xi32, #tpu.memory_space<vmem>>
    %dma_wait3A_182 = tpu.memref_squeeze %dma_wait3A_181 : memref<1x128xi32, #tpu.memory_space<vmem>> -> memref<128xi32, #tpu.memory_space<vmem>>
    %dma_wait3A_183 = arith.constant 0 : i32
    %dma_wait3A_184 = arith.constant 0 : i32
    %dma_wait3A_185 = tpu.memref_slice %arg2[%dma_wait3A_183, %dma_wait3A_184] : memref<10000x64xf32, #tpu.memory_space<hbm>> -> memref<10000x64xf32, #tpu.memory_space<hbm>>
    tpu.wait_indirect_dma semaphore(%arg28 : memref<!tpu.dma_semaphore, #tpu.memory_space<semaphore_mem>>) src(%dma_wait3A_185 : memref<10000x64xf32, #tpu.memory_space<hbm>>) dst(%arg17 : memref<128x64xf32, #tpu.memory_space<vmem>>)
    %dma_start3A_186 = arith.constant 6 : i32
    %dma_start3A_187 = arith.constant 0 : i32
    %dma_start3A_188 = tpu.memref_slice %arg9[%dma_start3A_186, %dma_start3A_187] : memref<8x128xi32, #tpu.memory_space<vmem>> -> memref<1x128xi32, #tpu.memory_space<vmem>>
    %dma_start3A_189 = tpu.memref_squeeze %dma_start3A_188 : memref<1x128xi32, #tpu.memory_space<vmem>> -> memref<128xi32, #tpu.memory_space<vmem>>
    %dma_start3A_190 = arith.constant 0 : i32
    %dma_start3A_191 = arith.constant 0 : i32
    %dma_start3A_192 = tpu.memref_slice %arg19[%dma_start3A_190, %dma_start3A_191] : memref<10016x64xf32, #tpu.memory_space<vmem_shared>> -> memref<10016x64xf32, #tpu.memory_space<vmem_shared>>
    tpu.enqueue_indirect_dma source(%arg17 : memref<128x64xf32, #tpu.memory_space<vmem>>) target(%dma_start3A_192 : memref<10016x64xf32, #tpu.memory_space<vmem_shared>>) offsets(%dma_start3A_189 : memref<128xi32, #tpu.memory_space<vmem>>) semaphore(%arg36 : memref<!tpu.dma_semaphore, #tpu.memory_space<semaphore_mem>>) {add = true}
    %dma_wait3A_193 = arith.constant 7 : i32
    %dma_wait3A_194 = arith.constant 0 : i32
    %dma_wait3A_195 = tpu.memref_slice %arg7[%dma_wait3A_193, %dma_wait3A_194] : memref<8x128xi32, #tpu.memory_space<vmem>> -> memref<1x128xi32, #tpu.memory_space<vmem>>
    %dma_wait3A_196 = tpu.memref_squeeze %dma_wait3A_195 : memref<1x128xi32, #tpu.memory_space<vmem>> -> memref<128xi32, #tpu.memory_space<vmem>>
    %dma_wait3A_197 = arith.constant 0 : i32
    %dma_wait3A_198 = arith.constant 0 : i32
    %dma_wait3A_199 = tpu.memref_slice %arg2[%dma_wait3A_197, %dma_wait3A_198] : memref<10000x64xf32, #tpu.memory_space<hbm>> -> memref<10000x64xf32, #tpu.memory_space<hbm>>
    tpu.wait_indirect_dma semaphore(%arg29 : memref<!tpu.dma_semaphore, #tpu.memory_space<semaphore_mem>>) src(%dma_wait3A_199 : memref<10000x64xf32, #tpu.memory_space<hbm>>) dst(%arg18 : memref<128x64xf32, #tpu.memory_space<vmem>>)
    %dma_start3A_200 = arith.constant 7 : i32
    %dma_start3A_201 = arith.constant 0 : i32
    %dma_start3A_202 = tpu.memref_slice %arg9[%dma_start3A_200, %dma_start3A_201] : memref<8x128xi32, #tpu.memory_space<vmem>> -> memref<1x128xi32, #tpu.memory_space<vmem>>
    %dma_start3A_203 = tpu.memref_squeeze %dma_start3A_202 : memref<1x128xi32, #tpu.memory_space<vmem>> -> memref<128xi32, #tpu.memory_space<vmem>>
    %dma_start3A_204 = arith.constant 0 : i32
    %dma_start3A_205 = arith.constant 0 : i32
    %dma_start3A_206 = tpu.memref_slice %arg19[%dma_start3A_204, %dma_start3A_205] : memref<10016x64xf32, #tpu.memory_space<vmem_shared>> -> memref<10016x64xf32, #tpu.memory_space<vmem_shared>>
    tpu.enqueue_indirect_dma source(%arg18 : memref<128x64xf32, #tpu.memory_space<vmem>>) target(%dma_start3A_206 : memref<10016x64xf32, #tpu.memory_space<vmem_shared>>) offsets(%dma_start3A_203 : memref<128xi32, #tpu.memory_space<vmem>>) semaphore(%arg37 : memref<!tpu.dma_semaphore, #tpu.memory_space<semaphore_mem>>) {add = true}
    %scan3A = arith.constant 0 : i32
    %scan3A_207 = arith.constant 4 : i32
    %scan3A_208 = arith.addi %scan3A, %scan3A_207 : i32
    %scan3A_209 = arith.constant 1 : i32
    scf.for %scan3A_513 = %scan3A to %scan3A_208 step %scan3A_209  : i32 {
      %mul3A_514 = arith.constant 2 : i32
      %mul3A_515 = arith.muli %mul3A_514, %scan3A_513 : i32
      %add3A_516 = arith.constant 1 : i32
      %add3A_517 = arith.addi %add3A_516, %mul3A_515 : i32
      %dma_wait3A_518 = arith.constant 0 : i32
      %dma_wait3A_519 = arith.constant 0 : i32
      %dma_wait3A_520 = tpu.memref_slice %arg3[%dma_wait3A_518, %dma_wait3A_519] : memref<2560x128xi32, #tpu.memory_space<hbm>> -> memref<8x128xi32, #tpu.memory_space<hbm>>
      %dma_wait3A_521 = arith.constant 0 : i32
      %dma_wait3A_522 = arith.constant 0 : i32
      %dma_wait3A_523 = tpu.memref_slice %arg3[%dma_wait3A_521, %dma_wait3A_522] : memref<2560x128xi32, #tpu.memory_space<hbm>> -> memref<8x128xi32, #tpu.memory_space<hbm>>
      tpu.wait_dma2 semaphore(%arg21 : memref<!tpu.dma_semaphore, #tpu.memory_space<semaphore_mem>>) src(%dma_wait3A_523 : memref<8x128xi32, #tpu.memory_space<hbm>>) dst(%arg8 : memref<8x128xi32, #tpu.memory_space<vmem>>)
      %dma_wait3A_524 = arith.constant 0 : i32
      %dma_wait3A_525 = arith.constant 0 : i32
      %dma_wait3A_526 = tpu.memref_slice %arg4[%dma_wait3A_524, %dma_wait3A_525] : memref<2560x128xi32, #tpu.memory_space<hbm>> -> memref<8x128xi32, #tpu.memory_space<hbm>>
      %dma_wait3A_527 = arith.constant 0 : i32
      %dma_wait3A_528 = arith.constant 0 : i32
      %dma_wait3A_529 = tpu.memref_slice %arg4[%dma_wait3A_527, %dma_wait3A_528] : memref<2560x128xi32, #tpu.memory_space<hbm>> -> memref<8x128xi32, #tpu.memory_space<hbm>>
      tpu.wait_dma2 semaphore(%arg21 : memref<!tpu.dma_semaphore, #tpu.memory_space<semaphore_mem>>) src(%dma_wait3A_529 : memref<8x128xi32, #tpu.memory_space<hbm>>) dst(%arg10 : memref<8x128xi32, #tpu.memory_space<vmem>>)
      %dma_wait3A_530 = arith.constant 0 : i32
      %dma_wait3A_531 = arith.constant 0 : i32
      %dma_wait3A_532 = tpu.memref_slice %arg9[%dma_wait3A_530, %dma_wait3A_531] : memref<8x128xi32, #tpu.memory_space<vmem>> -> memref<1x128xi32, #tpu.memory_space<vmem>>
      %dma_wait3A_533 = tpu.memref_squeeze %dma_wait3A_532 : memref<1x128xi32, #tpu.memory_space<vmem>> -> memref<128xi32, #tpu.memory_space<vmem>>
      %dma_wait3A_534 = arith.constant 0 : i32
      %dma_wait3A_535 = arith.constant 0 : i32
      %dma_wait3A_536 = tpu.memref_slice %arg19[%dma_wait3A_534, %dma_wait3A_535] : memref<10016x64xf32, #tpu.memory_space<vmem_shared>> -> memref<10016x64xf32, #tpu.memory_space<vmem_shared>>
      tpu.wait_indirect_dma semaphore(%arg30 : memref<!tpu.dma_semaphore, #tpu.memory_space<semaphore_mem>>) src(%arg11 : memref<128x64xf32, #tpu.memory_space<vmem>>) dst(%dma_wait3A_536 : memref<10016x64xf32, #tpu.memory_space<vmem_shared>>)
      %dma_start3A_537 = arith.constant 0 : i32
      %dma_start3A_538 = arith.constant 0 : i32
      %dma_start3A_539 = tpu.memref_slice %arg8[%dma_start3A_537, %dma_start3A_538] : memref<8x128xi32, #tpu.memory_space<vmem>> -> memref<1x128xi32, #tpu.memory_space<vmem>>
      %dma_start3A_540 = tpu.memref_squeeze %dma_start3A_539 : memref<1x128xi32, #tpu.memory_space<vmem>> -> memref<128xi32, #tpu.memory_space<vmem>>
      %dma_start3A_541 = arith.constant 0 : i32
      %dma_start3A_542 = arith.constant 0 : i32
      %dma_start3A_543 = tpu.memref_slice %arg2[%dma_start3A_541, %dma_start3A_542] : memref<10000x64xf32, #tpu.memory_space<hbm>> -> memref<10000x64xf32, #tpu.memory_space<hbm>>
      tpu.enqueue_indirect_dma source(%dma_start3A_543 : memref<10000x64xf32, #tpu.memory_space<hbm>>) target(%arg11 : memref<128x64xf32, #tpu.memory_space<vmem>>) offsets(%dma_start3A_540 : memref<128xi32, #tpu.memory_space<vmem>>) semaphore(%arg22 : memref<!tpu.dma_semaphore, #tpu.memory_space<semaphore_mem>>)
      %dma_wait3A_544 = arith.constant 1 : i32
      %dma_wait3A_545 = arith.constant 0 : i32
      %dma_wait3A_546 = tpu.memref_slice %arg9[%dma_wait3A_544, %dma_wait3A_545] : memref<8x128xi32, #tpu.memory_space<vmem>> -> memref<1x128xi32, #tpu.memory_space<vmem>>
      %dma_wait3A_547 = tpu.memref_squeeze %dma_wait3A_546 : memref<1x128xi32, #tpu.memory_space<vmem>> -> memref<128xi32, #tpu.memory_space<vmem>>
      %dma_wait3A_548 = arith.constant 0 : i32
      %dma_wait3A_549 = arith.constant 0 : i32
      %dma_wait3A_550 = tpu.memref_slice %arg19[%dma_wait3A_548, %dma_wait3A_549] : memref<10016x64xf32, #tpu.memory_space<vmem_shared>> -> memref<10016x64xf32, #tpu.memory_space<vmem_shared>>
      tpu.wait_indirect_dma semaphore(%arg31 : memref<!tpu.dma_semaphore, #tpu.memory_space<semaphore_mem>>) src(%arg12 : memref<128x64xf32, #tpu.memory_space<vmem>>) dst(%dma_wait3A_550 : memref<10016x64xf32, #tpu.memory_space<vmem_shared>>)
      %dma_start3A_551 = arith.constant 1 : i32
      %dma_start3A_552 = arith.constant 0 : i32
      %dma_start3A_553 = tpu.memref_slice %arg8[%dma_start3A_551, %dma_start3A_552] : memref<8x128xi32, #tpu.memory_space<vmem>> -> memref<1x128xi32, #tpu.memory_space<vmem>>
      %dma_start3A_554 = tpu.memref_squeeze %dma_start3A_553 : memref<1x128xi32, #tpu.memory_space<vmem>> -> memref<128xi32, #tpu.memory_space<vmem>>
      %dma_start3A_555 = arith.constant 0 : i32
      %dma_start3A_556 = arith.constant 0 : i32
      %dma_start3A_557 = tpu.memref_slice %arg2[%dma_start3A_555, %dma_start3A_556] : memref<10000x64xf32, #tpu.memory_space<hbm>> -> memref<10000x64xf32, #tpu.memory_space<hbm>>
      tpu.enqueue_indirect_dma source(%dma_start3A_557 : memref<10000x64xf32, #tpu.memory_space<hbm>>) target(%arg12 : memref<128x64xf32, #tpu.memory_space<vmem>>) offsets(%dma_start3A_554 : memref<128xi32, #tpu.memory_space<vmem>>) semaphore(%arg23 : memref<!tpu.dma_semaphore, #tpu.memory_space<semaphore_mem>>)
      %dma_wait3A_558 = arith.constant 2 : i32
      %dma_wait3A_559 = arith.constant 0 : i32
      %dma_wait3A_560 = tpu.memref_slice %arg9[%dma_wait3A_558, %dma_wait3A_559] : memref<8x128xi32, #tpu.memory_space<vmem>> -> memref<1x128xi32, #tpu.memory_space<vmem>>
      %dma_wait3A_561 = tpu.memref_squeeze %dma_wait3A_560 : memref<1x128xi32, #tpu.memory_space<vmem>> -> memref<128xi32, #tpu.memory_space<vmem>>
      %dma_wait3A_562 = arith.constant 0 : i32
      %dma_wait3A_563 = arith.constant 0 : i32
      %dma_wait3A_564 = tpu.memref_slice %arg19[%dma_wait3A_562, %dma_wait3A_563] : memref<10016x64xf32, #tpu.memory_space<vmem_shared>> -> memref<10016x64xf32, #tpu.memory_space<vmem_shared>>
      tpu.wait_indirect_dma semaphore(%arg32 : memref<!tpu.dma_semaphore, #tpu.memory_space<semaphore_mem>>) src(%arg13 : memref<128x64xf32, #tpu.memory_space<vmem>>) dst(%dma_wait3A_564 : memref<10016x64xf32, #tpu.memory_space<vmem_shared>>)
      %dma_start3A_565 = arith.constant 2 : i32
      %dma_start3A_566 = arith.constant 0 : i32
      %dma_start3A_567 = tpu.memref_slice %arg8[%dma_start3A_565, %dma_start3A_566] : memref<8x128xi32, #tpu.memory_space<vmem>> -> memref<1x128xi32, #tpu.memory_space<vmem>>
      %dma_start3A_568 = tpu.memref_squeeze %dma_start3A_567 : memref<1x128xi32, #tpu.memory_space<vmem>> -> memref<128xi32, #tpu.memory_space<vmem>>
      %dma_start3A_569 = arith.constant 0 : i32
      %dma_start3A_570 = arith.constant 0 : i32
      %dma_start3A_571 = tpu.memref_slice %arg2[%dma_start3A_569, %dma_start3A_570] : memref<10000x64xf32, #tpu.memory_space<hbm>> -> memref<10000x64xf32, #tpu.memory_space<hbm>>
      tpu.enqueue_indirect_dma source(%dma_start3A_571 : memref<10000x64xf32, #tpu.memory_space<hbm>>) target(%arg13 : memref<128x64xf32, #tpu.memory_space<vmem>>) offsets(%dma_start3A_568 : memref<128xi32, #tpu.memory_space<vmem>>) semaphore(%arg24 : memref<!tpu.dma_semaphore, #tpu.memory_space<semaphore_mem>>)
      %dma_wait3A_572 = arith.constant 3 : i32
      %dma_wait3A_573 = arith.constant 0 : i32
      %dma_wait3A_574 = tpu.memref_slice %arg9[%dma_wait3A_572, %dma_wait3A_573] : memref<8x128xi32, #tpu.memory_space<vmem>> -> memref<1x128xi32, #tpu.memory_space<vmem>>
      %dma_wait3A_575 = tpu.memref_squeeze %dma_wait3A_574 : memref<1x128xi32, #tpu.memory_space<vmem>> -> memref<128xi32, #tpu.memory_space<vmem>>
      %dma_wait3A_576 = arith.constant 0 : i32
      %dma_wait3A_577 = arith.constant 0 : i32
      %dma_wait3A_578 = tpu.memref_slice %arg19[%dma_wait3A_576, %dma_wait3A_577] : memref<10016x64xf32, #tpu.memory_space<vmem_shared>> -> memref<10016x64xf32, #tpu.memory_space<vmem_shared>>
      tpu.wait_indirect_dma semaphore(%arg33 : memref<!tpu.dma_semaphore, #tpu.memory_space<semaphore_mem>>) src(%arg14 : memref<128x64xf32, #tpu.memory_space<vmem>>) dst(%dma_wait3A_578 : memref<10016x64xf32, #tpu.memory_space<vmem_shared>>)
      %dma_start3A_579 = arith.constant 3 : i32
      %dma_start3A_580 = arith.constant 0 : i32
      %dma_start3A_581 = tpu.memref_slice %arg8[%dma_start3A_579, %dma_start3A_580] : memref<8x128xi32, #tpu.memory_space<vmem>> -> memref<1x128xi32, #tpu.memory_space<vmem>>
      %dma_start3A_582 = tpu.memref_squeeze %dma_start3A_581 : memref<1x128xi32, #tpu.memory_space<vmem>> -> memref<128xi32, #tpu.memory_space<vmem>>
      %dma_start3A_583 = arith.constant 0 : i32
      %dma_start3A_584 = arith.constant 0 : i32
      %dma_start3A_585 = tpu.memref_slice %arg2[%dma_start3A_583, %dma_start3A_584] : memref<10000x64xf32, #tpu.memory_space<hbm>> -> memref<10000x64xf32, #tpu.memory_space<hbm>>
      tpu.enqueue_indirect_dma source(%dma_start3A_585 : memref<10000x64xf32, #tpu.memory_space<hbm>>) target(%arg14 : memref<128x64xf32, #tpu.memory_space<vmem>>) offsets(%dma_start3A_582 : memref<128xi32, #tpu.memory_space<vmem>>) semaphore(%arg25 : memref<!tpu.dma_semaphore, #tpu.memory_space<semaphore_mem>>)
      %dma_wait3A_586 = arith.constant 4 : i32
      %dma_wait3A_587 = arith.constant 0 : i32
      %dma_wait3A_588 = tpu.memref_slice %arg9[%dma_wait3A_586, %dma_wait3A_587] : memref<8x128xi32, #tpu.memory_space<vmem>> -> memref<1x128xi32, #tpu.memory_space<vmem>>
      %dma_wait3A_589 = tpu.memref_squeeze %dma_wait3A_588 : memref<1x128xi32, #tpu.memory_space<vmem>> -> memref<128xi32, #tpu.memory_space<vmem>>
      %dma_wait3A_590 = arith.constant 0 : i32
      %dma_wait3A_591 = arith.constant 0 : i32
      %dma_wait3A_592 = tpu.memref_slice %arg19[%dma_wait3A_590, %dma_wait3A_591] : memref<10016x64xf32, #tpu.memory_space<vmem_shared>> -> memref<10016x64xf32, #tpu.memory_space<vmem_shared>>
      tpu.wait_indirect_dma semaphore(%arg34 : memref<!tpu.dma_semaphore, #tpu.memory_space<semaphore_mem>>) src(%arg15 : memref<128x64xf32, #tpu.memory_space<vmem>>) dst(%dma_wait3A_592 : memref<10016x64xf32, #tpu.memory_space<vmem_shared>>)
      %dma_start3A_593 = arith.constant 4 : i32
      %dma_start3A_594 = arith.constant 0 : i32
      %dma_start3A_595 = tpu.memref_slice %arg8[%dma_start3A_593, %dma_start3A_594] : memref<8x128xi32, #tpu.memory_space<vmem>> -> memref<1x128xi32, #tpu.memory_space<vmem>>
      %dma_start3A_596 = tpu.memref_squeeze %dma_start3A_595 : memref<1x128xi32, #tpu.memory_space<vmem>> -> memref<128xi32, #tpu.memory_space<vmem>>
      %dma_start3A_597 = arith.constant 0 : i32
      %dma_start3A_598 = arith.constant 0 : i32
      %dma_start3A_599 = tpu.memref_slice %arg2[%dma_start3A_597, %dma_start3A_598] : memref<10000x64xf32, #tpu.memory_space<hbm>> -> memref<10000x64xf32, #tpu.memory_space<hbm>>
      tpu.enqueue_indirect_dma source(%dma_start3A_599 : memref<10000x64xf32, #tpu.memory_space<hbm>>) target(%arg15 : memref<128x64xf32, #tpu.memory_space<vmem>>) offsets(%dma_start3A_596 : memref<128xi32, #tpu.memory_space<vmem>>) semaphore(%arg26 : memref<!tpu.dma_semaphore, #tpu.memory_space<semaphore_mem>>)
      %dma_wait3A_600 = arith.constant 5 : i32
      %dma_wait3A_601 = arith.constant 0 : i32
      %dma_wait3A_602 = tpu.memref_slice %arg9[%dma_wait3A_600, %dma_wait3A_601] : memref<8x128xi32, #tpu.memory_space<vmem>> -> memref<1x128xi32, #tpu.memory_space<vmem>>
      %dma_wait3A_603 = tpu.memref_squeeze %dma_wait3A_602 : memref<1x128xi32, #tpu.memory_space<vmem>> -> memref<128xi32, #tpu.memory_space<vmem>>
      %dma_wait3A_604 = arith.constant 0 : i32
      %dma_wait3A_605 = arith.constant 0 : i32
      %dma_wait3A_606 = tpu.memref_slice %arg19[%dma_wait3A_604, %dma_wait3A_605] : memref<10016x64xf32, #tpu.memory_space<vmem_shared>> -> memref<10016x64xf32, #tpu.memory_space<vmem_shared>>
      tpu.wait_indirect_dma semaphore(%arg35 : memref<!tpu.dma_semaphore, #tpu.memory_space<semaphore_mem>>) src(%arg16 : memref<128x64xf32, #tpu.memory_space<vmem>>) dst(%dma_wait3A_606 : memref<10016x64xf32, #tpu.memory_space<vmem_shared>>)
      %dma_start3A_607 = arith.constant 5 : i32
      %dma_start3A_608 = arith.constant 0 : i32
      %dma_start3A_609 = tpu.memref_slice %arg8[%dma_start3A_607, %dma_start3A_608] : memref<8x128xi32, #tpu.memory_space<vmem>> -> memref<1x128xi32, #tpu.memory_space<vmem>>
      %dma_start3A_610 = tpu.memref_squeeze %dma_start3A_609 : memref<1x128xi32, #tpu.memory_space<vmem>> -> memref<128xi32, #tpu.memory_space<vmem>>
      %dma_start3A_611 = arith.constant 0 : i32
      %dma_start3A_612 = arith.constant 0 : i32
      %dma_start3A_613 = tpu.memref_slice %arg2[%dma_start3A_611, %dma_start3A_612] : memref<10000x64xf32, #tpu.memory_space<hbm>> -> memref<10000x64xf32, #tpu.memory_space<hbm>>
      tpu.enqueue_indirect_dma source(%dma_start3A_613 : memref<10000x64xf32, #tpu.memory_space<hbm>>) target(%arg16 : memref<128x64xf32, #tpu.memory_space<vmem>>) offsets(%dma_start3A_610 : memref<128xi32, #tpu.memory_space<vmem>>) semaphore(%arg27 : memref<!tpu.dma_semaphore, #tpu.memory_space<semaphore_mem>>)
      %dma_wait3A_614 = arith.constant 6 : i32
      %dma_wait3A_615 = arith.constant 0 : i32
      %dma_wait3A_616 = tpu.memref_slice %arg9[%dma_wait3A_614, %dma_wait3A_615] : memref<8x128xi32, #tpu.memory_space<vmem>> -> memref<1x128xi32, #tpu.memory_space<vmem>>
      %dma_wait3A_617 = tpu.memref_squeeze %dma_wait3A_616 : memref<1x128xi32, #tpu.memory_space<vmem>> -> memref<128xi32, #tpu.memory_space<vmem>>
      %dma_wait3A_618 = arith.constant 0 : i32
      %dma_wait3A_619 = arith.constant 0 : i32
      %dma_wait3A_620 = tpu.memref_slice %arg19[%dma_wait3A_618, %dma_wait3A_619] : memref<10016x64xf32, #tpu.memory_space<vmem_shared>> -> memref<10016x64xf32, #tpu.memory_space<vmem_shared>>
      tpu.wait_indirect_dma semaphore(%arg36 : memref<!tpu.dma_semaphore, #tpu.memory_space<semaphore_mem>>) src(%arg17 : memref<128x64xf32, #tpu.memory_space<vmem>>) dst(%dma_wait3A_620 : memref<10016x64xf32, #tpu.memory_space<vmem_shared>>)
      %dma_start3A_621 = arith.constant 6 : i32
      %dma_start3A_622 = arith.constant 0 : i32
      %dma_start3A_623 = tpu.memref_slice %arg8[%dma_start3A_621, %dma_start3A_622] : memref<8x128xi32, #tpu.memory_space<vmem>> -> memref<1x128xi32, #tpu.memory_space<vmem>>
      %dma_start3A_624 = tpu.memref_squeeze %dma_start3A_623 : memref<1x128xi32, #tpu.memory_space<vmem>> -> memref<128xi32, #tpu.memory_space<vmem>>
      %dma_start3A_625 = arith.constant 0 : i32
      %dma_start3A_626 = arith.constant 0 : i32
      %dma_start3A_627 = tpu.memref_slice %arg2[%dma_start3A_625, %dma_start3A_626] : memref<10000x64xf32, #tpu.memory_space<hbm>> -> memref<10000x64xf32, #tpu.memory_space<hbm>>
      tpu.enqueue_indirect_dma source(%dma_start3A_627 : memref<10000x64xf32, #tpu.memory_space<hbm>>) target(%arg17 : memref<128x64xf32, #tpu.memory_space<vmem>>) offsets(%dma_start3A_624 : memref<128xi32, #tpu.memory_space<vmem>>) semaphore(%arg28 : memref<!tpu.dma_semaphore, #tpu.memory_space<semaphore_mem>>)
      %dma_wait3A_628 = arith.constant 7 : i32
      %dma_wait3A_629 = arith.constant 0 : i32
      %dma_wait3A_630 = tpu.memref_slice %arg9[%dma_wait3A_628, %dma_wait3A_629] : memref<8x128xi32, #tpu.memory_space<vmem>> -> memref<1x128xi32, #tpu.memory_space<vmem>>
      %dma_wait3A_631 = tpu.memref_squeeze %dma_wait3A_630 : memref<1x128xi32, #tpu.memory_space<vmem>> -> memref<128xi32, #tpu.memory_space<vmem>>
      %dma_wait3A_632 = arith.constant 0 : i32
      %dma_wait3A_633 = arith.constant 0 : i32
      %dma_wait3A_634 = tpu.memref_slice %arg19[%dma_wait3A_632, %dma_wait3A_633] : memref<10016x64xf32, #tpu.memory_space<vmem_shared>> -> memref<10016x64xf32, #tpu.memory_space<vmem_shared>>
      tpu.wait_indirect_dma semaphore(%arg37 : memref<!tpu.dma_semaphore, #tpu.memory_space<semaphore_mem>>) src(%arg18 : memref<128x64xf32, #tpu.memory_space<vmem>>) dst(%dma_wait3A_634 : memref<10016x64xf32, #tpu.memory_space<vmem_shared>>)
      %dma_start3A_635 = arith.constant 7 : i32
      %dma_start3A_636 = arith.constant 0 : i32
      %dma_start3A_637 = tpu.memref_slice %arg8[%dma_start3A_635, %dma_start3A_636] : memref<8x128xi32, #tpu.memory_space<vmem>> -> memref<1x128xi32, #tpu.memory_space<vmem>>
      %dma_start3A_638 = tpu.memref_squeeze %dma_start3A_637 : memref<1x128xi32, #tpu.memory_space<vmem>> -> memref<128xi32, #tpu.memory_space<vmem>>
      %dma_start3A_639 = arith.constant 0 : i32
      %dma_start3A_640 = arith.constant 0 : i32
      %dma_start3A_641 = tpu.memref_slice %arg2[%dma_start3A_639, %dma_start3A_640] : memref<10000x64xf32, #tpu.memory_space<hbm>> -> memref<10000x64xf32, #tpu.memory_space<hbm>>
      tpu.enqueue_indirect_dma source(%dma_start3A_641 : memref<10000x64xf32, #tpu.memory_space<hbm>>) target(%arg18 : memref<128x64xf32, #tpu.memory_space<vmem>>) offsets(%dma_start3A_638 : memref<128xi32, #tpu.memory_space<vmem>>) semaphore(%arg29 : memref<!tpu.dma_semaphore, #tpu.memory_space<semaphore_mem>>)
      %add3A_642 = arith.constant 1 : i32
      %add3A_643 = arith.addi %add3A_517, %add3A_642 : i32
      %lt3A = arith.constant 10 : i32
      %lt3A_644 = arith.cmpi slt, %add3A_643, %lt3A : i32
      %convert_element_type3A_645 = arith.extui %lt3A_644 : i1 to i32
      %cond3A_646 = arith.constant 0 : i32
      %cond3A_647 = arith.cmpi ne, %convert_element_type3A_645, %cond3A_646 : i32
      scf.if %cond3A_647 {
        %add3A_1005 = arith.constant 1 : i32
        %add3A_1006 = arith.addi %add3A_517, %add3A_1005 : i32
        %mul3A_1007 = arith.constant 80 : i32
        %mul3A_1008 = arith.muli %add3A, %mul3A_1007 : i32
        %mul3A_1009 = arith.constant 8 : i32
        %mul3A_1010 = arith.muli %add3A_1006, %mul3A_1009 : i32
        %add3A_1011 = arith.addi %mul3A_1008, %mul3A_1010 : i32
        %dma_start3A_1012 = arith.constant 0 : i32
        %dma_start3A_1013 = tpu.memref_slice %arg3[%add3A_1011, %dma_start3A_1012] : memref<2560x128xi32, #tpu.memory_space<hbm>> -> memref<8x128xi32, #tpu.memory_space<hbm>>
        %dma_start3A_1014 = arith.constant 0 : i32
        %dma_start3A_1015 = tpu.memref_slice %arg3[%add3A_1011, %dma_start3A_1014] : memref<2560x128xi32, #tpu.memory_space<hbm>> -> memref<8x128xi32, #tpu.memory_space<hbm>>
        tpu.enqueue_dma source(%dma_start3A_1015 : memref<8x128xi32, #tpu.memory_space<hbm>>) target(%arg7 : memref<8x128xi32, #tpu.memory_space<vmem>>) target_semaphore(%arg20 : memref<!tpu.dma_semaphore, #tpu.memory_space<semaphore_mem>>)
        %dma_start3A_1016 = arith.constant 0 : i32
        %dma_start3A_1017 = tpu.memref_slice %arg4[%add3A_1011, %dma_start3A_1016] : memref<2560x128xi32, #tpu.memory_space<hbm>> -> memref<8x128xi32, #tpu.memory_space<hbm>>
        %dma_start3A_1018 = arith.constant 0 : i32
        %dma_start3A_1019 = tpu.memref_slice %arg4[%add3A_1011, %dma_start3A_1018] : memref<2560x128xi32, #tpu.memory_space<hbm>> -> memref<8x128xi32, #tpu.memory_space<hbm>>
        tpu.enqueue_dma source(%dma_start3A_1019 : memref<8x128xi32, #tpu.memory_space<hbm>>) target(%arg9 : memref<8x128xi32, #tpu.memory_space<vmem>>) target_semaphore(%arg20 : memref<!tpu.dma_semaphore, #tpu.memory_space<semaphore_mem>>)
      } else {
      }
      %dma_wait3A_648 = arith.constant 0 : i32
      %dma_wait3A_649 = arith.constant 0 : i32
      %dma_wait3A_650 = tpu.memref_slice %arg8[%dma_wait3A_648, %dma_wait3A_649] : memref<8x128xi32, #tpu.memory_space<vmem>> -> memref<1x128xi32, #tpu.memory_space<vmem>>
      %dma_wait3A_651 = tpu.memref_squeeze %dma_wait3A_650 : memref<1x128xi32, #tpu.memory_space<vmem>> -> memref<128xi32, #tpu.memory_space<vmem>>
      %dma_wait3A_652 = arith.constant 0 : i32
      %dma_wait3A_653 = arith.constant 0 : i32
      %dma_wait3A_654 = tpu.memref_slice %arg2[%dma_wait3A_652, %dma_wait3A_653] : memref<10000x64xf32, #tpu.memory_space<hbm>> -> memref<10000x64xf32, #tpu.memory_space<hbm>>
      tpu.wait_indirect_dma semaphore(%arg22 : memref<!tpu.dma_semaphore, #tpu.memory_space<semaphore_mem>>) src(%dma_wait3A_654 : memref<10000x64xf32, #tpu.memory_space<hbm>>) dst(%arg11 : memref<128x64xf32, #tpu.memory_space<vmem>>)
      %dma_start3A_655 = arith.constant 0 : i32
      %dma_start3A_656 = arith.constant 0 : i32
      %dma_start3A_657 = tpu.memref_slice %arg10[%dma_start3A_655, %dma_start3A_656] : memref<8x128xi32, #tpu.memory_space<vmem>> -> memref<1x128xi32, #tpu.memory_space<vmem>>
      %dma_start3A_658 = tpu.memref_squeeze %dma_start3A_657 : memref<1x128xi32, #tpu.memory_space<vmem>> -> memref<128xi32, #tpu.memory_space<vmem>>
      %dma_start3A_659 = arith.constant 0 : i32
      %dma_start3A_660 = arith.constant 0 : i32
      %dma_start3A_661 = tpu.memref_slice %arg19[%dma_start3A_659, %dma_start3A_660] : memref<10016x64xf32, #tpu.memory_space<vmem_shared>> -> memref<10016x64xf32, #tpu.memory_space<vmem_shared>>
      tpu.enqueue_indirect_dma source(%arg11 : memref<128x64xf32, #tpu.memory_space<vmem>>) target(%dma_start3A_661 : memref<10016x64xf32, #tpu.memory_space<vmem_shared>>) offsets(%dma_start3A_658 : memref<128xi32, #tpu.memory_space<vmem>>) semaphore(%arg30 : memref<!tpu.dma_semaphore, #tpu.memory_space<semaphore_mem>>) {add = true}
      %dma_wait3A_662 = arith.constant 1 : i32
      %dma_wait3A_663 = arith.constant 0 : i32
      %dma_wait3A_664 = tpu.memref_slice %arg8[%dma_wait3A_662, %dma_wait3A_663] : memref<8x128xi32, #tpu.memory_space<vmem>> -> memref<1x128xi32, #tpu.memory_space<vmem>>
      %dma_wait3A_665 = tpu.memref_squeeze %dma_wait3A_664 : memref<1x128xi32, #tpu.memory_space<vmem>> -> memref<128xi32, #tpu.memory_space<vmem>>
      %dma_wait3A_666 = arith.constant 0 : i32
      %dma_wait3A_667 = arith.constant 0 : i32
      %dma_wait3A_668 = tpu.memref_slice %arg2[%dma_wait3A_666, %dma_wait3A_667] : memref<10000x64xf32, #tpu.memory_space<hbm>> -> memref<10000x64xf32, #tpu.memory_space<hbm>>
      tpu.wait_indirect_dma semaphore(%arg23 : memref<!tpu.dma_semaphore, #tpu.memory_space<semaphore_mem>>) src(%dma_wait3A_668 : memref<10000x64xf32, #tpu.memory_space<hbm>>) dst(%arg12 : memref<128x64xf32, #tpu.memory_space<vmem>>)
      %dma_start3A_669 = arith.constant 1 : i32
      %dma_start3A_670 = arith.constant 0 : i32
      %dma_start3A_671 = tpu.memref_slice %arg10[%dma_start3A_669, %dma_start3A_670] : memref<8x128xi32, #tpu.memory_space<vmem>> -> memref<1x128xi32, #tpu.memory_space<vmem>>
      %dma_start3A_672 = tpu.memref_squeeze %dma_start3A_671 : memref<1x128xi32, #tpu.memory_space<vmem>> -> memref<128xi32, #tpu.memory_space<vmem>>
      %dma_start3A_673 = arith.constant 0 : i32
      %dma_start3A_674 = arith.constant 0 : i32
      %dma_start3A_675 = tpu.memref_slice %arg19[%dma_start3A_673, %dma_start3A_674] : memref<10016x64xf32, #tpu.memory_space<vmem_shared>> -> memref<10016x64xf32, #tpu.memory_space<vmem_shared>>
      tpu.enqueue_indirect_dma source(%arg12 : memref<128x64xf32, #tpu.memory_space<vmem>>) target(%dma_start3A_675 : memref<10016x64xf32, #tpu.memory_space<vmem_shared>>) offsets(%dma_start3A_672 : memref<128xi32, #tpu.memory_space<vmem>>) semaphore(%arg31 : memref<!tpu.dma_semaphore, #tpu.memory_space<semaphore_mem>>) {add = true}
      %dma_wait3A_676 = arith.constant 2 : i32
      %dma_wait3A_677 = arith.constant 0 : i32
      %dma_wait3A_678 = tpu.memref_slice %arg8[%dma_wait3A_676, %dma_wait3A_677] : memref<8x128xi32, #tpu.memory_space<vmem>> -> memref<1x128xi32, #tpu.memory_space<vmem>>
      %dma_wait3A_679 = tpu.memref_squeeze %dma_wait3A_678 : memref<1x128xi32, #tpu.memory_space<vmem>> -> memref<128xi32, #tpu.memory_space<vmem>>
      %dma_wait3A_680 = arith.constant 0 : i32
      %dma_wait3A_681 = arith.constant 0 : i32
      %dma_wait3A_682 = tpu.memref_slice %arg2[%dma_wait3A_680, %dma_wait3A_681] : memref<10000x64xf32, #tpu.memory_space<hbm>> -> memref<10000x64xf32, #tpu.memory_space<hbm>>
      tpu.wait_indirect_dma semaphore(%arg24 : memref<!tpu.dma_semaphore, #tpu.memory_space<semaphore_mem>>) src(%dma_wait3A_682 : memref<10000x64xf32, #tpu.memory_space<hbm>>) dst(%arg13 : memref<128x64xf32, #tpu.memory_space<vmem>>)
      %dma_start3A_683 = arith.constant 2 : i32
      %dma_start3A_684 = arith.constant 0 : i32
      %dma_start3A_685 = tpu.memref_slice %arg10[%dma_start3A_683, %dma_start3A_684] : memref<8x128xi32, #tpu.memory_space<vmem>> -> memref<1x128xi32, #tpu.memory_space<vmem>>
      %dma_start3A_686 = tpu.memref_squeeze %dma_start3A_685 : memref<1x128xi32, #tpu.memory_space<vmem>> -> memref<128xi32, #tpu.memory_space<vmem>>
      %dma_start3A_687 = arith.constant 0 : i32
      %dma_start3A_688 = arith.constant 0 : i32
      %dma_start3A_689 = tpu.memref_slice %arg19[%dma_start3A_687, %dma_start3A_688] : memref<10016x64xf32, #tpu.memory_space<vmem_shared>> -> memref<10016x64xf32, #tpu.memory_space<vmem_shared>>
      tpu.enqueue_indirect_dma source(%arg13 : memref<128x64xf32, #tpu.memory_space<vmem>>) target(%dma_start3A_689 : memref<10016x64xf32, #tpu.memory_space<vmem_shared>>) offsets(%dma_start3A_686 : memref<128xi32, #tpu.memory_space<vmem>>) semaphore(%arg32 : memref<!tpu.dma_semaphore, #tpu.memory_space<semaphore_mem>>) {add = true}
      %dma_wait3A_690 = arith.constant 3 : i32
      %dma_wait3A_691 = arith.constant 0 : i32
      %dma_wait3A_692 = tpu.memref_slice %arg8[%dma_wait3A_690, %dma_wait3A_691] : memref<8x128xi32, #tpu.memory_space<vmem>> -> memref<1x128xi32, #tpu.memory_space<vmem>>
      %dma_wait3A_693 = tpu.memref_squeeze %dma_wait3A_692 : memref<1x128xi32, #tpu.memory_space<vmem>> -> memref<128xi32, #tpu.memory_space<vmem>>
      %dma_wait3A_694 = arith.constant 0 : i32
      %dma_wait3A_695 = arith.constant 0 : i32
      %dma_wait3A_696 = tpu.memref_slice %arg2[%dma_wait3A_694, %dma_wait3A_695] : memref<10000x64xf32, #tpu.memory_space<hbm>> -> memref<10000x64xf32, #tpu.memory_space<hbm>>
      tpu.wait_indirect_dma semaphore(%arg25 : memref<!tpu.dma_semaphore, #tpu.memory_space<semaphore_mem>>) src(%dma_wait3A_696 : memref<10000x64xf32, #tpu.memory_space<hbm>>) dst(%arg14 : memref<128x64xf32, #tpu.memory_space<vmem>>)
      %dma_start3A_697 = arith.constant 3 : i32
      %dma_start3A_698 = arith.constant 0 : i32
      %dma_start3A_699 = tpu.memref_slice %arg10[%dma_start3A_697, %dma_start3A_698] : memref<8x128xi32, #tpu.memory_space<vmem>> -> memref<1x128xi32, #tpu.memory_space<vmem>>
      %dma_start3A_700 = tpu.memref_squeeze %dma_start3A_699 : memref<1x128xi32, #tpu.memory_space<vmem>> -> memref<128xi32, #tpu.memory_space<vmem>>
      %dma_start3A_701 = arith.constant 0 : i32
      %dma_start3A_702 = arith.constant 0 : i32
      %dma_start3A_703 = tpu.memref_slice %arg19[%dma_start3A_701, %dma_start3A_702] : memref<10016x64xf32, #tpu.memory_space<vmem_shared>> -> memref<10016x64xf32, #tpu.memory_space<vmem_shared>>
      tpu.enqueue_indirect_dma source(%arg14 : memref<128x64xf32, #tpu.memory_space<vmem>>) target(%dma_start3A_703 : memref<10016x64xf32, #tpu.memory_space<vmem_shared>>) offsets(%dma_start3A_700 : memref<128xi32, #tpu.memory_space<vmem>>) semaphore(%arg33 : memref<!tpu.dma_semaphore, #tpu.memory_space<semaphore_mem>>) {add = true}
      %dma_wait3A_704 = arith.constant 4 : i32
      %dma_wait3A_705 = arith.constant 0 : i32
      %dma_wait3A_706 = tpu.memref_slice %arg8[%dma_wait3A_704, %dma_wait3A_705] : memref<8x128xi32, #tpu.memory_space<vmem>> -> memref<1x128xi32, #tpu.memory_space<vmem>>
      %dma_wait3A_707 = tpu.memref_squeeze %dma_wait3A_706 : memref<1x128xi32, #tpu.memory_space<vmem>> -> memref<128xi32, #tpu.memory_space<vmem>>
      %dma_wait3A_708 = arith.constant 0 : i32
      %dma_wait3A_709 = arith.constant 0 : i32
      %dma_wait3A_710 = tpu.memref_slice %arg2[%dma_wait3A_708, %dma_wait3A_709] : memref<10000x64xf32, #tpu.memory_space<hbm>> -> memref<10000x64xf32, #tpu.memory_space<hbm>>
      tpu.wait_indirect_dma semaphore(%arg26 : memref<!tpu.dma_semaphore, #tpu.memory_space<semaphore_mem>>) src(%dma_wait3A_710 : memref<10000x64xf32, #tpu.memory_space<hbm>>) dst(%arg15 : memref<128x64xf32, #tpu.memory_space<vmem>>)
      %dma_start3A_711 = arith.constant 4 : i32
      %dma_start3A_712 = arith.constant 0 : i32
      %dma_start3A_713 = tpu.memref_slice %arg10[%dma_start3A_711, %dma_start3A_712] : memref<8x128xi32, #tpu.memory_space<vmem>> -> memref<1x128xi32, #tpu.memory_space<vmem>>
      %dma_start3A_714 = tpu.memref_squeeze %dma_start3A_713 : memref<1x128xi32, #tpu.memory_space<vmem>> -> memref<128xi32, #tpu.memory_space<vmem>>
      %dma_start3A_715 = arith.constant 0 : i32
      %dma_start3A_716 = arith.constant 0 : i32
      %dma_start3A_717 = tpu.memref_slice %arg19[%dma_start3A_715, %dma_start3A_716] : memref<10016x64xf32, #tpu.memory_space<vmem_shared>> -> memref<10016x64xf32, #tpu.memory_space<vmem_shared>>
      tpu.enqueue_indirect_dma source(%arg15 : memref<128x64xf32, #tpu.memory_space<vmem>>) target(%dma_start3A_717 : memref<10016x64xf32, #tpu.memory_space<vmem_shared>>) offsets(%dma_start3A_714 : memref<128xi32, #tpu.memory_space<vmem>>) semaphore(%arg34 : memref<!tpu.dma_semaphore, #tpu.memory_space<semaphore_mem>>) {add = true}
      %dma_wait3A_718 = arith.constant 5 : i32
      %dma_wait3A_719 = arith.constant 0 : i32
      %dma_wait3A_720 = tpu.memref_slice %arg8[%dma_wait3A_718, %dma_wait3A_719] : memref<8x128xi32, #tpu.memory_space<vmem>> -> memref<1x128xi32, #tpu.memory_space<vmem>>
      %dma_wait3A_721 = tpu.memref_squeeze %dma_wait3A_720 : memref<1x128xi32, #tpu.memory_space<vmem>> -> memref<128xi32, #tpu.memory_space<vmem>>
      %dma_wait3A_722 = arith.constant 0 : i32
      %dma_wait3A_723 = arith.constant 0 : i32
      %dma_wait3A_724 = tpu.memref_slice %arg2[%dma_wait3A_722, %dma_wait3A_723] : memref<10000x64xf32, #tpu.memory_space<hbm>> -> memref<10000x64xf32, #tpu.memory_space<hbm>>
      tpu.wait_indirect_dma semaphore(%arg27 : memref<!tpu.dma_semaphore, #tpu.memory_space<semaphore_mem>>) src(%dma_wait3A_724 : memref<10000x64xf32, #tpu.memory_space<hbm>>) dst(%arg16 : memref<128x64xf32, #tpu.memory_space<vmem>>)
      %dma_start3A_725 = arith.constant 5 : i32
      %dma_start3A_726 = arith.constant 0 : i32
      %dma_start3A_727 = tpu.memref_slice %arg10[%dma_start3A_725, %dma_start3A_726] : memref<8x128xi32, #tpu.memory_space<vmem>> -> memref<1x128xi32, #tpu.memory_space<vmem>>
      %dma_start3A_728 = tpu.memref_squeeze %dma_start3A_727 : memref<1x128xi32, #tpu.memory_space<vmem>> -> memref<128xi32, #tpu.memory_space<vmem>>
      %dma_start3A_729 = arith.constant 0 : i32
      %dma_start3A_730 = arith.constant 0 : i32
      %dma_start3A_731 = tpu.memref_slice %arg19[%dma_start3A_729, %dma_start3A_730] : memref<10016x64xf32, #tpu.memory_space<vmem_shared>> -> memref<10016x64xf32, #tpu.memory_space<vmem_shared>>
      tpu.enqueue_indirect_dma source(%arg16 : memref<128x64xf32, #tpu.memory_space<vmem>>) target(%dma_start3A_731 : memref<10016x64xf32, #tpu.memory_space<vmem_shared>>) offsets(%dma_start3A_728 : memref<128xi32, #tpu.memory_space<vmem>>) semaphore(%arg35 : memref<!tpu.dma_semaphore, #tpu.memory_space<semaphore_mem>>) {add = true}
      %dma_wait3A_732 = arith.constant 6 : i32
      %dma_wait3A_733 = arith.constant 0 : i32
      %dma_wait3A_734 = tpu.memref_slice %arg8[%dma_wait3A_732, %dma_wait3A_733] : memref<8x128xi32, #tpu.memory_space<vmem>> -> memref<1x128xi32, #tpu.memory_space<vmem>>
      %dma_wait3A_735 = tpu.memref_squeeze %dma_wait3A_734 : memref<1x128xi32, #tpu.memory_space<vmem>> -> memref<128xi32, #tpu.memory_space<vmem>>
      %dma_wait3A_736 = arith.constant 0 : i32
      %dma_wait3A_737 = arith.constant 0 : i32
      %dma_wait3A_738 = tpu.memref_slice %arg2[%dma_wait3A_736, %dma_wait3A_737] : memref<10000x64xf32, #tpu.memory_space<hbm>> -> memref<10000x64xf32, #tpu.memory_space<hbm>>
      tpu.wait_indirect_dma semaphore(%arg28 : memref<!tpu.dma_semaphore, #tpu.memory_space<semaphore_mem>>) src(%dma_wait3A_738 : memref<10000x64xf32, #tpu.memory_space<hbm>>) dst(%arg17 : memref<128x64xf32, #tpu.memory_space<vmem>>)
      %dma_start3A_739 = arith.constant 6 : i32
      %dma_start3A_740 = arith.constant 0 : i32
      %dma_start3A_741 = tpu.memref_slice %arg10[%dma_start3A_739, %dma_start3A_740] : memref<8x128xi32, #tpu.memory_space<vmem>> -> memref<1x128xi32, #tpu.memory_space<vmem>>
      %dma_start3A_742 = tpu.memref_squeeze %dma_start3A_741 : memref<1x128xi32, #tpu.memory_space<vmem>> -> memref<128xi32, #tpu.memory_space<vmem>>
      %dma_start3A_743 = arith.constant 0 : i32
      %dma_start3A_744 = arith.constant 0 : i32
      %dma_start3A_745 = tpu.memref_slice %arg19[%dma_start3A_743, %dma_start3A_744] : memref<10016x64xf32, #tpu.memory_space<vmem_shared>> -> memref<10016x64xf32, #tpu.memory_space<vmem_shared>>
      tpu.enqueue_indirect_dma source(%arg17 : memref<128x64xf32, #tpu.memory_space<vmem>>) target(%dma_start3A_745 : memref<10016x64xf32, #tpu.memory_space<vmem_shared>>) offsets(%dma_start3A_742 : memref<128xi32, #tpu.memory_space<vmem>>) semaphore(%arg36 : memref<!tpu.dma_semaphore, #tpu.memory_space<semaphore_mem>>) {add = true}
      %dma_wait3A_746 = arith.constant 7 : i32
      %dma_wait3A_747 = arith.constant 0 : i32
      %dma_wait3A_748 = tpu.memref_slice %arg8[%dma_wait3A_746, %dma_wait3A_747] : memref<8x128xi32, #tpu.memory_space<vmem>> -> memref<1x128xi32, #tpu.memory_space<vmem>>
      %dma_wait3A_749 = tpu.memref_squeeze %dma_wait3A_748 : memref<1x128xi32, #tpu.memory_space<vmem>> -> memref<128xi32, #tpu.memory_space<vmem>>
      %dma_wait3A_750 = arith.constant 0 : i32
      %dma_wait3A_751 = arith.constant 0 : i32
      %dma_wait3A_752 = tpu.memref_slice %arg2[%dma_wait3A_750, %dma_wait3A_751] : memref<10000x64xf32, #tpu.memory_space<hbm>> -> memref<10000x64xf32, #tpu.memory_space<hbm>>
      tpu.wait_indirect_dma semaphore(%arg29 : memref<!tpu.dma_semaphore, #tpu.memory_space<semaphore_mem>>) src(%dma_wait3A_752 : memref<10000x64xf32, #tpu.memory_space<hbm>>) dst(%arg18 : memref<128x64xf32, #tpu.memory_space<vmem>>)
      %dma_start3A_753 = arith.constant 7 : i32
      %dma_start3A_754 = arith.constant 0 : i32
      %dma_start3A_755 = tpu.memref_slice %arg10[%dma_start3A_753, %dma_start3A_754] : memref<8x128xi32, #tpu.memory_space<vmem>> -> memref<1x128xi32, #tpu.memory_space<vmem>>
      %dma_start3A_756 = tpu.memref_squeeze %dma_start3A_755 : memref<1x128xi32, #tpu.memory_space<vmem>> -> memref<128xi32, #tpu.memory_space<vmem>>
      %dma_start3A_757 = arith.constant 0 : i32
      %dma_start3A_758 = arith.constant 0 : i32
      %dma_start3A_759 = tpu.memref_slice %arg19[%dma_start3A_757, %dma_start3A_758] : memref<10016x64xf32, #tpu.memory_space<vmem_shared>> -> memref<10016x64xf32, #tpu.memory_space<vmem_shared>>
      tpu.enqueue_indirect_dma source(%arg18 : memref<128x64xf32, #tpu.memory_space<vmem>>) target(%dma_start3A_759 : memref<10016x64xf32, #tpu.memory_space<vmem_shared>>) offsets(%dma_start3A_756 : memref<128xi32, #tpu.memory_space<vmem>>) semaphore(%arg37 : memref<!tpu.dma_semaphore, #tpu.memory_space<semaphore_mem>>) {add = true}
      %add3A_760 = arith.constant 1 : i32
      %add3A_761 = arith.addi %add3A_517, %add3A_760 : i32
      %dma_wait3A_762 = arith.constant 0 : i32
      %dma_wait3A_763 = arith.constant 0 : i32
      %dma_wait3A_764 = tpu.memref_slice %arg3[%dma_wait3A_762, %dma_wait3A_763] : memref<2560x128xi32, #tpu.memory_space<hbm>> -> memref<8x128xi32, #tpu.memory_space<hbm>>
      %dma_wait3A_765 = arith.constant 0 : i32
      %dma_wait3A_766 = arith.constant 0 : i32
      %dma_wait3A_767 = tpu.memref_slice %arg3[%dma_wait3A_765, %dma_wait3A_766] : memref<2560x128xi32, #tpu.memory_space<hbm>> -> memref<8x128xi32, #tpu.memory_space<hbm>>
      tpu.wait_dma2 semaphore(%arg20 : memref<!tpu.dma_semaphore, #tpu.memory_space<semaphore_mem>>) src(%dma_wait3A_767 : memref<8x128xi32, #tpu.memory_space<hbm>>) dst(%arg7 : memref<8x128xi32, #tpu.memory_space<vmem>>)
      %dma_wait3A_768 = arith.constant 0 : i32
      %dma_wait3A_769 = arith.constant 0 : i32
      %dma_wait3A_770 = tpu.memref_slice %arg4[%dma_wait3A_768, %dma_wait3A_769] : memref<2560x128xi32, #tpu.memory_space<hbm>> -> memref<8x128xi32, #tpu.memory_space<hbm>>
      %dma_wait3A_771 = arith.constant 0 : i32
      %dma_wait3A_772 = arith.constant 0 : i32
      %dma_wait3A_773 = tpu.memref_slice %arg4[%dma_wait3A_771, %dma_wait3A_772] : memref<2560x128xi32, #tpu.memory_space<hbm>> -> memref<8x128xi32, #tpu.memory_space<hbm>>
      tpu.wait_dma2 semaphore(%arg20 : memref<!tpu.dma_semaphore, #tpu.memory_space<semaphore_mem>>) src(%dma_wait3A_773 : memref<8x128xi32, #tpu.memory_space<hbm>>) dst(%arg9 : memref<8x128xi32, #tpu.memory_space<vmem>>)
      %dma_wait3A_774 = arith.constant 0 : i32
      %dma_wait3A_775 = arith.constant 0 : i32
      %dma_wait3A_776 = tpu.memref_slice %arg10[%dma_wait3A_774, %dma_wait3A_775] : memref<8x128xi32, #tpu.memory_space<vmem>> -> memref<1x128xi32, #tpu.memory_space<vmem>>
      %dma_wait3A_777 = tpu.memref_squeeze %dma_wait3A_776 : memref<1x128xi32, #tpu.memory_space<vmem>> -> memref<128xi32, #tpu.memory_space<vmem>>
      %dma_wait3A_778 = arith.constant 0 : i32
      %dma_wait3A_779 = arith.constant 0 : i32
      %dma_wait3A_780 = tpu.memref_slice %arg19[%dma_wait3A_778, %dma_wait3A_779] : memref<10016x64xf32, #tpu.memory_space<vmem_shared>> -> memref<10016x64xf32, #tpu.memory_space<vmem_shared>>
      tpu.wait_indirect_dma semaphore(%arg30 : memref<!tpu.dma_semaphore, #tpu.memory_space<semaphore_mem>>) src(%arg11 : memref<128x64xf32, #tpu.memory_space<vmem>>) dst(%dma_wait3A_780 : memref<10016x64xf32, #tpu.memory_space<vmem_shared>>)
      %dma_start3A_781 = arith.constant 0 : i32
      %dma_start3A_782 = arith.constant 0 : i32
      %dma_start3A_783 = tpu.memref_slice %arg7[%dma_start3A_781, %dma_start3A_782] : memref<8x128xi32, #tpu.memory_space<vmem>> -> memref<1x128xi32, #tpu.memory_space<vmem>>
      %dma_start3A_784 = tpu.memref_squeeze %dma_start3A_783 : memref<1x128xi32, #tpu.memory_space<vmem>> -> memref<128xi32, #tpu.memory_space<vmem>>
      %dma_start3A_785 = arith.constant 0 : i32
      %dma_start3A_786 = arith.constant 0 : i32
      %dma_start3A_787 = tpu.memref_slice %arg2[%dma_start3A_785, %dma_start3A_786] : memref<10000x64xf32, #tpu.memory_space<hbm>> -> memref<10000x64xf32, #tpu.memory_space<hbm>>
      tpu.enqueue_indirect_dma source(%dma_start3A_787 : memref<10000x64xf32, #tpu.memory_space<hbm>>) target(%arg11 : memref<128x64xf32, #tpu.memory_space<vmem>>) offsets(%dma_start3A_784 : memref<128xi32, #tpu.memory_space<vmem>>) semaphore(%arg22 : memref<!tpu.dma_semaphore, #tpu.memory_space<semaphore_mem>>)
      %dma_wait3A_788 = arith.constant 1 : i32
      %dma_wait3A_789 = arith.constant 0 : i32
      %dma_wait3A_790 = tpu.memref_slice %arg10[%dma_wait3A_788, %dma_wait3A_789] : memref<8x128xi32, #tpu.memory_space<vmem>> -> memref<1x128xi32, #tpu.memory_space<vmem>>
      %dma_wait3A_791 = tpu.memref_squeeze %dma_wait3A_790 : memref<1x128xi32, #tpu.memory_space<vmem>> -> memref<128xi32, #tpu.memory_space<vmem>>
      %dma_wait3A_792 = arith.constant 0 : i32
      %dma_wait3A_793 = arith.constant 0 : i32
      %dma_wait3A_794 = tpu.memref_slice %arg19[%dma_wait3A_792, %dma_wait3A_793] : memref<10016x64xf32, #tpu.memory_space<vmem_shared>> -> memref<10016x64xf32, #tpu.memory_space<vmem_shared>>
      tpu.wait_indirect_dma semaphore(%arg31 : memref<!tpu.dma_semaphore, #tpu.memory_space<semaphore_mem>>) src(%arg12 : memref<128x64xf32, #tpu.memory_space<vmem>>) dst(%dma_wait3A_794 : memref<10016x64xf32, #tpu.memory_space<vmem_shared>>)
      %dma_start3A_795 = arith.constant 1 : i32
      %dma_start3A_796 = arith.constant 0 : i32
      %dma_start3A_797 = tpu.memref_slice %arg7[%dma_start3A_795, %dma_start3A_796] : memref<8x128xi32, #tpu.memory_space<vmem>> -> memref<1x128xi32, #tpu.memory_space<vmem>>
      %dma_start3A_798 = tpu.memref_squeeze %dma_start3A_797 : memref<1x128xi32, #tpu.memory_space<vmem>> -> memref<128xi32, #tpu.memory_space<vmem>>
      %dma_start3A_799 = arith.constant 0 : i32
      %dma_start3A_800 = arith.constant 0 : i32
      %dma_start3A_801 = tpu.memref_slice %arg2[%dma_start3A_799, %dma_start3A_800] : memref<10000x64xf32, #tpu.memory_space<hbm>> -> memref<10000x64xf32, #tpu.memory_space<hbm>>
      tpu.enqueue_indirect_dma source(%dma_start3A_801 : memref<10000x64xf32, #tpu.memory_space<hbm>>) target(%arg12 : memref<128x64xf32, #tpu.memory_space<vmem>>) offsets(%dma_start3A_798 : memref<128xi32, #tpu.memory_space<vmem>>) semaphore(%arg23 : memref<!tpu.dma_semaphore, #tpu.memory_space<semaphore_mem>>)
      %dma_wait3A_802 = arith.constant 2 : i32
      %dma_wait3A_803 = arith.constant 0 : i32
      %dma_wait3A_804 = tpu.memref_slice %arg10[%dma_wait3A_802, %dma_wait3A_803] : memref<8x128xi32, #tpu.memory_space<vmem>> -> memref<1x128xi32, #tpu.memory_space<vmem>>
      %dma_wait3A_805 = tpu.memref_squeeze %dma_wait3A_804 : memref<1x128xi32, #tpu.memory_space<vmem>> -> memref<128xi32, #tpu.memory_space<vmem>>
      %dma_wait3A_806 = arith.constant 0 : i32
      %dma_wait3A_807 = arith.constant 0 : i32
      %dma_wait3A_808 = tpu.memref_slice %arg19[%dma_wait3A_806, %dma_wait3A_807] : memref<10016x64xf32, #tpu.memory_space<vmem_shared>> -> memref<10016x64xf32, #tpu.memory_space<vmem_shared>>
      tpu.wait_indirect_dma semaphore(%arg32 : memref<!tpu.dma_semaphore, #tpu.memory_space<semaphore_mem>>) src(%arg13 : memref<128x64xf32, #tpu.memory_space<vmem>>) dst(%dma_wait3A_808 : memref<10016x64xf32, #tpu.memory_space<vmem_shared>>)
      %dma_start3A_809 = arith.constant 2 : i32
      %dma_start3A_810 = arith.constant 0 : i32
      %dma_start3A_811 = tpu.memref_slice %arg7[%dma_start3A_809, %dma_start3A_810] : memref<8x128xi32, #tpu.memory_space<vmem>> -> memref<1x128xi32, #tpu.memory_space<vmem>>
      %dma_start3A_812 = tpu.memref_squeeze %dma_start3A_811 : memref<1x128xi32, #tpu.memory_space<vmem>> -> memref<128xi32, #tpu.memory_space<vmem>>
      %dma_start3A_813 = arith.constant 0 : i32
      %dma_start3A_814 = arith.constant 0 : i32
      %dma_start3A_815 = tpu.memref_slice %arg2[%dma_start3A_813, %dma_start3A_814] : memref<10000x64xf32, #tpu.memory_space<hbm>> -> memref<10000x64xf32, #tpu.memory_space<hbm>>
      tpu.enqueue_indirect_dma source(%dma_start3A_815 : memref<10000x64xf32, #tpu.memory_space<hbm>>) target(%arg13 : memref<128x64xf32, #tpu.memory_space<vmem>>) offsets(%dma_start3A_812 : memref<128xi32, #tpu.memory_space<vmem>>) semaphore(%arg24 : memref<!tpu.dma_semaphore, #tpu.memory_space<semaphore_mem>>)
      %dma_wait3A_816 = arith.constant 3 : i32
      %dma_wait3A_817 = arith.constant 0 : i32
      %dma_wait3A_818 = tpu.memref_slice %arg10[%dma_wait3A_816, %dma_wait3A_817] : memref<8x128xi32, #tpu.memory_space<vmem>> -> memref<1x128xi32, #tpu.memory_space<vmem>>
      %dma_wait3A_819 = tpu.memref_squeeze %dma_wait3A_818 : memref<1x128xi32, #tpu.memory_space<vmem>> -> memref<128xi32, #tpu.memory_space<vmem>>
      %dma_wait3A_820 = arith.constant 0 : i32
      %dma_wait3A_821 = arith.constant 0 : i32
      %dma_wait3A_822 = tpu.memref_slice %arg19[%dma_wait3A_820, %dma_wait3A_821] : memref<10016x64xf32, #tpu.memory_space<vmem_shared>> -> memref<10016x64xf32, #tpu.memory_space<vmem_shared>>
      tpu.wait_indirect_dma semaphore(%arg33 : memref<!tpu.dma_semaphore, #tpu.memory_space<semaphore_mem>>) src(%arg14 : memref<128x64xf32, #tpu.memory_space<vmem>>) dst(%dma_wait3A_822 : memref<10016x64xf32, #tpu.memory_space<vmem_shared>>)
      %dma_start3A_823 = arith.constant 3 : i32
      %dma_start3A_824 = arith.constant 0 : i32
      %dma_start3A_825 = tpu.memref_slice %arg7[%dma_start3A_823, %dma_start3A_824] : memref<8x128xi32, #tpu.memory_space<vmem>> -> memref<1x128xi32, #tpu.memory_space<vmem>>
      %dma_start3A_826 = tpu.memref_squeeze %dma_start3A_825 : memref<1x128xi32, #tpu.memory_space<vmem>> -> memref<128xi32, #tpu.memory_space<vmem>>
      %dma_start3A_827 = arith.constant 0 : i32
      %dma_start3A_828 = arith.constant 0 : i32
      %dma_start3A_829 = tpu.memref_slice %arg2[%dma_start3A_827, %dma_start3A_828] : memref<10000x64xf32, #tpu.memory_space<hbm>> -> memref<10000x64xf32, #tpu.memory_space<hbm>>
      tpu.enqueue_indirect_dma source(%dma_start3A_829 : memref<10000x64xf32, #tpu.memory_space<hbm>>) target(%arg14 : memref<128x64xf32, #tpu.memory_space<vmem>>) offsets(%dma_start3A_826 : memref<128xi32, #tpu.memory_space<vmem>>) semaphore(%arg25 : memref<!tpu.dma_semaphore, #tpu.memory_space<semaphore_mem>>)
      %dma_wait3A_830 = arith.constant 4 : i32
      %dma_wait3A_831 = arith.constant 0 : i32
      %dma_wait3A_832 = tpu.memref_slice %arg10[%dma_wait3A_830, %dma_wait3A_831] : memref<8x128xi32, #tpu.memory_space<vmem>> -> memref<1x128xi32, #tpu.memory_space<vmem>>
      %dma_wait3A_833 = tpu.memref_squeeze %dma_wait3A_832 : memref<1x128xi32, #tpu.memory_space<vmem>> -> memref<128xi32, #tpu.memory_space<vmem>>
      %dma_wait3A_834 = arith.constant 0 : i32
      %dma_wait3A_835 = arith.constant 0 : i32
      %dma_wait3A_836 = tpu.memref_slice %arg19[%dma_wait3A_834, %dma_wait3A_835] : memref<10016x64xf32, #tpu.memory_space<vmem_shared>> -> memref<10016x64xf32, #tpu.memory_space<vmem_shared>>
      tpu.wait_indirect_dma semaphore(%arg34 : memref<!tpu.dma_semaphore, #tpu.memory_space<semaphore_mem>>) src(%arg15 : memref<128x64xf32, #tpu.memory_space<vmem>>) dst(%dma_wait3A_836 : memref<10016x64xf32, #tpu.memory_space<vmem_shared>>)
      %dma_start3A_837 = arith.constant 4 : i32
      %dma_start3A_838 = arith.constant 0 : i32
      %dma_start3A_839 = tpu.memref_slice %arg7[%dma_start3A_837, %dma_start3A_838] : memref<8x128xi32, #tpu.memory_space<vmem>> -> memref<1x128xi32, #tpu.memory_space<vmem>>
      %dma_start3A_840 = tpu.memref_squeeze %dma_start3A_839 : memref<1x128xi32, #tpu.memory_space<vmem>> -> memref<128xi32, #tpu.memory_space<vmem>>
      %dma_start3A_841 = arith.constant 0 : i32
      %dma_start3A_842 = arith.constant 0 : i32
      %dma_start3A_843 = tpu.memref_slice %arg2[%dma_start3A_841, %dma_start3A_842] : memref<10000x64xf32, #tpu.memory_space<hbm>> -> memref<10000x64xf32, #tpu.memory_space<hbm>>
      tpu.enqueue_indirect_dma source(%dma_start3A_843 : memref<10000x64xf32, #tpu.memory_space<hbm>>) target(%arg15 : memref<128x64xf32, #tpu.memory_space<vmem>>) offsets(%dma_start3A_840 : memref<128xi32, #tpu.memory_space<vmem>>) semaphore(%arg26 : memref<!tpu.dma_semaphore, #tpu.memory_space<semaphore_mem>>)
      %dma_wait3A_844 = arith.constant 5 : i32
      %dma_wait3A_845 = arith.constant 0 : i32
      %dma_wait3A_846 = tpu.memref_slice %arg10[%dma_wait3A_844, %dma_wait3A_845] : memref<8x128xi32, #tpu.memory_space<vmem>> -> memref<1x128xi32, #tpu.memory_space<vmem>>
      %dma_wait3A_847 = tpu.memref_squeeze %dma_wait3A_846 : memref<1x128xi32, #tpu.memory_space<vmem>> -> memref<128xi32, #tpu.memory_space<vmem>>
      %dma_wait3A_848 = arith.constant 0 : i32
      %dma_wait3A_849 = arith.constant 0 : i32
      %dma_wait3A_850 = tpu.memref_slice %arg19[%dma_wait3A_848, %dma_wait3A_849] : memref<10016x64xf32, #tpu.memory_space<vmem_shared>> -> memref<10016x64xf32, #tpu.memory_space<vmem_shared>>
      tpu.wait_indirect_dma semaphore(%arg35 : memref<!tpu.dma_semaphore, #tpu.memory_space<semaphore_mem>>) src(%arg16 : memref<128x64xf32, #tpu.memory_space<vmem>>) dst(%dma_wait3A_850 : memref<10016x64xf32, #tpu.memory_space<vmem_shared>>)
      %dma_start3A_851 = arith.constant 5 : i32
      %dma_start3A_852 = arith.constant 0 : i32
      %dma_start3A_853 = tpu.memref_slice %arg7[%dma_start3A_851, %dma_start3A_852] : memref<8x128xi32, #tpu.memory_space<vmem>> -> memref<1x128xi32, #tpu.memory_space<vmem>>
      %dma_start3A_854 = tpu.memref_squeeze %dma_start3A_853 : memref<1x128xi32, #tpu.memory_space<vmem>> -> memref<128xi32, #tpu.memory_space<vmem>>
      %dma_start3A_855 = arith.constant 0 : i32
      %dma_start3A_856 = arith.constant 0 : i32
      %dma_start3A_857 = tpu.memref_slice %arg2[%dma_start3A_855, %dma_start3A_856] : memref<10000x64xf32, #tpu.memory_space<hbm>> -> memref<10000x64xf32, #tpu.memory_space<hbm>>
      tpu.enqueue_indirect_dma source(%dma_start3A_857 : memref<10000x64xf32, #tpu.memory_space<hbm>>) target(%arg16 : memref<128x64xf32, #tpu.memory_space<vmem>>) offsets(%dma_start3A_854 : memref<128xi32, #tpu.memory_space<vmem>>) semaphore(%arg27 : memref<!tpu.dma_semaphore, #tpu.memory_space<semaphore_mem>>)
      %dma_wait3A_858 = arith.constant 6 : i32
      %dma_wait3A_859 = arith.constant 0 : i32
      %dma_wait3A_860 = tpu.memref_slice %arg10[%dma_wait3A_858, %dma_wait3A_859] : memref<8x128xi32, #tpu.memory_space<vmem>> -> memref<1x128xi32, #tpu.memory_space<vmem>>
      %dma_wait3A_861 = tpu.memref_squeeze %dma_wait3A_860 : memref<1x128xi32, #tpu.memory_space<vmem>> -> memref<128xi32, #tpu.memory_space<vmem>>
      %dma_wait3A_862 = arith.constant 0 : i32
      %dma_wait3A_863 = arith.constant 0 : i32
      %dma_wait3A_864 = tpu.memref_slice %arg19[%dma_wait3A_862, %dma_wait3A_863] : memref<10016x64xf32, #tpu.memory_space<vmem_shared>> -> memref<10016x64xf32, #tpu.memory_space<vmem_shared>>
      tpu.wait_indirect_dma semaphore(%arg36 : memref<!tpu.dma_semaphore, #tpu.memory_space<semaphore_mem>>) src(%arg17 : memref<128x64xf32, #tpu.memory_space<vmem>>) dst(%dma_wait3A_864 : memref<10016x64xf32, #tpu.memory_space<vmem_shared>>)
      %dma_start3A_865 = arith.constant 6 : i32
      %dma_start3A_866 = arith.constant 0 : i32
      %dma_start3A_867 = tpu.memref_slice %arg7[%dma_start3A_865, %dma_start3A_866] : memref<8x128xi32, #tpu.memory_space<vmem>> -> memref<1x128xi32, #tpu.memory_space<vmem>>
      %dma_start3A_868 = tpu.memref_squeeze %dma_start3A_867 : memref<1x128xi32, #tpu.memory_space<vmem>> -> memref<128xi32, #tpu.memory_space<vmem>>
      %dma_start3A_869 = arith.constant 0 : i32
      %dma_start3A_870 = arith.constant 0 : i32
      %dma_start3A_871 = tpu.memref_slice %arg2[%dma_start3A_869, %dma_start3A_870] : memref<10000x64xf32, #tpu.memory_space<hbm>> -> memref<10000x64xf32, #tpu.memory_space<hbm>>
      tpu.enqueue_indirect_dma source(%dma_start3A_871 : memref<10000x64xf32, #tpu.memory_space<hbm>>) target(%arg17 : memref<128x64xf32, #tpu.memory_space<vmem>>) offsets(%dma_start3A_868 : memref<128xi32, #tpu.memory_space<vmem>>) semaphore(%arg28 : memref<!tpu.dma_semaphore, #tpu.memory_space<semaphore_mem>>)
      %dma_wait3A_872 = arith.constant 7 : i32
      %dma_wait3A_873 = arith.constant 0 : i32
      %dma_wait3A_874 = tpu.memref_slice %arg10[%dma_wait3A_872, %dma_wait3A_873] : memref<8x128xi32, #tpu.memory_space<vmem>> -> memref<1x128xi32, #tpu.memory_space<vmem>>
      %dma_wait3A_875 = tpu.memref_squeeze %dma_wait3A_874 : memref<1x128xi32, #tpu.memory_space<vmem>> -> memref<128xi32, #tpu.memory_space<vmem>>
      %dma_wait3A_876 = arith.constant 0 : i32
      %dma_wait3A_877 = arith.constant 0 : i32
      %dma_wait3A_878 = tpu.memref_slice %arg19[%dma_wait3A_876, %dma_wait3A_877] : memref<10016x64xf32, #tpu.memory_space<vmem_shared>> -> memref<10016x64xf32, #tpu.memory_space<vmem_shared>>
      tpu.wait_indirect_dma semaphore(%arg37 : memref<!tpu.dma_semaphore, #tpu.memory_space<semaphore_mem>>) src(%arg18 : memref<128x64xf32, #tpu.memory_space<vmem>>) dst(%dma_wait3A_878 : memref<10016x64xf32, #tpu.memory_space<vmem_shared>>)
      %dma_start3A_879 = arith.constant 7 : i32
      %dma_start3A_880 = arith.constant 0 : i32
      %dma_start3A_881 = tpu.memref_slice %arg7[%dma_start3A_879, %dma_start3A_880] : memref<8x128xi32, #tpu.memory_space<vmem>> -> memref<1x128xi32, #tpu.memory_space<vmem>>
      %dma_start3A_882 = tpu.memref_squeeze %dma_start3A_881 : memref<1x128xi32, #tpu.memory_space<vmem>> -> memref<128xi32, #tpu.memory_space<vmem>>
      %dma_start3A_883 = arith.constant 0 : i32
      %dma_start3A_884 = arith.constant 0 : i32
      %dma_start3A_885 = tpu.memref_slice %arg2[%dma_start3A_883, %dma_start3A_884] : memref<10000x64xf32, #tpu.memory_space<hbm>> -> memref<10000x64xf32, #tpu.memory_space<hbm>>
      tpu.enqueue_indirect_dma source(%dma_start3A_885 : memref<10000x64xf32, #tpu.memory_space<hbm>>) target(%arg18 : memref<128x64xf32, #tpu.memory_space<vmem>>) offsets(%dma_start3A_882 : memref<128xi32, #tpu.memory_space<vmem>>) semaphore(%arg29 : memref<!tpu.dma_semaphore, #tpu.memory_space<semaphore_mem>>)
      %add3A_886 = arith.constant 1 : i32
      %add3A_887 = arith.addi %add3A_761, %add3A_886 : i32
      %lt3A_888 = arith.constant 10 : i32
      %lt3A_889 = arith.cmpi slt, %add3A_887, %lt3A_888 : i32
      %convert_element_type3A_890 = arith.extui %lt3A_889 : i1 to i32
      %cond3A_891 = arith.constant 0 : i32
      %cond3A_892 = arith.cmpi ne, %convert_element_type3A_890, %cond3A_891 : i32
      scf.if %cond3A_892 {
        %add3A_1005 = arith.constant 1 : i32
        %add3A_1006 = arith.addi %add3A_761, %add3A_1005 : i32
        %mul3A_1007 = arith.constant 80 : i32
        %mul3A_1008 = arith.muli %add3A, %mul3A_1007 : i32
        %mul3A_1009 = arith.constant 8 : i32
        %mul3A_1010 = arith.muli %add3A_1006, %mul3A_1009 : i32
        %add3A_1011 = arith.addi %mul3A_1008, %mul3A_1010 : i32
        %dma_start3A_1012 = arith.constant 0 : i32
        %dma_start3A_1013 = tpu.memref_slice %arg3[%add3A_1011, %dma_start3A_1012] : memref<2560x128xi32, #tpu.memory_space<hbm>> -> memref<8x128xi32, #tpu.memory_space<hbm>>
        %dma_start3A_1014 = arith.constant 0 : i32
        %dma_start3A_1015 = tpu.memref_slice %arg3[%add3A_1011, %dma_start3A_1014] : memref<2560x128xi32, #tpu.memory_space<hbm>> -> memref<8x128xi32, #tpu.memory_space<hbm>>
        tpu.enqueue_dma source(%dma_start3A_1015 : memref<8x128xi32, #tpu.memory_space<hbm>>) target(%arg8 : memref<8x128xi32, #tpu.memory_space<vmem>>) target_semaphore(%arg21 : memref<!tpu.dma_semaphore, #tpu.memory_space<semaphore_mem>>)
        %dma_start3A_1016 = arith.constant 0 : i32
        %dma_start3A_1017 = tpu.memref_slice %arg4[%add3A_1011, %dma_start3A_1016] : memref<2560x128xi32, #tpu.memory_space<hbm>> -> memref<8x128xi32, #tpu.memory_space<hbm>>
        %dma_start3A_1018 = arith.constant 0 : i32
        %dma_start3A_1019 = tpu.memref_slice %arg4[%add3A_1011, %dma_start3A_1018] : memref<2560x128xi32, #tpu.memory_space<hbm>> -> memref<8x128xi32, #tpu.memory_space<hbm>>
        tpu.enqueue_dma source(%dma_start3A_1019 : memref<8x128xi32, #tpu.memory_space<hbm>>) target(%arg10 : memref<8x128xi32, #tpu.memory_space<vmem>>) target_semaphore(%arg21 : memref<!tpu.dma_semaphore, #tpu.memory_space<semaphore_mem>>)
      } else {
      }
      %dma_wait3A_893 = arith.constant 0 : i32
      %dma_wait3A_894 = arith.constant 0 : i32
      %dma_wait3A_895 = tpu.memref_slice %arg7[%dma_wait3A_893, %dma_wait3A_894] : memref<8x128xi32, #tpu.memory_space<vmem>> -> memref<1x128xi32, #tpu.memory_space<vmem>>
      %dma_wait3A_896 = tpu.memref_squeeze %dma_wait3A_895 : memref<1x128xi32, #tpu.memory_space<vmem>> -> memref<128xi32, #tpu.memory_space<vmem>>
      %dma_wait3A_897 = arith.constant 0 : i32
      %dma_wait3A_898 = arith.constant 0 : i32
      %dma_wait3A_899 = tpu.memref_slice %arg2[%dma_wait3A_897, %dma_wait3A_898] : memref<10000x64xf32, #tpu.memory_space<hbm>> -> memref<10000x64xf32, #tpu.memory_space<hbm>>
      tpu.wait_indirect_dma semaphore(%arg22 : memref<!tpu.dma_semaphore, #tpu.memory_space<semaphore_mem>>) src(%dma_wait3A_899 : memref<10000x64xf32, #tpu.memory_space<hbm>>) dst(%arg11 : memref<128x64xf32, #tpu.memory_space<vmem>>)
      %dma_start3A_900 = arith.constant 0 : i32
      %dma_start3A_901 = arith.constant 0 : i32
      %dma_start3A_902 = tpu.memref_slice %arg9[%dma_start3A_900, %dma_start3A_901] : memref<8x128xi32, #tpu.memory_space<vmem>> -> memref<1x128xi32, #tpu.memory_space<vmem>>
      %dma_start3A_903 = tpu.memref_squeeze %dma_start3A_902 : memref<1x128xi32, #tpu.memory_space<vmem>> -> memref<128xi32, #tpu.memory_space<vmem>>
      %dma_start3A_904 = arith.constant 0 : i32
      %dma_start3A_905 = arith.constant 0 : i32
      %dma_start3A_906 = tpu.memref_slice %arg19[%dma_start3A_904, %dma_start3A_905] : memref<10016x64xf32, #tpu.memory_space<vmem_shared>> -> memref<10016x64xf32, #tpu.memory_space<vmem_shared>>
      tpu.enqueue_indirect_dma source(%arg11 : memref<128x64xf32, #tpu.memory_space<vmem>>) target(%dma_start3A_906 : memref<10016x64xf32, #tpu.memory_space<vmem_shared>>) offsets(%dma_start3A_903 : memref<128xi32, #tpu.memory_space<vmem>>) semaphore(%arg30 : memref<!tpu.dma_semaphore, #tpu.memory_space<semaphore_mem>>) {add = true}
      %dma_wait3A_907 = arith.constant 1 : i32
      %dma_wait3A_908 = arith.constant 0 : i32
      %dma_wait3A_909 = tpu.memref_slice %arg7[%dma_wait3A_907, %dma_wait3A_908] : memref<8x128xi32, #tpu.memory_space<vmem>> -> memref<1x128xi32, #tpu.memory_space<vmem>>
      %dma_wait3A_910 = tpu.memref_squeeze %dma_wait3A_909 : memref<1x128xi32, #tpu.memory_space<vmem>> -> memref<128xi32, #tpu.memory_space<vmem>>
      %dma_wait3A_911 = arith.constant 0 : i32
      %dma_wait3A_912 = arith.constant 0 : i32
      %dma_wait3A_913 = tpu.memref_slice %arg2[%dma_wait3A_911, %dma_wait3A_912] : memref<10000x64xf32, #tpu.memory_space<hbm>> -> memref<10000x64xf32, #tpu.memory_space<hbm>>
      tpu.wait_indirect_dma semaphore(%arg23 : memref<!tpu.dma_semaphore, #tpu.memory_space<semaphore_mem>>) src(%dma_wait3A_913 : memref<10000x64xf32, #tpu.memory_space<hbm>>) dst(%arg12 : memref<128x64xf32, #tpu.memory_space<vmem>>)
      %dma_start3A_914 = arith.constant 1 : i32
      %dma_start3A_915 = arith.constant 0 : i32
      %dma_start3A_916 = tpu.memref_slice %arg9[%dma_start3A_914, %dma_start3A_915] : memref<8x128xi32, #tpu.memory_space<vmem>> -> memref<1x128xi32, #tpu.memory_space<vmem>>
      %dma_start3A_917 = tpu.memref_squeeze %dma_start3A_916 : memref<1x128xi32, #tpu.memory_space<vmem>> -> memref<128xi32, #tpu.memory_space<vmem>>
      %dma_start3A_918 = arith.constant 0 : i32
      %dma_start3A_919 = arith.constant 0 : i32
      %dma_start3A_920 = tpu.memref_slice %arg19[%dma_start3A_918, %dma_start3A_919] : memref<10016x64xf32, #tpu.memory_space<vmem_shared>> -> memref<10016x64xf32, #tpu.memory_space<vmem_shared>>
      tpu.enqueue_indirect_dma source(%arg12 : memref<128x64xf32, #tpu.memory_space<vmem>>) target(%dma_start3A_920 : memref<10016x64xf32, #tpu.memory_space<vmem_shared>>) offsets(%dma_start3A_917 : memref<128xi32, #tpu.memory_space<vmem>>) semaphore(%arg31 : memref<!tpu.dma_semaphore, #tpu.memory_space<semaphore_mem>>) {add = true}
      %dma_wait3A_921 = arith.constant 2 : i32
      %dma_wait3A_922 = arith.constant 0 : i32
      %dma_wait3A_923 = tpu.memref_slice %arg7[%dma_wait3A_921, %dma_wait3A_922] : memref<8x128xi32, #tpu.memory_space<vmem>> -> memref<1x128xi32, #tpu.memory_space<vmem>>
      %dma_wait3A_924 = tpu.memref_squeeze %dma_wait3A_923 : memref<1x128xi32, #tpu.memory_space<vmem>> -> memref<128xi32, #tpu.memory_space<vmem>>
      %dma_wait3A_925 = arith.constant 0 : i32
      %dma_wait3A_926 = arith.constant 0 : i32
      %dma_wait3A_927 = tpu.memref_slice %arg2[%dma_wait3A_925, %dma_wait3A_926] : memref<10000x64xf32, #tpu.memory_space<hbm>> -> memref<10000x64xf32, #tpu.memory_space<hbm>>
      tpu.wait_indirect_dma semaphore(%arg24 : memref<!tpu.dma_semaphore, #tpu.memory_space<semaphore_mem>>) src(%dma_wait3A_927 : memref<10000x64xf32, #tpu.memory_space<hbm>>) dst(%arg13 : memref<128x64xf32, #tpu.memory_space<vmem>>)
      %dma_start3A_928 = arith.constant 2 : i32
      %dma_start3A_929 = arith.constant 0 : i32
      %dma_start3A_930 = tpu.memref_slice %arg9[%dma_start3A_928, %dma_start3A_929] : memref<8x128xi32, #tpu.memory_space<vmem>> -> memref<1x128xi32, #tpu.memory_space<vmem>>
      %dma_start3A_931 = tpu.memref_squeeze %dma_start3A_930 : memref<1x128xi32, #tpu.memory_space<vmem>> -> memref<128xi32, #tpu.memory_space<vmem>>
      %dma_start3A_932 = arith.constant 0 : i32
      %dma_start3A_933 = arith.constant 0 : i32
      %dma_start3A_934 = tpu.memref_slice %arg19[%dma_start3A_932, %dma_start3A_933] : memref<10016x64xf32, #tpu.memory_space<vmem_shared>> -> memref<10016x64xf32, #tpu.memory_space<vmem_shared>>
      tpu.enqueue_indirect_dma source(%arg13 : memref<128x64xf32, #tpu.memory_space<vmem>>) target(%dma_start3A_934 : memref<10016x64xf32, #tpu.memory_space<vmem_shared>>) offsets(%dma_start3A_931 : memref<128xi32, #tpu.memory_space<vmem>>) semaphore(%arg32 : memref<!tpu.dma_semaphore, #tpu.memory_space<semaphore_mem>>) {add = true}
      %dma_wait3A_935 = arith.constant 3 : i32
      %dma_wait3A_936 = arith.constant 0 : i32
      %dma_wait3A_937 = tpu.memref_slice %arg7[%dma_wait3A_935, %dma_wait3A_936] : memref<8x128xi32, #tpu.memory_space<vmem>> -> memref<1x128xi32, #tpu.memory_space<vmem>>
      %dma_wait3A_938 = tpu.memref_squeeze %dma_wait3A_937 : memref<1x128xi32, #tpu.memory_space<vmem>> -> memref<128xi32, #tpu.memory_space<vmem>>
      %dma_wait3A_939 = arith.constant 0 : i32
      %dma_wait3A_940 = arith.constant 0 : i32
      %dma_wait3A_941 = tpu.memref_slice %arg2[%dma_wait3A_939, %dma_wait3A_940] : memref<10000x64xf32, #tpu.memory_space<hbm>> -> memref<10000x64xf32, #tpu.memory_space<hbm>>
      tpu.wait_indirect_dma semaphore(%arg25 : memref<!tpu.dma_semaphore, #tpu.memory_space<semaphore_mem>>) src(%dma_wait3A_941 : memref<10000x64xf32, #tpu.memory_space<hbm>>) dst(%arg14 : memref<128x64xf32, #tpu.memory_space<vmem>>)
      %dma_start3A_942 = arith.constant 3 : i32
      %dma_start3A_943 = arith.constant 0 : i32
      %dma_start3A_944 = tpu.memref_slice %arg9[%dma_start3A_942, %dma_start3A_943] : memref<8x128xi32, #tpu.memory_space<vmem>> -> memref<1x128xi32, #tpu.memory_space<vmem>>
      %dma_start3A_945 = tpu.memref_squeeze %dma_start3A_944 : memref<1x128xi32, #tpu.memory_space<vmem>> -> memref<128xi32, #tpu.memory_space<vmem>>
      %dma_start3A_946 = arith.constant 0 : i32
      %dma_start3A_947 = arith.constant 0 : i32
      %dma_start3A_948 = tpu.memref_slice %arg19[%dma_start3A_946, %dma_start3A_947] : memref<10016x64xf32, #tpu.memory_space<vmem_shared>> -> memref<10016x64xf32, #tpu.memory_space<vmem_shared>>
      tpu.enqueue_indirect_dma source(%arg14 : memref<128x64xf32, #tpu.memory_space<vmem>>) target(%dma_start3A_948 : memref<10016x64xf32, #tpu.memory_space<vmem_shared>>) offsets(%dma_start3A_945 : memref<128xi32, #tpu.memory_space<vmem>>) semaphore(%arg33 : memref<!tpu.dma_semaphore, #tpu.memory_space<semaphore_mem>>) {add = true}
      %dma_wait3A_949 = arith.constant 4 : i32
      %dma_wait3A_950 = arith.constant 0 : i32
      %dma_wait3A_951 = tpu.memref_slice %arg7[%dma_wait3A_949, %dma_wait3A_950] : memref<8x128xi32, #tpu.memory_space<vmem>> -> memref<1x128xi32, #tpu.memory_space<vmem>>
      %dma_wait3A_952 = tpu.memref_squeeze %dma_wait3A_951 : memref<1x128xi32, #tpu.memory_space<vmem>> -> memref<128xi32, #tpu.memory_space<vmem>>
      %dma_wait3A_953 = arith.constant 0 : i32
      %dma_wait3A_954 = arith.constant 0 : i32
      %dma_wait3A_955 = tpu.memref_slice %arg2[%dma_wait3A_953, %dma_wait3A_954] : memref<10000x64xf32, #tpu.memory_space<hbm>> -> memref<10000x64xf32, #tpu.memory_space<hbm>>
      tpu.wait_indirect_dma semaphore(%arg26 : memref<!tpu.dma_semaphore, #tpu.memory_space<semaphore_mem>>) src(%dma_wait3A_955 : memref<10000x64xf32, #tpu.memory_space<hbm>>) dst(%arg15 : memref<128x64xf32, #tpu.memory_space<vmem>>)
      %dma_start3A_956 = arith.constant 4 : i32
      %dma_start3A_957 = arith.constant 0 : i32
      %dma_start3A_958 = tpu.memref_slice %arg9[%dma_start3A_956, %dma_start3A_957] : memref<8x128xi32, #tpu.memory_space<vmem>> -> memref<1x128xi32, #tpu.memory_space<vmem>>
      %dma_start3A_959 = tpu.memref_squeeze %dma_start3A_958 : memref<1x128xi32, #tpu.memory_space<vmem>> -> memref<128xi32, #tpu.memory_space<vmem>>
      %dma_start3A_960 = arith.constant 0 : i32
      %dma_start3A_961 = arith.constant 0 : i32
      %dma_start3A_962 = tpu.memref_slice %arg19[%dma_start3A_960, %dma_start3A_961] : memref<10016x64xf32, #tpu.memory_space<vmem_shared>> -> memref<10016x64xf32, #tpu.memory_space<vmem_shared>>
      tpu.enqueue_indirect_dma source(%arg15 : memref<128x64xf32, #tpu.memory_space<vmem>>) target(%dma_start3A_962 : memref<10016x64xf32, #tpu.memory_space<vmem_shared>>) offsets(%dma_start3A_959 : memref<128xi32, #tpu.memory_space<vmem>>) semaphore(%arg34 : memref<!tpu.dma_semaphore, #tpu.memory_space<semaphore_mem>>) {add = true}
      %dma_wait3A_963 = arith.constant 5 : i32
      %dma_wait3A_964 = arith.constant 0 : i32
      %dma_wait3A_965 = tpu.memref_slice %arg7[%dma_wait3A_963, %dma_wait3A_964] : memref<8x128xi32, #tpu.memory_space<vmem>> -> memref<1x128xi32, #tpu.memory_space<vmem>>
      %dma_wait3A_966 = tpu.memref_squeeze %dma_wait3A_965 : memref<1x128xi32, #tpu.memory_space<vmem>> -> memref<128xi32, #tpu.memory_space<vmem>>
      %dma_wait3A_967 = arith.constant 0 : i32
      %dma_wait3A_968 = arith.constant 0 : i32
      %dma_wait3A_969 = tpu.memref_slice %arg2[%dma_wait3A_967, %dma_wait3A_968] : memref<10000x64xf32, #tpu.memory_space<hbm>> -> memref<10000x64xf32, #tpu.memory_space<hbm>>
      tpu.wait_indirect_dma semaphore(%arg27 : memref<!tpu.dma_semaphore, #tpu.memory_space<semaphore_mem>>) src(%dma_wait3A_969 : memref<10000x64xf32, #tpu.memory_space<hbm>>) dst(%arg16 : memref<128x64xf32, #tpu.memory_space<vmem>>)
      %dma_start3A_970 = arith.constant 5 : i32
      %dma_start3A_971 = arith.constant 0 : i32
      %dma_start3A_972 = tpu.memref_slice %arg9[%dma_start3A_970, %dma_start3A_971] : memref<8x128xi32, #tpu.memory_space<vmem>> -> memref<1x128xi32, #tpu.memory_space<vmem>>
      %dma_start3A_973 = tpu.memref_squeeze %dma_start3A_972 : memref<1x128xi32, #tpu.memory_space<vmem>> -> memref<128xi32, #tpu.memory_space<vmem>>
      %dma_start3A_974 = arith.constant 0 : i32
      %dma_start3A_975 = arith.constant 0 : i32
      %dma_start3A_976 = tpu.memref_slice %arg19[%dma_start3A_974, %dma_start3A_975] : memref<10016x64xf32, #tpu.memory_space<vmem_shared>> -> memref<10016x64xf32, #tpu.memory_space<vmem_shared>>
      tpu.enqueue_indirect_dma source(%arg16 : memref<128x64xf32, #tpu.memory_space<vmem>>) target(%dma_start3A_976 : memref<10016x64xf32, #tpu.memory_space<vmem_shared>>) offsets(%dma_start3A_973 : memref<128xi32, #tpu.memory_space<vmem>>) semaphore(%arg35 : memref<!tpu.dma_semaphore, #tpu.memory_space<semaphore_mem>>) {add = true}
      %dma_wait3A_977 = arith.constant 6 : i32
      %dma_wait3A_978 = arith.constant 0 : i32
      %dma_wait3A_979 = tpu.memref_slice %arg7[%dma_wait3A_977, %dma_wait3A_978] : memref<8x128xi32, #tpu.memory_space<vmem>> -> memref<1x128xi32, #tpu.memory_space<vmem>>
      %dma_wait3A_980 = tpu.memref_squeeze %dma_wait3A_979 : memref<1x128xi32, #tpu.memory_space<vmem>> -> memref<128xi32, #tpu.memory_space<vmem>>
      %dma_wait3A_981 = arith.constant 0 : i32
      %dma_wait3A_982 = arith.constant 0 : i32
      %dma_wait3A_983 = tpu.memref_slice %arg2[%dma_wait3A_981, %dma_wait3A_982] : memref<10000x64xf32, #tpu.memory_space<hbm>> -> memref<10000x64xf32, #tpu.memory_space<hbm>>
      tpu.wait_indirect_dma semaphore(%arg28 : memref<!tpu.dma_semaphore, #tpu.memory_space<semaphore_mem>>) src(%dma_wait3A_983 : memref<10000x64xf32, #tpu.memory_space<hbm>>) dst(%arg17 : memref<128x64xf32, #tpu.memory_space<vmem>>)
      %dma_start3A_984 = arith.constant 6 : i32
      %dma_start3A_985 = arith.constant 0 : i32
      %dma_start3A_986 = tpu.memref_slice %arg9[%dma_start3A_984, %dma_start3A_985] : memref<8x128xi32, #tpu.memory_space<vmem>> -> memref<1x128xi32, #tpu.memory_space<vmem>>
      %dma_start3A_987 = tpu.memref_squeeze %dma_start3A_986 : memref<1x128xi32, #tpu.memory_space<vmem>> -> memref<128xi32, #tpu.memory_space<vmem>>
      %dma_start3A_988 = arith.constant 0 : i32
      %dma_start3A_989 = arith.constant 0 : i32
      %dma_start3A_990 = tpu.memref_slice %arg19[%dma_start3A_988, %dma_start3A_989] : memref<10016x64xf32, #tpu.memory_space<vmem_shared>> -> memref<10016x64xf32, #tpu.memory_space<vmem_shared>>
      tpu.enqueue_indirect_dma source(%arg17 : memref<128x64xf32, #tpu.memory_space<vmem>>) target(%dma_start3A_990 : memref<10016x64xf32, #tpu.memory_space<vmem_shared>>) offsets(%dma_start3A_987 : memref<128xi32, #tpu.memory_space<vmem>>) semaphore(%arg36 : memref<!tpu.dma_semaphore, #tpu.memory_space<semaphore_mem>>) {add = true}
      %dma_wait3A_991 = arith.constant 7 : i32
      %dma_wait3A_992 = arith.constant 0 : i32
      %dma_wait3A_993 = tpu.memref_slice %arg7[%dma_wait3A_991, %dma_wait3A_992] : memref<8x128xi32, #tpu.memory_space<vmem>> -> memref<1x128xi32, #tpu.memory_space<vmem>>
      %dma_wait3A_994 = tpu.memref_squeeze %dma_wait3A_993 : memref<1x128xi32, #tpu.memory_space<vmem>> -> memref<128xi32, #tpu.memory_space<vmem>>
      %dma_wait3A_995 = arith.constant 0 : i32
      %dma_wait3A_996 = arith.constant 0 : i32
      %dma_wait3A_997 = tpu.memref_slice %arg2[%dma_wait3A_995, %dma_wait3A_996] : memref<10000x64xf32, #tpu.memory_space<hbm>> -> memref<10000x64xf32, #tpu.memory_space<hbm>>
      tpu.wait_indirect_dma semaphore(%arg29 : memref<!tpu.dma_semaphore, #tpu.memory_space<semaphore_mem>>) src(%dma_wait3A_997 : memref<10000x64xf32, #tpu.memory_space<hbm>>) dst(%arg18 : memref<128x64xf32, #tpu.memory_space<vmem>>)
      %dma_start3A_998 = arith.constant 7 : i32
      %dma_start3A_999 = arith.constant 0 : i32
      %dma_start3A_1000 = tpu.memref_slice %arg9[%dma_start3A_998, %dma_start3A_999] : memref<8x128xi32, #tpu.memory_space<vmem>> -> memref<1x128xi32, #tpu.memory_space<vmem>>
      %dma_start3A_1001 = tpu.memref_squeeze %dma_start3A_1000 : memref<1x128xi32, #tpu.memory_space<vmem>> -> memref<128xi32, #tpu.memory_space<vmem>>
      %dma_start3A_1002 = arith.constant 0 : i32
      %dma_start3A_1003 = arith.constant 0 : i32
      %dma_start3A_1004 = tpu.memref_slice %arg19[%dma_start3A_1002, %dma_start3A_1003] : memref<10016x64xf32, #tpu.memory_space<vmem_shared>> -> memref<10016x64xf32, #tpu.memory_space<vmem_shared>>
      tpu.enqueue_indirect_dma source(%arg18 : memref<128x64xf32, #tpu.memory_space<vmem>>) target(%dma_start3A_1004 : memref<10016x64xf32, #tpu.memory_space<vmem_shared>>) offsets(%dma_start3A_1001 : memref<128xi32, #tpu.memory_space<vmem>>) semaphore(%arg37 : memref<!tpu.dma_semaphore, #tpu.memory_space<semaphore_mem>>) {add = true}
    }
    %scan3A_210 = arith.constant 4 : i32
    %dma_wait3A_211 = arith.constant 0 : i32
    %dma_wait3A_212 = arith.constant 0 : i32
    %dma_wait3A_213 = tpu.memref_slice %arg3[%dma_wait3A_211, %dma_wait3A_212] : memref<2560x128xi32, #tpu.memory_space<hbm>> -> memref<8x128xi32, #tpu.memory_space<hbm>>
    %dma_wait3A_214 = arith.constant 0 : i32
    %dma_wait3A_215 = arith.constant 0 : i32
    %dma_wait3A_216 = tpu.memref_slice %arg3[%dma_wait3A_214, %dma_wait3A_215] : memref<2560x128xi32, #tpu.memory_space<hbm>> -> memref<8x128xi32, #tpu.memory_space<hbm>>
    tpu.wait_dma2 semaphore(%arg21 : memref<!tpu.dma_semaphore, #tpu.memory_space<semaphore_mem>>) src(%dma_wait3A_216 : memref<8x128xi32, #tpu.memory_space<hbm>>) dst(%arg8 : memref<8x128xi32, #tpu.memory_space<vmem>>)
    %dma_wait3A_217 = arith.constant 0 : i32
    %dma_wait3A_218 = arith.constant 0 : i32
    %dma_wait3A_219 = tpu.memref_slice %arg4[%dma_wait3A_217, %dma_wait3A_218] : memref<2560x128xi32, #tpu.memory_space<hbm>> -> memref<8x128xi32, #tpu.memory_space<hbm>>
    %dma_wait3A_220 = arith.constant 0 : i32
    %dma_wait3A_221 = arith.constant 0 : i32
    %dma_wait3A_222 = tpu.memref_slice %arg4[%dma_wait3A_220, %dma_wait3A_221] : memref<2560x128xi32, #tpu.memory_space<hbm>> -> memref<8x128xi32, #tpu.memory_space<hbm>>
    tpu.wait_dma2 semaphore(%arg21 : memref<!tpu.dma_semaphore, #tpu.memory_space<semaphore_mem>>) src(%dma_wait3A_222 : memref<8x128xi32, #tpu.memory_space<hbm>>) dst(%arg10 : memref<8x128xi32, #tpu.memory_space<vmem>>)
    %dma_wait3A_223 = arith.constant 0 : i32
    %dma_wait3A_224 = arith.constant 0 : i32
    %dma_wait3A_225 = tpu.memref_slice %arg9[%dma_wait3A_223, %dma_wait3A_224] : memref<8x128xi32, #tpu.memory_space<vmem>> -> memref<1x128xi32, #tpu.memory_space<vmem>>
    %dma_wait3A_226 = tpu.memref_squeeze %dma_wait3A_225 : memref<1x128xi32, #tpu.memory_space<vmem>> -> memref<128xi32, #tpu.memory_space<vmem>>
    %dma_wait3A_227 = arith.constant 0 : i32
    %dma_wait3A_228 = arith.constant 0 : i32
    %dma_wait3A_229 = tpu.memref_slice %arg19[%dma_wait3A_227, %dma_wait3A_228] : memref<10016x64xf32, #tpu.memory_space<vmem_shared>> -> memref<10016x64xf32, #tpu.memory_space<vmem_shared>>
    tpu.wait_indirect_dma semaphore(%arg30 : memref<!tpu.dma_semaphore, #tpu.memory_space<semaphore_mem>>) src(%arg11 : memref<128x64xf32, #tpu.memory_space<vmem>>) dst(%dma_wait3A_229 : memref<10016x64xf32, #tpu.memory_space<vmem_shared>>)
    %dma_start3A_230 = arith.constant 0 : i32
    %dma_start3A_231 = arith.constant 0 : i32
    %dma_start3A_232 = tpu.memref_slice %arg8[%dma_start3A_230, %dma_start3A_231] : memref<8x128xi32, #tpu.memory_space<vmem>> -> memref<1x128xi32, #tpu.memory_space<vmem>>
    %dma_start3A_233 = tpu.memref_squeeze %dma_start3A_232 : memref<1x128xi32, #tpu.memory_space<vmem>> -> memref<128xi32, #tpu.memory_space<vmem>>
    %dma_start3A_234 = arith.constant 0 : i32
    %dma_start3A_235 = arith.constant 0 : i32
    %dma_start3A_236 = tpu.memref_slice %arg2[%dma_start3A_234, %dma_start3A_235] : memref<10000x64xf32, #tpu.memory_space<hbm>> -> memref<10000x64xf32, #tpu.memory_space<hbm>>
    tpu.enqueue_indirect_dma source(%dma_start3A_236 : memref<10000x64xf32, #tpu.memory_space<hbm>>) target(%arg11 : memref<128x64xf32, #tpu.memory_space<vmem>>) offsets(%dma_start3A_233 : memref<128xi32, #tpu.memory_space<vmem>>) semaphore(%arg22 : memref<!tpu.dma_semaphore, #tpu.memory_space<semaphore_mem>>)
    %dma_wait3A_237 = arith.constant 1 : i32
    %dma_wait3A_238 = arith.constant 0 : i32
    %dma_wait3A_239 = tpu.memref_slice %arg9[%dma_wait3A_237, %dma_wait3A_238] : memref<8x128xi32, #tpu.memory_space<vmem>> -> memref<1x128xi32, #tpu.memory_space<vmem>>
    %dma_wait3A_240 = tpu.memref_squeeze %dma_wait3A_239 : memref<1x128xi32, #tpu.memory_space<vmem>> -> memref<128xi32, #tpu.memory_space<vmem>>
    %dma_wait3A_241 = arith.constant 0 : i32
    %dma_wait3A_242 = arith.constant 0 : i32
    %dma_wait3A_243 = tpu.memref_slice %arg19[%dma_wait3A_241, %dma_wait3A_242] : memref<10016x64xf32, #tpu.memory_space<vmem_shared>> -> memref<10016x64xf32, #tpu.memory_space<vmem_shared>>
    tpu.wait_indirect_dma semaphore(%arg31 : memref<!tpu.dma_semaphore, #tpu.memory_space<semaphore_mem>>) src(%arg12 : memref<128x64xf32, #tpu.memory_space<vmem>>) dst(%dma_wait3A_243 : memref<10016x64xf32, #tpu.memory_space<vmem_shared>>)
    %dma_start3A_244 = arith.constant 1 : i32
    %dma_start3A_245 = arith.constant 0 : i32
    %dma_start3A_246 = tpu.memref_slice %arg8[%dma_start3A_244, %dma_start3A_245] : memref<8x128xi32, #tpu.memory_space<vmem>> -> memref<1x128xi32, #tpu.memory_space<vmem>>
    %dma_start3A_247 = tpu.memref_squeeze %dma_start3A_246 : memref<1x128xi32, #tpu.memory_space<vmem>> -> memref<128xi32, #tpu.memory_space<vmem>>
    %dma_start3A_248 = arith.constant 0 : i32
    %dma_start3A_249 = arith.constant 0 : i32
    %dma_start3A_250 = tpu.memref_slice %arg2[%dma_start3A_248, %dma_start3A_249] : memref<10000x64xf32, #tpu.memory_space<hbm>> -> memref<10000x64xf32, #tpu.memory_space<hbm>>
    tpu.enqueue_indirect_dma source(%dma_start3A_250 : memref<10000x64xf32, #tpu.memory_space<hbm>>) target(%arg12 : memref<128x64xf32, #tpu.memory_space<vmem>>) offsets(%dma_start3A_247 : memref<128xi32, #tpu.memory_space<vmem>>) semaphore(%arg23 : memref<!tpu.dma_semaphore, #tpu.memory_space<semaphore_mem>>)
    %dma_wait3A_251 = arith.constant 2 : i32
    %dma_wait3A_252 = arith.constant 0 : i32
    %dma_wait3A_253 = tpu.memref_slice %arg9[%dma_wait3A_251, %dma_wait3A_252] : memref<8x128xi32, #tpu.memory_space<vmem>> -> memref<1x128xi32, #tpu.memory_space<vmem>>
    %dma_wait3A_254 = tpu.memref_squeeze %dma_wait3A_253 : memref<1x128xi32, #tpu.memory_space<vmem>> -> memref<128xi32, #tpu.memory_space<vmem>>
    %dma_wait3A_255 = arith.constant 0 : i32
    %dma_wait3A_256 = arith.constant 0 : i32
    %dma_wait3A_257 = tpu.memref_slice %arg19[%dma_wait3A_255, %dma_wait3A_256] : memref<10016x64xf32, #tpu.memory_space<vmem_shared>> -> memref<10016x64xf32, #tpu.memory_space<vmem_shared>>
    tpu.wait_indirect_dma semaphore(%arg32 : memref<!tpu.dma_semaphore, #tpu.memory_space<semaphore_mem>>) src(%arg13 : memref<128x64xf32, #tpu.memory_space<vmem>>) dst(%dma_wait3A_257 : memref<10016x64xf32, #tpu.memory_space<vmem_shared>>)
    %dma_start3A_258 = arith.constant 2 : i32
    %dma_start3A_259 = arith.constant 0 : i32
    %dma_start3A_260 = tpu.memref_slice %arg8[%dma_start3A_258, %dma_start3A_259] : memref<8x128xi32, #tpu.memory_space<vmem>> -> memref<1x128xi32, #tpu.memory_space<vmem>>
    %dma_start3A_261 = tpu.memref_squeeze %dma_start3A_260 : memref<1x128xi32, #tpu.memory_space<vmem>> -> memref<128xi32, #tpu.memory_space<vmem>>
    %dma_start3A_262 = arith.constant 0 : i32
    %dma_start3A_263 = arith.constant 0 : i32
    %dma_start3A_264 = tpu.memref_slice %arg2[%dma_start3A_262, %dma_start3A_263] : memref<10000x64xf32, #tpu.memory_space<hbm>> -> memref<10000x64xf32, #tpu.memory_space<hbm>>
    tpu.enqueue_indirect_dma source(%dma_start3A_264 : memref<10000x64xf32, #tpu.memory_space<hbm>>) target(%arg13 : memref<128x64xf32, #tpu.memory_space<vmem>>) offsets(%dma_start3A_261 : memref<128xi32, #tpu.memory_space<vmem>>) semaphore(%arg24 : memref<!tpu.dma_semaphore, #tpu.memory_space<semaphore_mem>>)
    %dma_wait3A_265 = arith.constant 3 : i32
    %dma_wait3A_266 = arith.constant 0 : i32
    %dma_wait3A_267 = tpu.memref_slice %arg9[%dma_wait3A_265, %dma_wait3A_266] : memref<8x128xi32, #tpu.memory_space<vmem>> -> memref<1x128xi32, #tpu.memory_space<vmem>>
    %dma_wait3A_268 = tpu.memref_squeeze %dma_wait3A_267 : memref<1x128xi32, #tpu.memory_space<vmem>> -> memref<128xi32, #tpu.memory_space<vmem>>
    %dma_wait3A_269 = arith.constant 0 : i32
    %dma_wait3A_270 = arith.constant 0 : i32
    %dma_wait3A_271 = tpu.memref_slice %arg19[%dma_wait3A_269, %dma_wait3A_270] : memref<10016x64xf32, #tpu.memory_space<vmem_shared>> -> memref<10016x64xf32, #tpu.memory_space<vmem_shared>>
    tpu.wait_indirect_dma semaphore(%arg33 : memref<!tpu.dma_semaphore, #tpu.memory_space<semaphore_mem>>) src(%arg14 : memref<128x64xf32, #tpu.memory_space<vmem>>) dst(%dma_wait3A_271 : memref<10016x64xf32, #tpu.memory_space<vmem_shared>>)
    %dma_start3A_272 = arith.constant 3 : i32
    %dma_start3A_273 = arith.constant 0 : i32
    %dma_start3A_274 = tpu.memref_slice %arg8[%dma_start3A_272, %dma_start3A_273] : memref<8x128xi32, #tpu.memory_space<vmem>> -> memref<1x128xi32, #tpu.memory_space<vmem>>
    %dma_start3A_275 = tpu.memref_squeeze %dma_start3A_274 : memref<1x128xi32, #tpu.memory_space<vmem>> -> memref<128xi32, #tpu.memory_space<vmem>>
    %dma_start3A_276 = arith.constant 0 : i32
    %dma_start3A_277 = arith.constant 0 : i32
    %dma_start3A_278 = tpu.memref_slice %arg2[%dma_start3A_276, %dma_start3A_277] : memref<10000x64xf32, #tpu.memory_space<hbm>> -> memref<10000x64xf32, #tpu.memory_space<hbm>>
    tpu.enqueue_indirect_dma source(%dma_start3A_278 : memref<10000x64xf32, #tpu.memory_space<hbm>>) target(%arg14 : memref<128x64xf32, #tpu.memory_space<vmem>>) offsets(%dma_start3A_275 : memref<128xi32, #tpu.memory_space<vmem>>) semaphore(%arg25 : memref<!tpu.dma_semaphore, #tpu.memory_space<semaphore_mem>>)
    %dma_wait3A_279 = arith.constant 4 : i32
    %dma_wait3A_280 = arith.constant 0 : i32
    %dma_wait3A_281 = tpu.memref_slice %arg9[%dma_wait3A_279, %dma_wait3A_280] : memref<8x128xi32, #tpu.memory_space<vmem>> -> memref<1x128xi32, #tpu.memory_space<vmem>>
    %dma_wait3A_282 = tpu.memref_squeeze %dma_wait3A_281 : memref<1x128xi32, #tpu.memory_space<vmem>> -> memref<128xi32, #tpu.memory_space<vmem>>
    %dma_wait3A_283 = arith.constant 0 : i32
    %dma_wait3A_284 = arith.constant 0 : i32
    %dma_wait3A_285 = tpu.memref_slice %arg19[%dma_wait3A_283, %dma_wait3A_284] : memref<10016x64xf32, #tpu.memory_space<vmem_shared>> -> memref<10016x64xf32, #tpu.memory_space<vmem_shared>>
    tpu.wait_indirect_dma semaphore(%arg34 : memref<!tpu.dma_semaphore, #tpu.memory_space<semaphore_mem>>) src(%arg15 : memref<128x64xf32, #tpu.memory_space<vmem>>) dst(%dma_wait3A_285 : memref<10016x64xf32, #tpu.memory_space<vmem_shared>>)
    %dma_start3A_286 = arith.constant 4 : i32
    %dma_start3A_287 = arith.constant 0 : i32
    %dma_start3A_288 = tpu.memref_slice %arg8[%dma_start3A_286, %dma_start3A_287] : memref<8x128xi32, #tpu.memory_space<vmem>> -> memref<1x128xi32, #tpu.memory_space<vmem>>
    %dma_start3A_289 = tpu.memref_squeeze %dma_start3A_288 : memref<1x128xi32, #tpu.memory_space<vmem>> -> memref<128xi32, #tpu.memory_space<vmem>>
    %dma_start3A_290 = arith.constant 0 : i32
    %dma_start3A_291 = arith.constant 0 : i32
    %dma_start3A_292 = tpu.memref_slice %arg2[%dma_start3A_290, %dma_start3A_291] : memref<10000x64xf32, #tpu.memory_space<hbm>> -> memref<10000x64xf32, #tpu.memory_space<hbm>>
    tpu.enqueue_indirect_dma source(%dma_start3A_292 : memref<10000x64xf32, #tpu.memory_space<hbm>>) target(%arg15 : memref<128x64xf32, #tpu.memory_space<vmem>>) offsets(%dma_start3A_289 : memref<128xi32, #tpu.memory_space<vmem>>) semaphore(%arg26 : memref<!tpu.dma_semaphore, #tpu.memory_space<semaphore_mem>>)
    %dma_wait3A_293 = arith.constant 5 : i32
    %dma_wait3A_294 = arith.constant 0 : i32
    %dma_wait3A_295 = tpu.memref_slice %arg9[%dma_wait3A_293, %dma_wait3A_294] : memref<8x128xi32, #tpu.memory_space<vmem>> -> memref<1x128xi32, #tpu.memory_space<vmem>>
    %dma_wait3A_296 = tpu.memref_squeeze %dma_wait3A_295 : memref<1x128xi32, #tpu.memory_space<vmem>> -> memref<128xi32, #tpu.memory_space<vmem>>
    %dma_wait3A_297 = arith.constant 0 : i32
    %dma_wait3A_298 = arith.constant 0 : i32
    %dma_wait3A_299 = tpu.memref_slice %arg19[%dma_wait3A_297, %dma_wait3A_298] : memref<10016x64xf32, #tpu.memory_space<vmem_shared>> -> memref<10016x64xf32, #tpu.memory_space<vmem_shared>>
    tpu.wait_indirect_dma semaphore(%arg35 : memref<!tpu.dma_semaphore, #tpu.memory_space<semaphore_mem>>) src(%arg16 : memref<128x64xf32, #tpu.memory_space<vmem>>) dst(%dma_wait3A_299 : memref<10016x64xf32, #tpu.memory_space<vmem_shared>>)
    %dma_start3A_300 = arith.constant 5 : i32
    %dma_start3A_301 = arith.constant 0 : i32
    %dma_start3A_302 = tpu.memref_slice %arg8[%dma_start3A_300, %dma_start3A_301] : memref<8x128xi32, #tpu.memory_space<vmem>> -> memref<1x128xi32, #tpu.memory_space<vmem>>
    %dma_start3A_303 = tpu.memref_squeeze %dma_start3A_302 : memref<1x128xi32, #tpu.memory_space<vmem>> -> memref<128xi32, #tpu.memory_space<vmem>>
    %dma_start3A_304 = arith.constant 0 : i32
    %dma_start3A_305 = arith.constant 0 : i32
    %dma_start3A_306 = tpu.memref_slice %arg2[%dma_start3A_304, %dma_start3A_305] : memref<10000x64xf32, #tpu.memory_space<hbm>> -> memref<10000x64xf32, #tpu.memory_space<hbm>>
    tpu.enqueue_indirect_dma source(%dma_start3A_306 : memref<10000x64xf32, #tpu.memory_space<hbm>>) target(%arg16 : memref<128x64xf32, #tpu.memory_space<vmem>>) offsets(%dma_start3A_303 : memref<128xi32, #tpu.memory_space<vmem>>) semaphore(%arg27 : memref<!tpu.dma_semaphore, #tpu.memory_space<semaphore_mem>>)
    %dma_wait3A_307 = arith.constant 6 : i32
    %dma_wait3A_308 = arith.constant 0 : i32
    %dma_wait3A_309 = tpu.memref_slice %arg9[%dma_wait3A_307, %dma_wait3A_308] : memref<8x128xi32, #tpu.memory_space<vmem>> -> memref<1x128xi32, #tpu.memory_space<vmem>>
    %dma_wait3A_310 = tpu.memref_squeeze %dma_wait3A_309 : memref<1x128xi32, #tpu.memory_space<vmem>> -> memref<128xi32, #tpu.memory_space<vmem>>
    %dma_wait3A_311 = arith.constant 0 : i32
    %dma_wait3A_312 = arith.constant 0 : i32
    %dma_wait3A_313 = tpu.memref_slice %arg19[%dma_wait3A_311, %dma_wait3A_312] : memref<10016x64xf32, #tpu.memory_space<vmem_shared>> -> memref<10016x64xf32, #tpu.memory_space<vmem_shared>>
    tpu.wait_indirect_dma semaphore(%arg36 : memref<!tpu.dma_semaphore, #tpu.memory_space<semaphore_mem>>) src(%arg17 : memref<128x64xf32, #tpu.memory_space<vmem>>) dst(%dma_wait3A_313 : memref<10016x64xf32, #tpu.memory_space<vmem_shared>>)
    %dma_start3A_314 = arith.constant 6 : i32
    %dma_start3A_315 = arith.constant 0 : i32
    %dma_start3A_316 = tpu.memref_slice %arg8[%dma_start3A_314, %dma_start3A_315] : memref<8x128xi32, #tpu.memory_space<vmem>> -> memref<1x128xi32, #tpu.memory_space<vmem>>
    %dma_start3A_317 = tpu.memref_squeeze %dma_start3A_316 : memref<1x128xi32, #tpu.memory_space<vmem>> -> memref<128xi32, #tpu.memory_space<vmem>>
    %dma_start3A_318 = arith.constant 0 : i32
    %dma_start3A_319 = arith.constant 0 : i32
    %dma_start3A_320 = tpu.memref_slice %arg2[%dma_start3A_318, %dma_start3A_319] : memref<10000x64xf32, #tpu.memory_space<hbm>> -> memref<10000x64xf32, #tpu.memory_space<hbm>>
    tpu.enqueue_indirect_dma source(%dma_start3A_320 : memref<10000x64xf32, #tpu.memory_space<hbm>>) target(%arg17 : memref<128x64xf32, #tpu.memory_space<vmem>>) offsets(%dma_start3A_317 : memref<128xi32, #tpu.memory_space<vmem>>) semaphore(%arg28 : memref<!tpu.dma_semaphore, #tpu.memory_space<semaphore_mem>>)
    %dma_wait3A_321 = arith.constant 7 : i32
    %dma_wait3A_322 = arith.constant 0 : i32
    %dma_wait3A_323 = tpu.memref_slice %arg9[%dma_wait3A_321, %dma_wait3A_322] : memref<8x128xi32, #tpu.memory_space<vmem>> -> memref<1x128xi32, #tpu.memory_space<vmem>>
    %dma_wait3A_324 = tpu.memref_squeeze %dma_wait3A_323 : memref<1x128xi32, #tpu.memory_space<vmem>> -> memref<128xi32, #tpu.memory_space<vmem>>
    %dma_wait3A_325 = arith.constant 0 : i32
    %dma_wait3A_326 = arith.constant 0 : i32
    %dma_wait3A_327 = tpu.memref_slice %arg19[%dma_wait3A_325, %dma_wait3A_326] : memref<10016x64xf32, #tpu.memory_space<vmem_shared>> -> memref<10016x64xf32, #tpu.memory_space<vmem_shared>>
    tpu.wait_indirect_dma semaphore(%arg37 : memref<!tpu.dma_semaphore, #tpu.memory_space<semaphore_mem>>) src(%arg18 : memref<128x64xf32, #tpu.memory_space<vmem>>) dst(%dma_wait3A_327 : memref<10016x64xf32, #tpu.memory_space<vmem_shared>>)
    %dma_start3A_328 = arith.constant 7 : i32
    %dma_start3A_329 = arith.constant 0 : i32
    %dma_start3A_330 = tpu.memref_slice %arg8[%dma_start3A_328, %dma_start3A_329] : memref<8x128xi32, #tpu.memory_space<vmem>> -> memref<1x128xi32, #tpu.memory_space<vmem>>
    %dma_start3A_331 = tpu.memref_squeeze %dma_start3A_330 : memref<1x128xi32, #tpu.memory_space<vmem>> -> memref<128xi32, #tpu.memory_space<vmem>>
    %dma_start3A_332 = arith.constant 0 : i32
    %dma_start3A_333 = arith.constant 0 : i32
    %dma_start3A_334 = tpu.memref_slice %arg2[%dma_start3A_332, %dma_start3A_333] : memref<10000x64xf32, #tpu.memory_space<hbm>> -> memref<10000x64xf32, #tpu.memory_space<hbm>>
    tpu.enqueue_indirect_dma source(%dma_start3A_334 : memref<10000x64xf32, #tpu.memory_space<hbm>>) target(%arg18 : memref<128x64xf32, #tpu.memory_space<vmem>>) offsets(%dma_start3A_331 : memref<128xi32, #tpu.memory_space<vmem>>) semaphore(%arg29 : memref<!tpu.dma_semaphore, #tpu.memory_space<semaphore_mem>>)
    %dma_wait3A_335 = arith.constant 0 : i32
    %dma_wait3A_336 = arith.constant 0 : i32
    %dma_wait3A_337 = tpu.memref_slice %arg8[%dma_wait3A_335, %dma_wait3A_336] : memref<8x128xi32, #tpu.memory_space<vmem>> -> memref<1x128xi32, #tpu.memory_space<vmem>>
    %dma_wait3A_338 = tpu.memref_squeeze %dma_wait3A_337 : memref<1x128xi32, #tpu.memory_space<vmem>> -> memref<128xi32, #tpu.memory_space<vmem>>
    %dma_wait3A_339 = arith.constant 0 : i32
    %dma_wait3A_340 = arith.constant 0 : i32
    %dma_wait3A_341 = tpu.memref_slice %arg2[%dma_wait3A_339, %dma_wait3A_340] : memref<10000x64xf32, #tpu.memory_space<hbm>> -> memref<10000x64xf32, #tpu.memory_space<hbm>>
    tpu.wait_indirect_dma semaphore(%arg22 : memref<!tpu.dma_semaphore, #tpu.memory_space<semaphore_mem>>) src(%dma_wait3A_341 : memref<10000x64xf32, #tpu.memory_space<hbm>>) dst(%arg11 : memref<128x64xf32, #tpu.memory_space<vmem>>)
    %dma_start3A_342 = arith.constant 0 : i32
    %dma_start3A_343 = arith.constant 0 : i32
    %dma_start3A_344 = tpu.memref_slice %arg10[%dma_start3A_342, %dma_start3A_343] : memref<8x128xi32, #tpu.memory_space<vmem>> -> memref<1x128xi32, #tpu.memory_space<vmem>>
    %dma_start3A_345 = tpu.memref_squeeze %dma_start3A_344 : memref<1x128xi32, #tpu.memory_space<vmem>> -> memref<128xi32, #tpu.memory_space<vmem>>
    %dma_start3A_346 = arith.constant 0 : i32
    %dma_start3A_347 = arith.constant 0 : i32
    %dma_start3A_348 = tpu.memref_slice %arg19[%dma_start3A_346, %dma_start3A_347] : memref<10016x64xf32, #tpu.memory_space<vmem_shared>> -> memref<10016x64xf32, #tpu.memory_space<vmem_shared>>
    tpu.enqueue_indirect_dma source(%arg11 : memref<128x64xf32, #tpu.memory_space<vmem>>) target(%dma_start3A_348 : memref<10016x64xf32, #tpu.memory_space<vmem_shared>>) offsets(%dma_start3A_345 : memref<128xi32, #tpu.memory_space<vmem>>) semaphore(%arg30 : memref<!tpu.dma_semaphore, #tpu.memory_space<semaphore_mem>>) {add = true}
    %dma_wait3A_349 = arith.constant 1 : i32
    %dma_wait3A_350 = arith.constant 0 : i32
    %dma_wait3A_351 = tpu.memref_slice %arg8[%dma_wait3A_349, %dma_wait3A_350] : memref<8x128xi32, #tpu.memory_space<vmem>> -> memref<1x128xi32, #tpu.memory_space<vmem>>
    %dma_wait3A_352 = tpu.memref_squeeze %dma_wait3A_351 : memref<1x128xi32, #tpu.memory_space<vmem>> -> memref<128xi32, #tpu.memory_space<vmem>>
    %dma_wait3A_353 = arith.constant 0 : i32
    %dma_wait3A_354 = arith.constant 0 : i32
    %dma_wait3A_355 = tpu.memref_slice %arg2[%dma_wait3A_353, %dma_wait3A_354] : memref<10000x64xf32, #tpu.memory_space<hbm>> -> memref<10000x64xf32, #tpu.memory_space<hbm>>
    tpu.wait_indirect_dma semaphore(%arg23 : memref<!tpu.dma_semaphore, #tpu.memory_space<semaphore_mem>>) src(%dma_wait3A_355 : memref<10000x64xf32, #tpu.memory_space<hbm>>) dst(%arg12 : memref<128x64xf32, #tpu.memory_space<vmem>>)
    %dma_start3A_356 = arith.constant 1 : i32
    %dma_start3A_357 = arith.constant 0 : i32
    %dma_start3A_358 = tpu.memref_slice %arg10[%dma_start3A_356, %dma_start3A_357] : memref<8x128xi32, #tpu.memory_space<vmem>> -> memref<1x128xi32, #tpu.memory_space<vmem>>
    %dma_start3A_359 = tpu.memref_squeeze %dma_start3A_358 : memref<1x128xi32, #tpu.memory_space<vmem>> -> memref<128xi32, #tpu.memory_space<vmem>>
    %dma_start3A_360 = arith.constant 0 : i32
    %dma_start3A_361 = arith.constant 0 : i32
    %dma_start3A_362 = tpu.memref_slice %arg19[%dma_start3A_360, %dma_start3A_361] : memref<10016x64xf32, #tpu.memory_space<vmem_shared>> -> memref<10016x64xf32, #tpu.memory_space<vmem_shared>>
    tpu.enqueue_indirect_dma source(%arg12 : memref<128x64xf32, #tpu.memory_space<vmem>>) target(%dma_start3A_362 : memref<10016x64xf32, #tpu.memory_space<vmem_shared>>) offsets(%dma_start3A_359 : memref<128xi32, #tpu.memory_space<vmem>>) semaphore(%arg31 : memref<!tpu.dma_semaphore, #tpu.memory_space<semaphore_mem>>) {add = true}
    %dma_wait3A_363 = arith.constant 2 : i32
    %dma_wait3A_364 = arith.constant 0 : i32
    %dma_wait3A_365 = tpu.memref_slice %arg8[%dma_wait3A_363, %dma_wait3A_364] : memref<8x128xi32, #tpu.memory_space<vmem>> -> memref<1x128xi32, #tpu.memory_space<vmem>>
    %dma_wait3A_366 = tpu.memref_squeeze %dma_wait3A_365 : memref<1x128xi32, #tpu.memory_space<vmem>> -> memref<128xi32, #tpu.memory_space<vmem>>
    %dma_wait3A_367 = arith.constant 0 : i32
    %dma_wait3A_368 = arith.constant 0 : i32
    %dma_wait3A_369 = tpu.memref_slice %arg2[%dma_wait3A_367, %dma_wait3A_368] : memref<10000x64xf32, #tpu.memory_space<hbm>> -> memref<10000x64xf32, #tpu.memory_space<hbm>>
    tpu.wait_indirect_dma semaphore(%arg24 : memref<!tpu.dma_semaphore, #tpu.memory_space<semaphore_mem>>) src(%dma_wait3A_369 : memref<10000x64xf32, #tpu.memory_space<hbm>>) dst(%arg13 : memref<128x64xf32, #tpu.memory_space<vmem>>)
    %dma_start3A_370 = arith.constant 2 : i32
    %dma_start3A_371 = arith.constant 0 : i32
    %dma_start3A_372 = tpu.memref_slice %arg10[%dma_start3A_370, %dma_start3A_371] : memref<8x128xi32, #tpu.memory_space<vmem>> -> memref<1x128xi32, #tpu.memory_space<vmem>>
    %dma_start3A_373 = tpu.memref_squeeze %dma_start3A_372 : memref<1x128xi32, #tpu.memory_space<vmem>> -> memref<128xi32, #tpu.memory_space<vmem>>
    %dma_start3A_374 = arith.constant 0 : i32
    %dma_start3A_375 = arith.constant 0 : i32
    %dma_start3A_376 = tpu.memref_slice %arg19[%dma_start3A_374, %dma_start3A_375] : memref<10016x64xf32, #tpu.memory_space<vmem_shared>> -> memref<10016x64xf32, #tpu.memory_space<vmem_shared>>
    tpu.enqueue_indirect_dma source(%arg13 : memref<128x64xf32, #tpu.memory_space<vmem>>) target(%dma_start3A_376 : memref<10016x64xf32, #tpu.memory_space<vmem_shared>>) offsets(%dma_start3A_373 : memref<128xi32, #tpu.memory_space<vmem>>) semaphore(%arg32 : memref<!tpu.dma_semaphore, #tpu.memory_space<semaphore_mem>>) {add = true}
    %dma_wait3A_377 = arith.constant 3 : i32
    %dma_wait3A_378 = arith.constant 0 : i32
    %dma_wait3A_379 = tpu.memref_slice %arg8[%dma_wait3A_377, %dma_wait3A_378] : memref<8x128xi32, #tpu.memory_space<vmem>> -> memref<1x128xi32, #tpu.memory_space<vmem>>
    %dma_wait3A_380 = tpu.memref_squeeze %dma_wait3A_379 : memref<1x128xi32, #tpu.memory_space<vmem>> -> memref<128xi32, #tpu.memory_space<vmem>>
    %dma_wait3A_381 = arith.constant 0 : i32
    %dma_wait3A_382 = arith.constant 0 : i32
    %dma_wait3A_383 = tpu.memref_slice %arg2[%dma_wait3A_381, %dma_wait3A_382] : memref<10000x64xf32, #tpu.memory_space<hbm>> -> memref<10000x64xf32, #tpu.memory_space<hbm>>
    tpu.wait_indirect_dma semaphore(%arg25 : memref<!tpu.dma_semaphore, #tpu.memory_space<semaphore_mem>>) src(%dma_wait3A_383 : memref<10000x64xf32, #tpu.memory_space<hbm>>) dst(%arg14 : memref<128x64xf32, #tpu.memory_space<vmem>>)
    %dma_start3A_384 = arith.constant 3 : i32
    %dma_start3A_385 = arith.constant 0 : i32
    %dma_start3A_386 = tpu.memref_slice %arg10[%dma_start3A_384, %dma_start3A_385] : memref<8x128xi32, #tpu.memory_space<vmem>> -> memref<1x128xi32, #tpu.memory_space<vmem>>
    %dma_start3A_387 = tpu.memref_squeeze %dma_start3A_386 : memref<1x128xi32, #tpu.memory_space<vmem>> -> memref<128xi32, #tpu.memory_space<vmem>>
    %dma_start3A_388 = arith.constant 0 : i32
    %dma_start3A_389 = arith.constant 0 : i32
    %dma_start3A_390 = tpu.memref_slice %arg19[%dma_start3A_388, %dma_start3A_389] : memref<10016x64xf32, #tpu.memory_space<vmem_shared>> -> memref<10016x64xf32, #tpu.memory_space<vmem_shared>>
    tpu.enqueue_indirect_dma source(%arg14 : memref<128x64xf32, #tpu.memory_space<vmem>>) target(%dma_start3A_390 : memref<10016x64xf32, #tpu.memory_space<vmem_shared>>) offsets(%dma_start3A_387 : memref<128xi32, #tpu.memory_space<vmem>>) semaphore(%arg33 : memref<!tpu.dma_semaphore, #tpu.memory_space<semaphore_mem>>) {add = true}
    %dma_wait3A_391 = arith.constant 4 : i32
    %dma_wait3A_392 = arith.constant 0 : i32
    %dma_wait3A_393 = tpu.memref_slice %arg8[%dma_wait3A_391, %dma_wait3A_392] : memref<8x128xi32, #tpu.memory_space<vmem>> -> memref<1x128xi32, #tpu.memory_space<vmem>>
    %dma_wait3A_394 = tpu.memref_squeeze %dma_wait3A_393 : memref<1x128xi32, #tpu.memory_space<vmem>> -> memref<128xi32, #tpu.memory_space<vmem>>
    %dma_wait3A_395 = arith.constant 0 : i32
    %dma_wait3A_396 = arith.constant 0 : i32
    %dma_wait3A_397 = tpu.memref_slice %arg2[%dma_wait3A_395, %dma_wait3A_396] : memref<10000x64xf32, #tpu.memory_space<hbm>> -> memref<10000x64xf32, #tpu.memory_space<hbm>>
    tpu.wait_indirect_dma semaphore(%arg26 : memref<!tpu.dma_semaphore, #tpu.memory_space<semaphore_mem>>) src(%dma_wait3A_397 : memref<10000x64xf32, #tpu.memory_space<hbm>>) dst(%arg15 : memref<128x64xf32, #tpu.memory_space<vmem>>)
    %dma_start3A_398 = arith.constant 4 : i32
    %dma_start3A_399 = arith.constant 0 : i32
    %dma_start3A_400 = tpu.memref_slice %arg10[%dma_start3A_398, %dma_start3A_399] : memref<8x128xi32, #tpu.memory_space<vmem>> -> memref<1x128xi32, #tpu.memory_space<vmem>>
    %dma_start3A_401 = tpu.memref_squeeze %dma_start3A_400 : memref<1x128xi32, #tpu.memory_space<vmem>> -> memref<128xi32, #tpu.memory_space<vmem>>
    %dma_start3A_402 = arith.constant 0 : i32
    %dma_start3A_403 = arith.constant 0 : i32
    %dma_start3A_404 = tpu.memref_slice %arg19[%dma_start3A_402, %dma_start3A_403] : memref<10016x64xf32, #tpu.memory_space<vmem_shared>> -> memref<10016x64xf32, #tpu.memory_space<vmem_shared>>
    tpu.enqueue_indirect_dma source(%arg15 : memref<128x64xf32, #tpu.memory_space<vmem>>) target(%dma_start3A_404 : memref<10016x64xf32, #tpu.memory_space<vmem_shared>>) offsets(%dma_start3A_401 : memref<128xi32, #tpu.memory_space<vmem>>) semaphore(%arg34 : memref<!tpu.dma_semaphore, #tpu.memory_space<semaphore_mem>>) {add = true}
    %dma_wait3A_405 = arith.constant 5 : i32
    %dma_wait3A_406 = arith.constant 0 : i32
    %dma_wait3A_407 = tpu.memref_slice %arg8[%dma_wait3A_405, %dma_wait3A_406] : memref<8x128xi32, #tpu.memory_space<vmem>> -> memref<1x128xi32, #tpu.memory_space<vmem>>
    %dma_wait3A_408 = tpu.memref_squeeze %dma_wait3A_407 : memref<1x128xi32, #tpu.memory_space<vmem>> -> memref<128xi32, #tpu.memory_space<vmem>>
    %dma_wait3A_409 = arith.constant 0 : i32
    %dma_wait3A_410 = arith.constant 0 : i32
    %dma_wait3A_411 = tpu.memref_slice %arg2[%dma_wait3A_409, %dma_wait3A_410] : memref<10000x64xf32, #tpu.memory_space<hbm>> -> memref<10000x64xf32, #tpu.memory_space<hbm>>
    tpu.wait_indirect_dma semaphore(%arg27 : memref<!tpu.dma_semaphore, #tpu.memory_space<semaphore_mem>>) src(%dma_wait3A_411 : memref<10000x64xf32, #tpu.memory_space<hbm>>) dst(%arg16 : memref<128x64xf32, #tpu.memory_space<vmem>>)
    %dma_start3A_412 = arith.constant 5 : i32
    %dma_start3A_413 = arith.constant 0 : i32
    %dma_start3A_414 = tpu.memref_slice %arg10[%dma_start3A_412, %dma_start3A_413] : memref<8x128xi32, #tpu.memory_space<vmem>> -> memref<1x128xi32, #tpu.memory_space<vmem>>
    %dma_start3A_415 = tpu.memref_squeeze %dma_start3A_414 : memref<1x128xi32, #tpu.memory_space<vmem>> -> memref<128xi32, #tpu.memory_space<vmem>>
    %dma_start3A_416 = arith.constant 0 : i32
    %dma_start3A_417 = arith.constant 0 : i32
    %dma_start3A_418 = tpu.memref_slice %arg19[%dma_start3A_416, %dma_start3A_417] : memref<10016x64xf32, #tpu.memory_space<vmem_shared>> -> memref<10016x64xf32, #tpu.memory_space<vmem_shared>>
    tpu.enqueue_indirect_dma source(%arg16 : memref<128x64xf32, #tpu.memory_space<vmem>>) target(%dma_start3A_418 : memref<10016x64xf32, #tpu.memory_space<vmem_shared>>) offsets(%dma_start3A_415 : memref<128xi32, #tpu.memory_space<vmem>>) semaphore(%arg35 : memref<!tpu.dma_semaphore, #tpu.memory_space<semaphore_mem>>) {add = true}
    %dma_wait3A_419 = arith.constant 6 : i32
    %dma_wait3A_420 = arith.constant 0 : i32
    %dma_wait3A_421 = tpu.memref_slice %arg8[%dma_wait3A_419, %dma_wait3A_420] : memref<8x128xi32, #tpu.memory_space<vmem>> -> memref<1x128xi32, #tpu.memory_space<vmem>>
    %dma_wait3A_422 = tpu.memref_squeeze %dma_wait3A_421 : memref<1x128xi32, #tpu.memory_space<vmem>> -> memref<128xi32, #tpu.memory_space<vmem>>
    %dma_wait3A_423 = arith.constant 0 : i32
    %dma_wait3A_424 = arith.constant 0 : i32
    %dma_wait3A_425 = tpu.memref_slice %arg2[%dma_wait3A_423, %dma_wait3A_424] : memref<10000x64xf32, #tpu.memory_space<hbm>> -> memref<10000x64xf32, #tpu.memory_space<hbm>>
    tpu.wait_indirect_dma semaphore(%arg28 : memref<!tpu.dma_semaphore, #tpu.memory_space<semaphore_mem>>) src(%dma_wait3A_425 : memref<10000x64xf32, #tpu.memory_space<hbm>>) dst(%arg17 : memref<128x64xf32, #tpu.memory_space<vmem>>)
    %dma_start3A_426 = arith.constant 6 : i32
    %dma_start3A_427 = arith.constant 0 : i32
    %dma_start3A_428 = tpu.memref_slice %arg10[%dma_start3A_426, %dma_start3A_427] : memref<8x128xi32, #tpu.memory_space<vmem>> -> memref<1x128xi32, #tpu.memory_space<vmem>>
    %dma_start3A_429 = tpu.memref_squeeze %dma_start3A_428 : memref<1x128xi32, #tpu.memory_space<vmem>> -> memref<128xi32, #tpu.memory_space<vmem>>
    %dma_start3A_430 = arith.constant 0 : i32
    %dma_start3A_431 = arith.constant 0 : i32
    %dma_start3A_432 = tpu.memref_slice %arg19[%dma_start3A_430, %dma_start3A_431] : memref<10016x64xf32, #tpu.memory_space<vmem_shared>> -> memref<10016x64xf32, #tpu.memory_space<vmem_shared>>
    tpu.enqueue_indirect_dma source(%arg17 : memref<128x64xf32, #tpu.memory_space<vmem>>) target(%dma_start3A_432 : memref<10016x64xf32, #tpu.memory_space<vmem_shared>>) offsets(%dma_start3A_429 : memref<128xi32, #tpu.memory_space<vmem>>) semaphore(%arg36 : memref<!tpu.dma_semaphore, #tpu.memory_space<semaphore_mem>>) {add = true}
    %dma_wait3A_433 = arith.constant 7 : i32
    %dma_wait3A_434 = arith.constant 0 : i32
    %dma_wait3A_435 = tpu.memref_slice %arg8[%dma_wait3A_433, %dma_wait3A_434] : memref<8x128xi32, #tpu.memory_space<vmem>> -> memref<1x128xi32, #tpu.memory_space<vmem>>
    %dma_wait3A_436 = tpu.memref_squeeze %dma_wait3A_435 : memref<1x128xi32, #tpu.memory_space<vmem>> -> memref<128xi32, #tpu.memory_space<vmem>>
    %dma_wait3A_437 = arith.constant 0 : i32
    %dma_wait3A_438 = arith.constant 0 : i32
    %dma_wait3A_439 = tpu.memref_slice %arg2[%dma_wait3A_437, %dma_wait3A_438] : memref<10000x64xf32, #tpu.memory_space<hbm>> -> memref<10000x64xf32, #tpu.memory_space<hbm>>
    tpu.wait_indirect_dma semaphore(%arg29 : memref<!tpu.dma_semaphore, #tpu.memory_space<semaphore_mem>>) src(%dma_wait3A_439 : memref<10000x64xf32, #tpu.memory_space<hbm>>) dst(%arg18 : memref<128x64xf32, #tpu.memory_space<vmem>>)
    %dma_start3A_440 = arith.constant 7 : i32
    %dma_start3A_441 = arith.constant 0 : i32
    %dma_start3A_442 = tpu.memref_slice %arg10[%dma_start3A_440, %dma_start3A_441] : memref<8x128xi32, #tpu.memory_space<vmem>> -> memref<1x128xi32, #tpu.memory_space<vmem>>
    %dma_start3A_443 = tpu.memref_squeeze %dma_start3A_442 : memref<1x128xi32, #tpu.memory_space<vmem>> -> memref<128xi32, #tpu.memory_space<vmem>>
    %dma_start3A_444 = arith.constant 0 : i32
    %dma_start3A_445 = arith.constant 0 : i32
    %dma_start3A_446 = tpu.memref_slice %arg19[%dma_start3A_444, %dma_start3A_445] : memref<10016x64xf32, #tpu.memory_space<vmem_shared>> -> memref<10016x64xf32, #tpu.memory_space<vmem_shared>>
    tpu.enqueue_indirect_dma source(%arg18 : memref<128x64xf32, #tpu.memory_space<vmem>>) target(%dma_start3A_446 : memref<10016x64xf32, #tpu.memory_space<vmem_shared>>) offsets(%dma_start3A_443 : memref<128xi32, #tpu.memory_space<vmem>>) semaphore(%arg37 : memref<!tpu.dma_semaphore, #tpu.memory_space<semaphore_mem>>) {add = true}
    %dma_wait3A_447 = arith.constant 0 : i32
    %dma_wait3A_448 = arith.constant 0 : i32
    %dma_wait3A_449 = tpu.memref_slice %arg10[%dma_wait3A_447, %dma_wait3A_448] : memref<8x128xi32, #tpu.memory_space<vmem>> -> memref<1x128xi32, #tpu.memory_space<vmem>>
    %dma_wait3A_450 = tpu.memref_squeeze %dma_wait3A_449 : memref<1x128xi32, #tpu.memory_space<vmem>> -> memref<128xi32, #tpu.memory_space<vmem>>
    %dma_wait3A_451 = arith.constant 0 : i32
    %dma_wait3A_452 = arith.constant 0 : i32
    %dma_wait3A_453 = tpu.memref_slice %arg19[%dma_wait3A_451, %dma_wait3A_452] : memref<10016x64xf32, #tpu.memory_space<vmem_shared>> -> memref<10016x64xf32, #tpu.memory_space<vmem_shared>>
    tpu.wait_indirect_dma semaphore(%arg30 : memref<!tpu.dma_semaphore, #tpu.memory_space<semaphore_mem>>) src(%arg11 : memref<128x64xf32, #tpu.memory_space<vmem>>) dst(%dma_wait3A_453 : memref<10016x64xf32, #tpu.memory_space<vmem_shared>>)
    %dma_wait3A_454 = arith.constant 1 : i32
    %dma_wait3A_455 = arith.constant 0 : i32
    %dma_wait3A_456 = tpu.memref_slice %arg10[%dma_wait3A_454, %dma_wait3A_455] : memref<8x128xi32, #tpu.memory_space<vmem>> -> memref<1x128xi32, #tpu.memory_space<vmem>>
    %dma_wait3A_457 = tpu.memref_squeeze %dma_wait3A_456 : memref<1x128xi32, #tpu.memory_space<vmem>> -> memref<128xi32, #tpu.memory_space<vmem>>
    %dma_wait3A_458 = arith.constant 0 : i32
    %dma_wait3A_459 = arith.constant 0 : i32
    %dma_wait3A_460 = tpu.memref_slice %arg19[%dma_wait3A_458, %dma_wait3A_459] : memref<10016x64xf32, #tpu.memory_space<vmem_shared>> -> memref<10016x64xf32, #tpu.memory_space<vmem_shared>>
    tpu.wait_indirect_dma semaphore(%arg31 : memref<!tpu.dma_semaphore, #tpu.memory_space<semaphore_mem>>) src(%arg12 : memref<128x64xf32, #tpu.memory_space<vmem>>) dst(%dma_wait3A_460 : memref<10016x64xf32, #tpu.memory_space<vmem_shared>>)
    %dma_wait3A_461 = arith.constant 2 : i32
    %dma_wait3A_462 = arith.constant 0 : i32
    %dma_wait3A_463 = tpu.memref_slice %arg10[%dma_wait3A_461, %dma_wait3A_462] : memref<8x128xi32, #tpu.memory_space<vmem>> -> memref<1x128xi32, #tpu.memory_space<vmem>>
    %dma_wait3A_464 = tpu.memref_squeeze %dma_wait3A_463 : memref<1x128xi32, #tpu.memory_space<vmem>> -> memref<128xi32, #tpu.memory_space<vmem>>
    %dma_wait3A_465 = arith.constant 0 : i32
    %dma_wait3A_466 = arith.constant 0 : i32
    %dma_wait3A_467 = tpu.memref_slice %arg19[%dma_wait3A_465, %dma_wait3A_466] : memref<10016x64xf32, #tpu.memory_space<vmem_shared>> -> memref<10016x64xf32, #tpu.memory_space<vmem_shared>>
    tpu.wait_indirect_dma semaphore(%arg32 : memref<!tpu.dma_semaphore, #tpu.memory_space<semaphore_mem>>) src(%arg13 : memref<128x64xf32, #tpu.memory_space<vmem>>) dst(%dma_wait3A_467 : memref<10016x64xf32, #tpu.memory_space<vmem_shared>>)
    %dma_wait3A_468 = arith.constant 3 : i32
    %dma_wait3A_469 = arith.constant 0 : i32
    %dma_wait3A_470 = tpu.memref_slice %arg10[%dma_wait3A_468, %dma_wait3A_469] : memref<8x128xi32, #tpu.memory_space<vmem>> -> memref<1x128xi32, #tpu.memory_space<vmem>>
    %dma_wait3A_471 = tpu.memref_squeeze %dma_wait3A_470 : memref<1x128xi32, #tpu.memory_space<vmem>> -> memref<128xi32, #tpu.memory_space<vmem>>
    %dma_wait3A_472 = arith.constant 0 : i32
    %dma_wait3A_473 = arith.constant 0 : i32
    %dma_wait3A_474 = tpu.memref_slice %arg19[%dma_wait3A_472, %dma_wait3A_473] : memref<10016x64xf32, #tpu.memory_space<vmem_shared>> -> memref<10016x64xf32, #tpu.memory_space<vmem_shared>>
    tpu.wait_indirect_dma semaphore(%arg33 : memref<!tpu.dma_semaphore, #tpu.memory_space<semaphore_mem>>) src(%arg14 : memref<128x64xf32, #tpu.memory_space<vmem>>) dst(%dma_wait3A_474 : memref<10016x64xf32, #tpu.memory_space<vmem_shared>>)
    %dma_wait3A_475 = arith.constant 4 : i32
    %dma_wait3A_476 = arith.constant 0 : i32
    %dma_wait3A_477 = tpu.memref_slice %arg10[%dma_wait3A_475, %dma_wait3A_476] : memref<8x128xi32, #tpu.memory_space<vmem>> -> memref<1x128xi32, #tpu.memory_space<vmem>>
    %dma_wait3A_478 = tpu.memref_squeeze %dma_wait3A_477 : memref<1x128xi32, #tpu.memory_space<vmem>> -> memref<128xi32, #tpu.memory_space<vmem>>
    %dma_wait3A_479 = arith.constant 0 : i32
    %dma_wait3A_480 = arith.constant 0 : i32
    %dma_wait3A_481 = tpu.memref_slice %arg19[%dma_wait3A_479, %dma_wait3A_480] : memref<10016x64xf32, #tpu.memory_space<vmem_shared>> -> memref<10016x64xf32, #tpu.memory_space<vmem_shared>>
    tpu.wait_indirect_dma semaphore(%arg34 : memref<!tpu.dma_semaphore, #tpu.memory_space<semaphore_mem>>) src(%arg15 : memref<128x64xf32, #tpu.memory_space<vmem>>) dst(%dma_wait3A_481 : memref<10016x64xf32, #tpu.memory_space<vmem_shared>>)
    %dma_wait3A_482 = arith.constant 5 : i32
    %dma_wait3A_483 = arith.constant 0 : i32
    %dma_wait3A_484 = tpu.memref_slice %arg10[%dma_wait3A_482, %dma_wait3A_483] : memref<8x128xi32, #tpu.memory_space<vmem>> -> memref<1x128xi32, #tpu.memory_space<vmem>>
    %dma_wait3A_485 = tpu.memref_squeeze %dma_wait3A_484 : memref<1x128xi32, #tpu.memory_space<vmem>> -> memref<128xi32, #tpu.memory_space<vmem>>
    %dma_wait3A_486 = arith.constant 0 : i32
    %dma_wait3A_487 = arith.constant 0 : i32
    %dma_wait3A_488 = tpu.memref_slice %arg19[%dma_wait3A_486, %dma_wait3A_487] : memref<10016x64xf32, #tpu.memory_space<vmem_shared>> -> memref<10016x64xf32, #tpu.memory_space<vmem_shared>>
    tpu.wait_indirect_dma semaphore(%arg35 : memref<!tpu.dma_semaphore, #tpu.memory_space<semaphore_mem>>) src(%arg16 : memref<128x64xf32, #tpu.memory_space<vmem>>) dst(%dma_wait3A_488 : memref<10016x64xf32, #tpu.memory_space<vmem_shared>>)
    %dma_wait3A_489 = arith.constant 6 : i32
    %dma_wait3A_490 = arith.constant 0 : i32
    %dma_wait3A_491 = tpu.memref_slice %arg10[%dma_wait3A_489, %dma_wait3A_490] : memref<8x128xi32, #tpu.memory_space<vmem>> -> memref<1x128xi32, #tpu.memory_space<vmem>>
    %dma_wait3A_492 = tpu.memref_squeeze %dma_wait3A_491 : memref<1x128xi32, #tpu.memory_space<vmem>> -> memref<128xi32, #tpu.memory_space<vmem>>
    %dma_wait3A_493 = arith.constant 0 : i32
    %dma_wait3A_494 = arith.constant 0 : i32
    %dma_wait3A_495 = tpu.memref_slice %arg19[%dma_wait3A_493, %dma_wait3A_494] : memref<10016x64xf32, #tpu.memory_space<vmem_shared>> -> memref<10016x64xf32, #tpu.memory_space<vmem_shared>>
    tpu.wait_indirect_dma semaphore(%arg36 : memref<!tpu.dma_semaphore, #tpu.memory_space<semaphore_mem>>) src(%arg17 : memref<128x64xf32, #tpu.memory_space<vmem>>) dst(%dma_wait3A_495 : memref<10016x64xf32, #tpu.memory_space<vmem_shared>>)
    %dma_wait3A_496 = arith.constant 7 : i32
    %dma_wait3A_497 = arith.constant 0 : i32
    %dma_wait3A_498 = tpu.memref_slice %arg10[%dma_wait3A_496, %dma_wait3A_497] : memref<8x128xi32, #tpu.memory_space<vmem>> -> memref<1x128xi32, #tpu.memory_space<vmem>>
    %dma_wait3A_499 = tpu.memref_squeeze %dma_wait3A_498 : memref<1x128xi32, #tpu.memory_space<vmem>> -> memref<128xi32, #tpu.memory_space<vmem>>
    %dma_wait3A_500 = arith.constant 0 : i32
    %dma_wait3A_501 = arith.constant 0 : i32
    %dma_wait3A_502 = tpu.memref_slice %arg19[%dma_wait3A_500, %dma_wait3A_501] : memref<10016x64xf32, #tpu.memory_space<vmem_shared>> -> memref<10016x64xf32, #tpu.memory_space<vmem_shared>>
    tpu.wait_indirect_dma semaphore(%arg37 : memref<!tpu.dma_semaphore, #tpu.memory_space<semaphore_mem>>) src(%arg18 : memref<128x64xf32, #tpu.memory_space<vmem>>) dst(%dma_wait3A_502 : memref<10016x64xf32, #tpu.memory_space<vmem_shared>>)
    %barrier3A_503 = arith.constant 0 : index
    tpu.barrier barrier_id(%barrier3A_503)
    %mul3A_504 = arith.constant 624 : i32
    %mul3A_505 = arith.muli %arg1, %mul3A_504 : i32
    %mul3A_506 = arith.constant 624 : i32
    %mul3A_507 = arith.muli %arg1, %mul3A_506 : i32
    "tpu.region"() ({
      %run_scoped3A = tpu.sem_alloc : memref<!tpu.dma_semaphore, #tpu.memory_space<semaphore_mem>>
      %dma_start3A_513 = arith.constant 0 : i32
      %dma_start3A_514 = tpu.memref_slice %arg6[%arg0, %mul3A_507, %dma_start3A_513] : memref<2x10000x64xf32, #tpu.memory_space<hbm>> -> memref<1x624x64xf32, #tpu.memory_space<hbm>>
      %dma_start3A_515 = tpu.memref_squeeze %dma_start3A_514 : memref<1x624x64xf32, #tpu.memory_space<hbm>> -> memref<624x64xf32, #tpu.memory_space<hbm>>
      %dma_start3A_516 = arith.constant 0 : i32
      %dma_start3A_517 = tpu.memref_slice %arg19[%mul3A_505, %dma_start3A_516] : memref<10016x64xf32, #tpu.memory_space<vmem_shared>> -> memref<624x64xf32, #tpu.memory_space<vmem_shared>>
      tpu.enqueue_dma source(%dma_start3A_517 : memref<624x64xf32, #tpu.memory_space<vmem_shared>>) target(%dma_start3A_515 : memref<624x64xf32, #tpu.memory_space<hbm>>) target_semaphore(%run_scoped3A : memref<!tpu.dma_semaphore, #tpu.memory_space<semaphore_mem>>)
      %dma_wait3A_518 = arith.constant 0 : i32
      %dma_wait3A_519 = tpu.memref_slice %arg6[%arg0, %mul3A_507, %dma_wait3A_518] : memref<2x10000x64xf32, #tpu.memory_space<hbm>> -> memref<1x624x64xf32, #tpu.memory_space<hbm>>
      %dma_wait3A_520 = tpu.memref_squeeze %dma_wait3A_519 : memref<1x624x64xf32, #tpu.memory_space<hbm>> -> memref<624x64xf32, #tpu.memory_space<hbm>>
      %dma_wait3A_521 = arith.constant 0 : i32
      %dma_wait3A_522 = tpu.memref_slice %arg19[%mul3A_505, %dma_wait3A_521] : memref<10016x64xf32, #tpu.memory_space<vmem_shared>> -> memref<624x64xf32, #tpu.memory_space<vmem_shared>>
      tpu.wait_dma2 semaphore(%run_scoped3A : memref<!tpu.dma_semaphore, #tpu.memory_space<semaphore_mem>>) src(%dma_wait3A_522 : memref<624x64xf32, #tpu.memory_space<vmem_shared>>) dst(%dma_wait3A_520 : memref<624x64xf32, #tpu.memory_space<hbm>>)
      tpu.yield
    }) : () -> ()
    %eq3A_508 = arith.constant 0 : i32
    %eq3A_509 = arith.cmpi eq, %arg1, %eq3A_508 : i32
    %convert_element_type3A_510 = arith.extui %eq3A_509 : i1 to i32
    %cond3A_511 = arith.constant 0 : i32
    %cond3A_512 = arith.cmpi ne, %convert_element_type3A_510, %cond3A_511 : i32
    scf.if %cond3A_512 {
      "tpu.region"() ({
        %run_scoped3A = tpu.sem_alloc : memref<!tpu.dma_semaphore, #tpu.memory_space<semaphore_mem>>
        %dma_start3A_513 = arith.constant 9984 : i32
        %dma_start3A_514 = arith.constant 0 : i32
        %dma_start3A_515 = tpu.memref_slice %arg6[%arg0, %dma_start3A_513, %dma_start3A_514] : memref<2x10000x64xf32, #tpu.memory_space<hbm>> -> memref<1x16x64xf32, #tpu.memory_space<hbm>>
        %dma_start3A_516 = tpu.memref_squeeze %dma_start3A_515 : memref<1x16x64xf32, #tpu.memory_space<hbm>> -> memref<16x64xf32, #tpu.memory_space<hbm>>
        %dma_start3A_517 = arith.constant 9984 : i32
        %dma_start3A_518 = arith.constant 0 : i32
        %dma_start3A_519 = tpu.memref_slice %arg19[%dma_start3A_517, %dma_start3A_518] : memref<10016x64xf32, #tpu.memory_space<vmem_shared>> -> memref<16x64xf32, #tpu.memory_space<vmem_shared>>
        tpu.enqueue_dma source(%dma_start3A_519 : memref<16x64xf32, #tpu.memory_space<vmem_shared>>) target(%dma_start3A_516 : memref<16x64xf32, #tpu.memory_space<hbm>>) target_semaphore(%run_scoped3A : memref<!tpu.dma_semaphore, #tpu.memory_space<semaphore_mem>>)
        %dma_wait3A_520 = arith.constant 9984 : i32
        %dma_wait3A_521 = arith.constant 0 : i32
        %dma_wait3A_522 = tpu.memref_slice %arg6[%arg0, %dma_wait3A_520, %dma_wait3A_521] : memref<2x10000x64xf32, #tpu.memory_space<hbm>> -> memref<1x16x64xf32, #tpu.memory_space<hbm>>
        %dma_wait3A_523 = tpu.memref_squeeze %dma_wait3A_522 : memref<1x16x64xf32, #tpu.memory_space<hbm>> -> memref<16x64xf32, #tpu.memory_space<hbm>>
        %dma_wait3A_524 = arith.constant 9984 : i32
        %dma_wait3A_525 = arith.constant 0 : i32
        %dma_wait3A_526 = tpu.memref_slice %arg19[%dma_wait3A_524, %dma_wait3A_525] : memref<10016x64xf32, #tpu.memory_space<vmem_shared>> -> memref<16x64xf32, #tpu.memory_space<vmem_shared>>
        tpu.wait_dma2 semaphore(%run_scoped3A : memref<!tpu.dma_semaphore, #tpu.memory_space<semaphore_mem>>) src(%dma_wait3A_526 : memref<16x64xf32, #tpu.memory_space<vmem_shared>>) dst(%dma_wait3A_523 : memref<16x64xf32, #tpu.memory_space<hbm>>)
        tpu.yield
      }) : () -> ()
    } else {
    }
    return
  }
}

module attributes {stable_mosaic.version = 14 : i64} {
  func.func @body(%arg0: i32, %arg1: memref<2x5000x128xf32, #tpu.memory_space<vmem>>, %arg2: memref<128x128xf32, #tpu.memory_space<vmem>>, %arg3: memref<1x128xf32, #tpu.memory_space<vmem>>, %arg4: memref<128x64xf32, #tpu.memory_space<vmem>>, %arg5: memref<5000x64xf32, #tpu.memory_space<vmem>>) attributes {dimension_semantics = [#tpu.dimension_semantics<arbitrary>], iteration_bounds = array<i64: 2>, scalar_prefetch = 0 : i64, scratch_operands = 0 : i64, tpu.core_type = #tpu.core_type<tc>, window_params = [{transform_indices = @transform_0, window_bounds = array<i64: 2, 5000, 128>}, {pipeline_mode = #tpu.pipeline_mode<synchronous>, transform_indices = @transform_1, window_bounds = array<i64: 128, 128>}, {pipeline_mode = #tpu.pipeline_mode<synchronous>, transform_indices = @transform_2, window_bounds = array<i64: 1, 128>}, {pipeline_mode = #tpu.pipeline_mode<synchronous>, transform_indices = @transform_3, window_bounds = array<i64: 128, 64>}, {transform_indices = @transform_4, window_bounds = array<i64: 5000, 64>}]} {
    %get3A = arith.constant 0 : index
    %get3A_0 = arith.constant 0 : index
    %get3A_1 = arith.constant 0 : index
    %get3A_2 = vector.load %arg1[%get3A, %get3A_0, %get3A_1] : memref<2x5000x128xf32, #tpu.memory_space<vmem>>, vector<1x5000x128xf32>
    %get3A_3 = vector.shape_cast %get3A_2 : vector<1x5000x128xf32> to vector<5000x128xf32>
    %get3A_4 = arith.constant 1 : index
    %get3A_5 = arith.constant 0 : index
    %get3A_6 = arith.constant 0 : index
    %get3A_7 = vector.load %arg1[%get3A_4, %get3A_5, %get3A_6] : memref<2x5000x128xf32, #tpu.memory_space<vmem>>, vector<1x5000x128xf32>
    %get3A_8 = vector.shape_cast %get3A_7 : vector<1x5000x128xf32> to vector<5000x128xf32>
    %add3A = arith.addf %get3A_3, %get3A_8 : vector<5000x128xf32>
    %get3A_9 = arith.constant 0 : index
    %get3A_10 = arith.constant 0 : index
    %get3A_11 = vector.load %arg2[%get3A_9, %get3A_10] : memref<128x128xf32, #tpu.memory_space<vmem>>, vector<128x128xf32>
    %dot_general3A = arith.constant dense<0.000000e+00> : vector<5000x128xf32>
    %dot_general3A_12 = tpu.matmul %add3A, %get3A_11, %dot_general3A {dimension_numbers = #tpu.dot_dimension_numbers<[1], [0], [0], [1], [0, 0, 1, 1], [], []>, transpose_lhs_hint = false} : vector<5000x128xf32>, vector<128x128xf32>, vector<5000x128xf32> -> vector<5000x128xf32>
    %get3A_13 = arith.constant 0 : index
    %get3A_14 = arith.constant 0 : index
    %get3A_15 = vector.load %arg3[%get3A_13, %get3A_14] : memref<1x128xf32, #tpu.memory_space<vmem>>, vector<1x128xf32>
    %add3A_16 = vector.broadcast %get3A_15 : vector<1x128xf32> to vector<5000x128xf32>
    %add3A_17 = arith.addf %dot_general3A_12, %add3A_16 : vector<5000x128xf32>
    %max3A = arith.constant 0.000000e+00 : f32
    %max3A_18 = vector.broadcast %max3A : f32 to vector<5000x128xf32>
    %max3A_19 = arith.maximumf %add3A_17, %max3A_18 : vector<5000x128xf32>
    %get3A_20 = arith.constant 0 : index
    %get3A_21 = arith.constant 0 : index
    %get3A_22 = vector.load %arg4[%get3A_20, %get3A_21] : memref<128x64xf32, #tpu.memory_space<vmem>>, vector<128x64xf32>
    %dot_general3A_23 = arith.constant dense<0.000000e+00> : vector<5000x64xf32>
    %dot_general3A_24 = tpu.matmul %max3A_19, %get3A_22, %dot_general3A_23 {dimension_numbers = #tpu.dot_dimension_numbers<[1], [0], [0], [1], [0, 0, 1, 1], [], []>, transpose_lhs_hint = false} : vector<5000x128xf32>, vector<128x64xf32>, vector<5000x64xf32> -> vector<5000x64xf32>
    %swap3A = arith.constant 0 : index
    %swap3A_25 = arith.constant 0 : index
    %swap3A_26 = vector.load %arg5[%swap3A, %swap3A_25] : memref<5000x64xf32, #tpu.memory_space<vmem>>, vector<5000x64xf32>
    tpu.vector_store %arg5[%swap3A, %swap3A_25], %dot_general3A_24 {strides = array<i32>} : memref<5000x64xf32, #tpu.memory_space<vmem>>, vector<5000x64xf32>,
    return
  }
  func.func @transform_0(%arg0: i32) -> (i32, i32, i32) {
    %c0_i32 = arith.constant 0 : i32
    %c0_i32_0 = arith.constant 0 : i32
    %c0_i32_1 = arith.constant 0 : i32
    return %c0_i32, %arg0, %c0_i32_0 : i32, i32, i32
  }
  func.func @transform_1(%arg0: i32) -> (i32, i32) {
    %c0_i32 = arith.constant 0 : i32
    %c0_i32_0 = arith.constant 0 : i32
    %c0_i32_1 = arith.constant 0 : i32
    return %c0_i32, %c0_i32_0 : i32, i32
  }
  func.func @transform_2(%arg0: i32) -> (i32, i32) {
    %c0_i32 = arith.constant 0 : i32
    %c0_i32_0 = arith.constant 0 : i32
    %c0_i32_1 = arith.constant 0 : i32
    return %c0_i32, %c0_i32_0 : i32, i32
  }
  func.func @transform_3(%arg0: i32) -> (i32, i32) {
    %c0_i32 = arith.constant 0 : i32
    %c0_i32_0 = arith.constant 0 : i32
    %c0_i32_1 = arith.constant 0 : i32
    return %c0_i32, %c0_i32_0 : i32, i32
  }
  func.func @transform_4(%arg0: i32) -> (i32, i32) {
    %c0_i32 = arith.constant 0 : i32
    %c0_i32_0 = arith.constant 0 : i32
    return %arg0, %c0_i32 : i32, i32
  }
}

module attributes {stable_mosaic.version = 14 : i64} {
  func.func @body(%arg0: i32, %arg1: memref<2x5000x64xf32, #tpu.memory_space<vmem>>, %arg2: memref<1x64xf32, #tpu.memory_space<vmem>>, %arg3: memref<5000x64xf32, #tpu.memory_space<vmem>>) attributes {dimension_semantics = [#tpu.dimension_semantics<arbitrary>], iteration_bounds = array<i64: 2>, scalar_prefetch = 0 : i64, scratch_operands = 0 : i64, tpu.core_type = #tpu.core_type<tc>, window_params = [{transform_indices = @transform_0, window_bounds = array<i64: 2, 5000, 64>}, {pipeline_mode = #tpu.pipeline_mode<synchronous>, transform_indices = @transform_1, window_bounds = array<i64: 1, 64>}, {transform_indices = @transform_2, window_bounds = array<i64: 5000, 64>}]} {
    %get3A = arith.constant 0 : index
    %get3A_0 = arith.constant 0 : index
    %get3A_1 = arith.constant 0 : index
    %get3A_2 = vector.load %arg1[%get3A, %get3A_0, %get3A_1] : memref<2x5000x64xf32, #tpu.memory_space<vmem>>, vector<1x5000x64xf32>
    %get3A_3 = vector.shape_cast %get3A_2 : vector<1x5000x64xf32> to vector<5000x64xf32>
    %get3A_4 = arith.constant 1 : index
    %get3A_5 = arith.constant 0 : index
    %get3A_6 = arith.constant 0 : index
    %get3A_7 = vector.load %arg1[%get3A_4, %get3A_5, %get3A_6] : memref<2x5000x64xf32, #tpu.memory_space<vmem>>, vector<1x5000x64xf32>
    %get3A_8 = vector.shape_cast %get3A_7 : vector<1x5000x64xf32> to vector<5000x64xf32>
    %add3A = arith.addf %get3A_3, %get3A_8 : vector<5000x64xf32>
    %get3A_9 = arith.constant 0 : index
    %get3A_10 = arith.constant 0 : index
    %get3A_11 = vector.load %arg2[%get3A_9, %get3A_10] : memref<1x64xf32, #tpu.memory_space<vmem>>, vector<1x64xf32>
    %add3A_12 = vector.broadcast %get3A_11 : vector<1x64xf32> to vector<5000x64xf32>
    %add3A_13 = arith.addf %add3A, %add3A_12 : vector<5000x64xf32>
    %reduce_max3A = arith.constant dense<0xFF800000> : vector<5000xf32>
    %reduce_max3A_14 = vector.multi_reduction <maximumf>, %add3A_13, %reduce_max3A [1] : vector<5000x64xf32> to vector<5000xf32>
    %broadcast_in_dim3A = vector.shape_cast %reduce_max3A_14 : vector<5000xf32> to vector<5000x1xf32>
    %sub3A = vector.broadcast %broadcast_in_dim3A : vector<5000x1xf32> to vector<5000x64xf32>
    %sub3A_15 = arith.subf %add3A_13, %sub3A : vector<5000x64xf32>
    %exp3A = math.exp %sub3A_15 : vector<5000x64xf32>
    %reduce_sum3A = arith.constant dense<0.000000e+00> : vector<5000xf32>
    %reduce_sum3A_16 = vector.multi_reduction <add>, %exp3A, %reduce_sum3A [1] : vector<5000x64xf32> to vector<5000xf32>
    %broadcast_in_dim3A_17 = vector.shape_cast %reduce_sum3A_16 : vector<5000xf32> to vector<5000x1xf32>
    %sub3A_18 = vector.broadcast %broadcast_in_dim3A : vector<5000x1xf32> to vector<5000x64xf32>
    %sub3A_19 = arith.subf %add3A_13, %sub3A_18 : vector<5000x64xf32>
    %log3A = math.log %broadcast_in_dim3A_17 : vector<5000x1xf32>
    %sub3A_20 = vector.broadcast %log3A : vector<5000x1xf32> to vector<5000x64xf32>
    %sub3A_21 = arith.subf %sub3A_19, %sub3A_20 : vector<5000x64xf32>
    %swap3A = arith.constant 0 : index
    %swap3A_22 = arith.constant 0 : index
    %swap3A_23 = vector.load %arg3[%swap3A, %swap3A_22] : memref<5000x64xf32, #tpu.memory_space<vmem>>, vector<5000x64xf32>
    tpu.vector_store %arg3[%swap3A, %swap3A_22], %sub3A_21 {strides = array<i32>} : memref<5000x64xf32, #tpu.memory_space<vmem>>, vector<5000x64xf32>,
    return
  }
  func.func @transform_0(%arg0: i32) -> (i32, i32, i32) {
    %c0_i32 = arith.constant 0 : i32
    %c0_i32_0 = arith.constant 0 : i32
    %c0_i32_1 = arith.constant 0 : i32
    return %c0_i32, %arg0, %c0_i32_0 : i32, i32, i32
  }
  func.func @transform_1(%arg0: i32) -> (i32, i32) {
    %c0_i32 = arith.constant 0 : i32
    %c0_i32_0 = arith.constant 0 : i32
    %c0_i32_1 = arith.constant 0 : i32
    return %c0_i32, %c0_i32_0 : i32, i32
  }
  func.func @transform_2(%arg0: i32) -> (i32, i32) {
    %c0_i32 = arith.constant 0 : i32
    %c0_i32_0 = arith.constant 0 : i32
    return %arg0, %c0_i32 : i32, i32
  }
}

</mosaic_0001>

<sc_bundles>
// kernel: kernel.6.cloned.1.call-start
scs
__scs_entry_jumppad:
0x0: {  	(pc) =	sbr.rel $0x88, $3  }
0x1: {  	(tag) =	ssettag $0x0;
	lr =	simm.s32 $0x1  }
0x2: {  	[smem:$0x3F9B] =	sst lr;
	_ =	strace $0xD0000000  }
0x3: {  	_ = 	snop  }
0x4: {  	_ = 	snop  }
0x5: {  	_ = 	snop  }
0x6: {  	_ = 	snop  }
0x7: {  	_ = 	snop  }
__scs_overlays_trampoline_lowered:
0x8: {  	[smem:$0x3FAA] =	sst s0  }
0x9: {  	[smem:$0x3FAB] =	sst s1  }
0xa: {  	[smem:$0x3FAC] =	sst s2  }
0xb: {  	[smem:$0x3FAD] =	sst s3  }
0xc: {  	[smem:$0x3FAE] =	sst s4  }
0xd: {  	[smem:$0x3FAF] =	sst s5  }
0xe: {  	[smem:$0x3FB0] =	sst s6  }
0xf: {  	[smem:$0x3FB1] =	sst s7  }
0x10: {  	[smem:$0x3FB2] =	sst s8  }
0x11: {  	[smem:$0x3FB3] =	sst s9;
	s0 =	simm.s32 @!p0 $0x0  }
0x12: {  	s1 =	sld [smem:$0x3F99];
	s0 =	simm.s32 @p0 $0x1  }
0x13: {  	[smem:$0x3FB4] =	sst s0;
	s0 =	simm.s32 @!p1 $0x0  }
0x14: {  	s2 =	sld [smem:$0x3F98];
	s0 =	simm.s32 @p1 $0x1  }
0x15: {  	[smem:$0x3FB5] =	sst s0;
	s0 =	simm.s32 @!p2 $0x0  }
0x16: {  	s3 =	sld [smem:$0x3FDB];
	s0 =	simm.s32 @p2 $0x1  }
0x17: {  	s4 =	simm.s32 $0x1BF5;
	[smem:$0x3FB7] =	sst s0  }
0x18: {  	s0 =	sld [smem:$0x3F9A];
	_ =	swait.ge [sflag:s4], $0x0  }
0x19: {  	s7 =	sld [smem:$0x3F9B]  }
0x1a: {  	s8 =	sadd.s32 $0xFFFFE003, lr  }
0x1b: {  	s9 =	sadd.s32 $0xFFFFFEF7, lr;
	s5 =	simm.s32 $0xFFFFFFFF;
	p2 =	slt.u32 s8, $0xFFFFF086  }
0x1c: {  	p1 =	slt.u32 s9, $0xF7A;
	s5 =	simm.s32 @!p2 $0x0  }
0x1d: {  	s5 =	simm.s32 @p1 $0x1;
	p0 =	seq.s32 s7, s2  }
0x1e: {  	s7 =	smul.u32 @!p0 $0xF7A, s2;
	p2 =	seq.s32 @!p0 s5, $0x0  }
0x1f: {  	s9 =	smul.u32 $0xF7A, s1;
	s8 =	simm.s32 @!p0 $0x1BF5;
	p2 =	por !p2, p0  }
0x20: {  	[sflag:s8] =	ssyncset.s32 @!p0 $0xFFFFF086;
	s6 =	sadd.s32 @!p0 s3, s7;
	s7 =	simm.s32 @!p0 $0x108  }
0x21: {  	s3 =	sadd.s32 s3, s9;
	s6 =	sadd.s32 @!p0 $0x88, s6;
	s7 =	simm.s32 @p2 $0x1082  }
0x22: {  	[simem:s7], [sflag:s8] =	dma.local @!p0 [hbm:s6], $0xF7A  }
0x23: {  	s9 =	sor.u32 $0xD0000000, s2;
	s6 =	simm.s32 $0x108;
	_ =	swait.ge @!p0 [sflag:s8], $0x0  }
0x24: {  	s3 =	sadd.s32 $0x88, s3;
	s6 =	simm.s32 @!p1 $0x1082;
	[sflag:s4] =	ssyncset.s32 $0xFFFFF086  }
0x25: {  	[simem:s6], [sflag:s4] =	dma.local [hbm:s3], $0xF7A  }
0x26: {  	[smem:$0x3F9B] =	sst s1;
	(tag) =	ssettag s2;
	_ =	strace s9  }
0x27: {  	s1 =	sld [smem:$0x3FAB]  }
0x28: {  	s2 =	sld [smem:$0x3FAC]  }
0x29: {  	s4 =	sld [smem:$0x3FAE]  }
0x2a: {  	p0 =	seq.s32 s5, $0x0;
	s5 =	sld [smem:$0x3FAF]  }
0x2b: {  	s6 =	sld [smem:$0x3FB0]  }
0x2c: {  	s7 =	sld [smem:$0x3FB1]  }
0x2d: {  	s3 =	simm.s32 $0x108;
	s8 =	sld [smem:$0x3FB2]  }
0x2e: {  	s3 =	simm.s32 @!p0 $0x1082;
	s9 =	sld [smem:$0x3FB3]  }
0x2f: {  	lr =	sadd.s32 s0, s3;
	s0 =	sld [smem:$0x3FAA]  }
0x30: {  	s3 =	sld [smem:$0x3FAD]  }
0x31: {  	[smem:$0x3FB6] =	sst s10  }
0x32: {  	s10 =	sld [smem:$0x3FB4];
	_ =	sdelay $0x3  }
0x33: {  	p0 =	seq.s32 s10, $0x1;
	s10 =	sld [smem:$0x3FB6];
	_ =	sdelay $0x3  }
0x34: {  	[smem:$0x3FB6] =	sst s10  }
0x35: {  	s10 =	sld [smem:$0x3FB5];
	_ =	sdelay $0x3  }
0x36: {  	p1 =	seq.s32 s10, $0x1;
	s10 =	sld [smem:$0x3FB6];
	_ =	sdelay $0x3  }
0x37: {  	[smem:$0x3FB6] =	sst s10  }
0x38: {  	s10 =	sld [smem:$0x3FB7]  }
0x39: {  	_ = 	snop;
	(pc) =	sbr.ind lr, $3  }
0x3a: {  	_ = 	snop  }
0x3b: {  	_ = 	snop  }
0x3c: {  	p2 =	seq.s32 s10, $0x1;
	s10 =	sld [smem:$0x3FB6]  }
0x3d: {  	_ =	shalt  }
0x3e: {  	_ =	shalt  }
0x3f: {  	_ =	shalt  }
0x40: {  	_ =	shalt  }
0x41: {  	_ =	shalt  }
0x42: {  	_ =	shalt  }
0x43: {  	_ =	shalt  }
0x44: {  	_ =	shalt  }
0x45: {  	_ =	shalt  }
0x46: {  	_ =	shalt  }
0x47: {  	_ =	shalt  }
0x48: {  	_ =	shalt  }
0x49: {  	_ =	shalt  }
0x4a: {  	_ =	shalt  }
0x4b: {  	_ =	shalt  }
0x4c: {  	_ =	shalt  }
0x4d: {  	_ =	shalt  }
0x4e: {  	_ =	shalt  }
0x4f: {  	_ =	shalt  }
0x50: {  	_ =	shalt  }
0x51: {  	_ =	shalt  }
0x52: {  	_ =	shalt  }
0x53: {  	_ =	shalt  }
0x54: {  	_ =	shalt  }
0x55: {  	_ =	shalt  }
0x56: {  	_ =	shalt  }
0x57: {  	_ =	shalt  }
0x58: {  	_ =	shalt  }
0x59: {  	_ =	shalt  }
0x5a: {  	_ =	shalt  }
0x5b: {  	_ =	shalt  }
0x5c: {  	_ =	shalt  }
0x5d: {  	_ =	shalt  }
0x5e: {  	_ =	shalt  }
0x5f: {  	_ =	shalt  }
0x60: {  	_ =	shalt  }
0x61: {  	_ =	shalt  }
0x62: {  	_ =	shalt  }
0x63: {  	_ =	shalt  }
0x64: {  	_ =	shalt  }
0x65: {  	_ =	shalt  }
0x66: {  	_ =	shalt  }
0x67: {  	_ =	shalt  }
0x68: {  	_ =	shalt  }
0x69: {  	_ =	shalt  }
0x6a: {  	_ =	shalt  }
0x6b: {  	_ =	shalt  }
0x6c: {  	_ =	shalt  }
0x6d: {  	_ =	shalt  }
0x6e: {  	_ =	shalt  }
0x6f: {  	_ =	shalt  }
0x70: {  	_ =	shalt  }
0x71: {  	_ =	shalt  }
0x72: {  	_ =	shalt  }
0x73: {  	_ =	shalt  }
0x74: {  	_ =	shalt  }
0x75: {  	_ =	shalt  }
0x76: {  	_ =	shalt  }
0x77: {  	_ =	shalt  }
0x78: {  	_ =	shalt  }
0x79: {  	_ =	shalt  }
0x7a: {  	_ =	shalt  }
0x7b: {  	_ =	shalt  }
0x7c: {  	_ =	shalt  }
0x7d: {  	_ =	shalt  }
0x7e: {  	_ =	shalt  }
0x7f: {  	_ =	shalt  }
0x80: {  	_ =	shalt  }
0x81: {  	_ =	shalt  }
0x82: {  	_ =	shalt  }
0x83: {  	_ =	shalt  }
0x84: {  	_ =	shalt  }
0x85: {  	_ =	shalt  }
0x86: {  	_ =	shalt  }
0x87: {  	_ =	shalt  }
.Lfunc_end0:
.L_simem_size_0:
called_computation_lowered:
.L_overlay_start_0:
0x88: {  	s2 =	sld [smem:$0x3FD9]  }
0x89: {  	s3 =	sld [smem:$0x3FFE];
	_ =	sdelay $0x1  }
0x8a: {  	s1 =	srdreg.scid  }
0x8b: {  	s0 =	sand.u32 $0x1, s1  }
0x8c: {  	s17 =	sshll.u32 s0, $0xA;
	s2 =	sadd.s32 s3, s2  }
0x8d: {  	s2 =	sadd.s32 s2, s17  }
0x8e: {  	[smem:$0x3FC2] =	sst s2  }
0x8f: {  	_ = 	snop  }
0x90: {  	s2 =	sld [smem:$0x3FC9]  }
0x91: {  	s18 =	sld [smem:$0x3FD0];
	(tm) =	ssettm $0x1  }
0x92: {  	s4 =	sld [smem:$0x3FFB];
	_ =	sdelay $0x3  }
0x93: {  	_ =	strace s4  }
0x94: {  	s4 =	sld [smem:$0x3FFC];
	_ =	sdelay $0x3  }
0x95: {  	_ =	strace s4  }
0x96: {  	s4 =	sld [smem:$0x3FFD];
	_ =	sdelay $0x3  }
0x97: {  	_ =	strace s4  }
0x98: {  	_ =	strace $0x8FFFFFFF  }
0x99: {  	s19 =	sld [smem:$0x3FDB];
	_ =	sdelay $0x1  }
0x9a: {  	s5 =	simm.s32 $_scs_section_size  }
0x9b: {  	s6 =	simm.s32 $_size__tile_overlayer_lowered;
	s7 =	simm.s32 $_tile_overlayer_lowered  }
0x9c: {  	s22 =	simm.s32 $0x1BFF;
	s21 =	sshll.u32 s7, $0x1;
	s4 =	sadd.s32 s5, s19  }
0x9d: {  	s8 =	simm.s32 $0x0;
	s20 =	sshll.u32 s6, $0x1;
	s6 =	sadd.s32 s21, s4  }
0x9e: {  	[timem:s8], [sflag:s22] =	dma.local [hbm:s6], s20  }
0x9f: {  	_ =	swait.ge [sflag:s22], s20  }
0xa0: {  	s5 =	ssub.s32 $0x0, s20;
	[sflag:s22] =	ssyncset.done $0x0  }
0xa1: {  	[sflag:s22] =	ssyncadd.s32 s5;
	_ =	sdelay $0x1  }
0xa2: {  	s23 =	simm.s32 $0x1B8B  }
0xa3: {  	_ =	swait.ge [sflag:s23], $0x1  }
0xa4: {  	[sflag:s23] =	ssyncset.done $0x0  }
0xa5: {  	s25 =	simm.s32 $0x1B8E;
	s24 =	sld [smem:$0x3FFE];
	[sflag:s23] =	ssyncadd.s32 $0xFFFFFFFF  }
0xa6: {  	s26 =	simm.s32 $execute0_lowered;
	[smem:$0x3FD2] =	sst s25  }
0xa7: {  	s6 =	sshll.u32 s26, $0x1;
	_ =	strace $0x80000046;
	[dreg:$0x1] =	wrdreg $0xFFFFFFFF  }
0xa8: {  	s28 =	simm.s32 $_size_execute0_lowered;
	s4 =	sadd.s32 s4, s6;
	[dreg:$0x0] =	wrdreg $0x0  }
0xa9: {  	s6 =	sshll.u32 s28, $0x1;
	[dreg:$0x2] =	wrdreg s4  }
0xaa: {  	[dreg:$0x3] =	wrdreg s6  }
0xab: {  	[dreg:$0x4] =	wrdreg $0xC0  }
0xac: {  	_ =	task [dreg:s8], $0x5FFFF  }
0xad: {  	[dreg:$0x1] =	wrdreg $0xFFFFFFFF  }
0xae: {  	[dreg:$0x0] =	wrdreg $0x60  }
0xaf: {  	[dreg:$0x2] =	wrdreg s2  }
0xb0: {  	[dreg:$0x3] =	wrdreg s18  }
0xb1: {  	[dreg:$0x4] =	wrdreg s24  }
0xb2: {  	[dreg:$0x5] =	wrdreg $0xC6000  }
0xb3: {  	[dreg:$0x6] =	wrdreg $0x9  }
0xb4: {  	_ =	task.clear_ibuf [dreg:s8], $0x7FFFF;
	_ =	strace $0x90000046  }
0xb5: {  	s29 =	simm.s32 $0x9;
	_ =	strace $0x80000048  }
0xb6: {  	_ =	swait.ge [sflag:s29], $0x1  }
0xb7: {  	[sflag:s29] =	ssyncadd.s32 $0xFFFFFFFF  }
0xb8: {  	_ =	strace $0x90000048  }
0xb9: {  	_ =	sfence  }
0xba: {  	s30 =	sld [smem:$0x0];
	_ =	sdelay $0x2  }
0xbb: {  	s31 =	sshll.u32 s1, $0xD;
	s1 =	sshrl.u32 s1, $0x2  }
0xbc: {  	s3 =	sand.u32 $0x4000, s31;
	s1 =	sadd.s32 s1, s30  }
0xbd: {  	s0 =	sor.u32 s3, s0;
	s1 =	sshll.u32 s1, $0x11  }
0xbe: {  	s0 =	sor.u32 s1, s0  }
0xbf: {  	s0 =	sadd.s32 $0x8F2B, s0  }
0xc0: {  	[sflag:s0] =	ssyncadd.remote.s32 $0x1  }
0xc1: {  	_ =	sfence.sel $0xFFFF  }
0xc2: {  	[dreg:$0x0] =	wrdreg $0xFFFFFFFF;
	(pc) =	sbr.abs _section_cstart, $3  }
0xc3: {  	[dreg:$0x1] =	wrdreg $0xFFFFFFFF  }
0xc4: {  	_ =	task.clear_ibuf [dreg:s8], $0x2FFFF;
	_ =	strace $0x9FFFFFFF  }
0xc5: {  	(tm) =	ssettm $0x7FFFFFFF  }
tec
execute0_lowered:
.L_overlay_start_1:
0x0: {  	(tag) =	ssettag $0x1  }
0x1: {  	s1 =	rddreg [dreg:$0x0]  }
0x2: {  	s0 =	rddreg [dreg:$0x1]  }
0x3: {  	s3 =	rddreg [dreg:$0x2]  }
0x4: {  	s2 =	rddreg [dreg:$0x3];
	s5 =	srdreg.scid  }
0x5: {  	s13 =	stileid.u32;
	s4 =	simm.s32 $0x0;
	s28 =	simm.s32 $0x380  }
0x6: {  	s29 =	simm.s32 $0x5;
	s30 =	simm.s32 $0x400;
	s31 =	simm.s32 $0x2  }
0x7: {  	s6 =	sand.u32 $0x1, s5;
	s20 =	sshll.u32 s13, $0x1;
	[smem:$0x7FF] =	sst s4  }
0x8: {  	s9 =	sadd.s32 $0xE00, s3;
	s11 =	smul.u32 $0x13800, s13;
	s21 =	sadd.s32 $0xB000, s3  }
0x9: {  	s3 =	sadd.s32 $0xD800, s3;
	s22 =	smul.u32 $0xA2, s13;
	s14 =	sadd.s32 $0x138000, s2  }
0xa: {  	s7 =	sor.u32 s6, s20;
	_ =	strace $0x80000047;
	s25 =	smul.u32 $0x51, s6  }
0xb: {  	s10 =	ssub.s32 $0x2, s6;
	[dreg:$0xb] =	wrdreg s21;
	s6 =	smul.u32 $0x138800, s6  }
0xc: {  	p0 =	sne.s32 s13, $0x0;
	[dreg:$0xf] =	wrdreg s14;
	s8 =	smul.u32 $0x510, s7  }
0xd: {  	s12 =	sshrl.u32 s10, $0x1;
	s7 =	smul.u32 $0x2880, s7;
	s26 =	sadd.s32 s11, s2  }
0xe: {  	s10 =	ssub.s32 s10, s12;
	[dreg:$0xe] =	wrdreg s26;
	s11 =	sadd.s32 s11, s6  }
0xf: {  	s6 =	sshrl.u32 s6, $0x3;
	s26 =	simm.s32 $0x280;
	s23 =	sadd.s32 s0, s8  }
0x10: {  	s24 =	sadd.s32 s9, s8;
	s7 =	sshrl.u32 s7, $0x3;
	s8 =	sadd.s32 s25, s22  }
0x11: {  	s17 =	sshrl.u32 s11, $0x3;
	s25 =	simm.s32 $0x200;
	[dreg:$0xa] =	wrdreg s26  }
0x12: {  	s11 =	simm.s32 $0x9;
	s26 =	simm.s32 $0x4;
	[dreg:$0xc] =	wrdreg s23  }
0x13: {  	[dreg:$0xd] =	wrdreg s24;
	s7 =	sadd.s32 $0x30, s7;
	s8 =	sshll.u32 s8, $0x4  }
0x14: {  	s19 =	sadd.s32 s3, s17;
	s3 =	sadd.s32 s3, s6;
	s24 =	smax.u32 s10, $0x1  }
0x15: {  	s17 =	simm.s32 $0x80;
	[dreg:$0x9] =	wrdreg s25;
	s25 =	simm.s32 $0x3  }
0x16: {  	s6 =	simm.s32 $0x8;
	s15 =	sadd.s32 s0, s7;
	s16 =	sadd.s32 s9, s7  }
0x17: {  	s18 =	sadd.s32 $0x90, s8;
	[dreg:$0x12] =	wrdreg s19;
	s22 =	sadd.s32 s8, s9  }
0x18: {  	s3 =	sadd.s32 $0x27000, s3;
	[dreg:$0x14] =	wrdreg s24;
	s19 =	simm.s32 $0x4600  }
0x19: {  	s24 =	simm.s32 $0x480;
	s7 =	simm.s32 $0x500;
	[dreg:$0x10] =	wrdreg s15  }
0x1a: {  	[dreg:$0x11] =	wrdreg s16;
	s20 =	sadd.s32 s18, s0;
	s21 =	sadd.s32 s18, s9  }
0x1b: {  	s0 =	sadd.s32 s8, s0;
	s23 =	sadd.s32 $0x60, s22;
	[dreg:$0x13] =	wrdreg s3  }
0x1c: {  	s15 =	simm.s32 $0x300;
	s16 =	simm.s32 $0x1;
	s18 =	simm.s32 $0x600  }
0x1d: {  	s3 =	simm.s32 $0x7;
	s8 =	simm.s32 $0x580;
	[dreg:$0x5] =	wrdreg s20  }
0x1e: {  	s9 =	simm.s32 $0x0;
	[dreg:$0x6] =	wrdreg s21;
	s0 =	sadd.s32 $0x60, s0  }
0x1f: {  	[dreg:$0x8] =	wrdreg s23;
	s20 =	simm.s32 $0x100;
	s21 =	simm.s32 $0x8600  }
0x20: {  	s23 =	simm.s32 $0x180;
	[dreg:$0x7] =	wrdreg s0;
	s0 =	simm.s32 $0x6  }
.LBB2_1:
0x21: {  	s5 =	rddreg [dreg:$0xc]  }
0x22: {  	[tilespmem:s4], [sflag:$0x1] =	stream.linear.gather [hbm4b:s5+s4], $0x180, $0x38;
	[tilespmem:$0x1FF00] =	vst v63  }
0x23: {  	s10 =	rddreg [dreg:$0xd]  }
0x24: {  	[tilespmem:s15], [sflag:$0x1] =	stream.linear.gather [hbm4b:s10+s4], $0x180, $0x38;
	[tilespmem:$0x1FF00] =	vst v63  }
0x25: {  	_ =	swait.ge [sflag:s16], $0x180  }
0x26: {  	[sflag:s16] =	ssyncset.done $0x0  }
0x27: {  	[sflag:s16] =	ssyncadd.s32 $0xFFFFFE80  }
0x28: {  	_ =	swait.ge [sflag:s16], $0x180  }
0x29: {  	[sflag:s16] =	ssyncset.done $0x0  }
0x2a: {  	s12 =	stileid.u32;
	s13 =	rddreg [dreg:$0xe];
	[sflag:s16] =	ssyncadd.s32 $0xFFFFFE80  }
0x2b: {  	[tilespmem:s18], [sflag:$0x3] =	stream.indirect.gather [hbm4b:s1+s17], $0x80, s4, s17, $0xb8;
	[tilespmem:$0x1FF00] =	vst v63  }
0x2c: {  	s10 =	sshll.u32 s12, $0x6;
	s5 =	rddreg [dreg:$0xb];
	s12 =	sshrl.u32 s13, $0x3  }
0x2d: {  	[tilespmem:s19], [sflag:$0x4] =	stream.indirect.gather [hbm4b:s1+s17], $0x80, s17, s17, $0xb8;
	[tilespmem:$0x1FF00] =	vst v63  }
0x2e: {  	s10 =	sor.u32 $0x1C09, s10;
	[dreg:$0x15] =	wrdreg s12  }
0x2f: {  	[tilespmem:s21], [sflag:$0x5] =	stream.indirect.gather [hbm4b:s1+s17], $0x80, s20, s17, $0xb8;
	[tilespmem:$0x1FF00] =	vst v63  }
0x30: {  	[spmem:s12], [sflag:s10] =	dma.local [hbm:s5], $0x2700  }
0x31: {  	_ =	swait.ge [sflag:s11], $0x2700  }
0x32: {  	[sflag:s11] =	ssyncset.done $0x0  }
0x33: {  	[sflag:s11] =	ssyncadd.s32 $0xFFFFD900;
	s11 =	rddreg [dreg:$0xf]  }
0x34: {  	s11 =	sshrl.u32 @!p0 s11, $0x3  }
0x35: {  	s13 =	simm.s32 @!p0 $0x9;
	[dreg:$0x16] =	wrdreg s11  }
0x36: {  	[spmem:s11], [sflag:s10] =	dma.local @!p0 [hbm:s5], $0x200  }
0x37: {  	_ =	swait.ge @!p0 [sflag:s13], $0x200  }
0x38: {  	[sflag:s13] =	ssyncset.done @!p0 $0x0  }
0x39: {  	[sflag:s13] =	ssyncadd.s32 @!p0 $0xFFFFFE00  }
0x3a: {  	[bflag:$0x0] =	sbarrier.arrive $0xFFFF  }
0x3b: {  	s14 =	rddreg [dreg:$0x10]  }
0x3c: {  	[tilespmem:s23], [sflag:$0x2] =	stream.linear.gather [hbm4b:s14+s4], $0x180, $0x38;
	[tilespmem:$0x1FF00] =	vst v63  }
0x3d: {  	s22 =	rddreg [dreg:$0x11]  }
0x3e: {  	[tilespmem:s24], [sflag:$0x2] =	stream.linear.gather [hbm4b:s22+s4], $0x180, $0x38;
	[tilespmem:$0x1FF00] =	vst v63  }
0x3f: {  	_ =	swait.ge [sflag:s25], $0x4000  }
0x40: {  	[sflag:s25] =	ssyncset.done $0x0  }
0x41: {  	[sflag:s25] =	ssyncadd.s32 $0xFFFFC000  }
0x42: {  	[spmem:s2] =	stream.indirect.scatter.add.f32 [tilespmem:s18], [sflag:$0x6], $0x80, s15, s17, $0xb8;
	[tilespmem:$0x1FF00] =	vst v63  }
0x43: {  	_ =	swait.ge [sflag:s26], $0x4000  }
0x44: {  	[sflag:s26] =	ssyncset.done $0x0  }
0x45: {  	[sflag:s26] =	ssyncadd.s32 $0xFFFFC000  }
0x46: {  	[spmem:s2] =	stream.indirect.scatter.add.f32 [tilespmem:s19], [sflag:$0x7], $0x80, s28, s17, $0xb8;
	[tilespmem:$0x1FF00] =	vst v63  }
0x47: {  	_ =	swait.ge [sflag:s29], $0x4000  }
0x48: {  	[sflag:s29] =	ssyncset.done $0x0  }
0x49: {  	[sflag:s29] =	ssyncadd.s32 $0xFFFFC000  }
0x4a: {  	[spmem:s2] =	stream.indirect.scatter.add.f32 [tilespmem:s21], [sflag:$0x8], $0x80, s30, s17, $0xb8;
	[tilespmem:$0x1FF00] =	vst v63  }
0x4b: {  	_ =	swait.ge [sflag:s31], $0x180  }
0x4c: {  	[sflag:s31] =	ssyncset.done $0x0  }
0x4d: {  	[sflag:s31] =	ssyncadd.s32 $0xFFFFFE80  }
0x4e: {  	_ =	swait.ge [sflag:s31], $0x180  }
0x4f: {  	[sflag:s31] =	ssyncset.done $0x0  }
0x50: {  	[sflag:s31] =	ssyncadd.s32 $0xFFFFFE80  }
0x51: {  	_ =	swait.ge [sflag:s0], $0x4000  }
0x52: {  	[sflag:s0] =	ssyncset.done $0x0  }
0x53: {  	[sflag:s0] =	ssyncadd.s32 $0xFFFFC000  }
0x54: {  	[tilespmem:s18], [sflag:$0x3] =	stream.indirect.gather [hbm4b:s1+s17], $0x80, s23, s17, $0xb8;
	[tilespmem:$0x1FF00] =	vst v63  }
0x55: {  	_ =	swait.ge [sflag:s3], $0x4000  }
0x56: {  	[sflag:s3] =	ssyncset.done $0x0  }
0x57: {  	s5 =	rddreg [dreg:$0x9];
	[sflag:s3] =	ssyncadd.s32 $0xFFFFC000  }
0x58: {  	[tilespmem:s19], [sflag:$0x4] =	stream.indirect.gather [hbm4b:s1+s17], $0x80, s5, s17, $0xb8;
	[tilespmem:$0x1FF00] =	vst v63  }
0x59: {  	_ =	swait.ge [sflag:s6], $0x4000  }
0x5a: {  	s11 =	rddreg [dreg:$0xa];
	[sflag:s6] =	ssyncset.done $0x0  }
0x5b: {  	s14 =	rddreg [dreg:$0x7];
	[sflag:s6] =	ssyncadd.s32 $0xFFFFC000  }
0x5c: {  	[tilespmem:s21], [sflag:$0x5] =	stream.indirect.gather [hbm4b:s1+s17], $0x80, s11, s17, $0xb8;
	[tilespmem:$0x1FF00] =	vst v63  }
0x5d: {  	s12 =	rddreg [dreg:$0x8];
	s22 =	sadd.s32 $0x0, s14  }
0x5e: {  	[tilespmem:s4], [sflag:$0x1] =	stream.linear.gather [hbm4b:s22+s4], $0x180, $0x38;
	[tilespmem:$0x1FF00] =	vst v63  }
0x5f: {  	s5 =	sadd.s32 $0x0, s12  }
0x60: {  	[tilespmem:s15], [sflag:$0x1] =	stream.linear.gather [hbm4b:s5+s4], $0x180, $0x38;
	[tilespmem:$0x1FF00] =	vst v63  }
0x61: {  	_ =	swait.ge [sflag:s25], $0x4000  }
0x62: {  	[sflag:s25] =	ssyncset.done $0x0  }
0x63: {  	[sflag:s25] =	ssyncadd.s32 $0xFFFFC000  }
0x64: {  	[spmem:s2] =	stream.indirect.scatter.add.f32 [tilespmem:s18], [sflag:$0x6], $0x80, s24, s17, $0xb8;
	[tilespmem:$0x1FF00] =	vst v63  }
0x65: {  	_ =	swait.ge [sflag:s26], $0x4000  }
0x66: {  	[sflag:s26] =	ssyncset.done $0x0  }
0x67: {  	[sflag:s26] =	ssyncadd.s32 $0xFFFFC000  }
0x68: {  	[spmem:s2] =	stream.indirect.scatter.add.f32 [tilespmem:s19], [sflag:$0x7], $0x80, s7, s17, $0xb8;
	[tilespmem:$0x1FF00] =	vst v63  }
0x69: {  	_ =	swait.ge [sflag:s29], $0x4000  }
0x6a: {  	[sflag:s29] =	ssyncset.done $0x0  }
0x6b: {  	[sflag:s29] =	ssyncadd.s32 $0xFFFFC000  }
0x6c: {  	[spmem:s2] =	stream.indirect.scatter.add.f32 [tilespmem:s21], [sflag:$0x8], $0x80, s8, s17, $0xb8;
	[tilespmem:$0x1FF00] =	vst v63  }
0x6d: {  	_ =	swait.ge [sflag:s16], $0x180  }
0x6e: {  	[sflag:s16] =	ssyncset.done $0x0  }
0x6f: {  	[sflag:s16] =	ssyncadd.s32 $0xFFFFFE80  }
0x70: {  	_ =	swait.ge [sflag:s16], $0x180  }
0x71: {  	[sflag:s16] =	ssyncset.done $0x0  }
0x72: {  	[sflag:s16] =	ssyncadd.s32 $0xFFFFFE80  }
0x73: {  	_ =	swait.ge [sflag:s0], $0x4000  }
0x74: {  	[sflag:s0] =	ssyncset.done $0x0  }
0x75: {  	[sflag:s0] =	ssyncadd.s32 $0xFFFFC000  }
0x76: {  	[tilespmem:s18], [sflag:$0x3] =	stream.indirect.gather [hbm4b:s1+s17], $0x80, s4, s17, $0xb8;
	[tilespmem:$0x1FF00] =	vst v63  }
0x77: {  	_ =	swait.ge [sflag:s3], $0x4000  }
0x78: {  	[sflag:s3] =	ssyncset.done $0x0  }
0x79: {  	[sflag:s3] =	ssyncadd.s32 $0xFFFFC000  }
0x7a: {  	[tilespmem:s19], [sflag:$0x4] =	stream.indirect.gather [hbm4b:s1+s17], $0x80, s17, s17, $0xb8;
	[tilespmem:$0x1FF00] =	vst v63  }
0x7b: {  	_ =	swait.ge [sflag:s6], $0x4000  }
0x7c: {  	p1 =	por $0x0, $0x0;
	[sflag:s6] =	ssyncset.done $0x0  }
0x7d: {  	s14 =	simm.s32 @!p1 $0x0;
	s5 =	rddreg [dreg:$0x5];
	[sflag:s6] =	ssyncadd.s32 $0xFFFFC000  }
0x7e: {  	[tilespmem:s21], [sflag:$0x5] =	stream.indirect.gather [hbm4b:s1+s17], $0x80, s20, s17, $0xb8;
	[tilespmem:$0x1FF00] =	vst v63  }
0x7f: {  	s22 =	simm.s32 @!p1 $0x180;
	s13 =	rddreg [dreg:$0x6];
	s5 =	sadd.s32 @!p1 $0x0, s5  }
0x80: {  	[tilespmem:s22], [sflag:$0x2] =	stream.linear.gather @!p1 [hbm4b:s5+s14], $0x180, $0x38;
	[tilespmem:$0x1FF00] =	vst v63  }
0x81: {  	s5 =	sadd.s32 @!p1 $0x0, s13;
	s13 =	simm.s32 @!p1 $0x480  }
0x82: {  	[tilespmem:s13], [sflag:$0x2] =	stream.linear.gather @!p1 [hbm4b:s5+s14], $0x180, $0x38;
	[tilespmem:$0x1FF00] =	vst v63  }
0x83: {  	_ =	swait.ge [sflag:s25], $0x4000  }
0x84: {  	[sflag:s25] =	ssyncset.done $0x0  }
0x85: {  	[sflag:s25] =	ssyncadd.s32 $0xFFFFC000  }
0x86: {  	[spmem:s2] =	stream.indirect.scatter.add.f32 [tilespmem:s18], [sflag:$0x6], $0x80, s15, s17, $0xb8;
	[tilespmem:$0x1FF00] =	vst v63  }
0x87: {  	_ =	swait.ge [sflag:s26], $0x4000  }
0x88: {  	[sflag:s26] =	ssyncset.done $0x0  }
0x89: {  	[sflag:s26] =	ssyncadd.s32 $0xFFFFC000  }
0x8a: {  	[spmem:s2] =	stream.indirect.scatter.add.f32 [tilespmem:s19], [sflag:$0x7], $0x80, s28, s17, $0xb8;
	[tilespmem:$0x1FF00] =	vst v63  }
0x8b: {  	_ =	swait.ge [sflag:s29], $0x4000  }
0x8c: {  	[sflag:s29] =	ssyncset.done $0x0  }
0x8d: {  	s13 =	simm.s32 $0x60;
	[sflag:s29] =	ssyncadd.s32 $0xFFFFC000  }
.LBB2_2:
0x8e: {  	[spmem:s2] =	stream.indirect.scatter.add.f32 [tilespmem:s21], [sflag:$0x8], $0x80, s30, s17, $0xb8;
	[tilespmem:$0x1FF00] =	vst v63  }
0x8f: {  	_ =	swait.ge [sflag:s31], $0x180  }
0x90: {  	[sflag:s31] =	ssyncset.done $0x0  }
0x91: {  	[sflag:s31] =	ssyncadd.s32 $0xFFFFFE80  }
0x92: {  	_ =	swait.ge [sflag:s31], $0x180  }
0x93: {  	[sflag:s31] =	ssyncset.done $0x0  }
0x94: {  	[sflag:s31] =	ssyncadd.s32 $0xFFFFFE80  }
0x95: {  	_ =	swait.ge [sflag:s0], $0x4000  }
0x96: {  	[sflag:s0] =	ssyncset.done $0x0  }
0x97: {  	[sflag:s0] =	ssyncadd.s32 $0xFFFFC000  }
0x98: {  	[tilespmem:s18], [sflag:$0x3] =	stream.indirect.gather [hbm4b:s1+s17], $0x80, s23, s17, $0xb8;
	[tilespmem:$0x1FF00] =	vst v63  }
0x99: {  	_ =	swait.ge [sflag:s3], $0x4000  }
0x9a: {  	[sflag:s3] =	ssyncset.done $0x0  }
0x9b: {  	s5 =	rddreg [dreg:$0x9];
	[sflag:s3] =	ssyncadd.s32 $0xFFFFC000  }
0x9c: {  	[tilespmem:s19], [sflag:$0x4] =	stream.indirect.gather [hbm4b:s1+s17], $0x80, s5, s17, $0xb8;
	[tilespmem:$0x1FF00] =	vst v63  }
0x9d: {  	_ =	swait.ge [sflag:s6], $0x4000  }
0x9e: {  	[sflag:s6] =	ssyncset.done $0x0;
	s12 =	rddreg [dreg:$0xa]  }
0x9f: {  	s14 =	smov.u32 s13;
	s22 =	rddreg [dreg:$0x7];
	[sflag:s6] =	ssyncadd.s32 $0xFFFFC000  }
0xa0: {  	[tilespmem:s21], [sflag:$0x5] =	stream.indirect.gather [hbm4b:s1+s17], $0x80, s12, s17, $0xb8;
	[tilespmem:$0x1FF00] =	vst v63  }
0xa1: {  	s11 =	rddreg [dreg:$0x8];
	s12 =	sadd.s32 s14, s22  }
0xa2: {  	[tilespmem:s4], [sflag:$0x1] =	stream.linear.gather [hbm4b:s12+s4], $0x180, $0x38;
	[tilespmem:$0x1FF00] =	vst v63  }
0xa3: {  	s22 =	sadd.s32 s14, s11  }
0xa4: {  	[tilespmem:s15], [sflag:$0x1] =	stream.linear.gather [hbm4b:s22+s4], $0x180, $0x38;
	[tilespmem:$0x1FF00] =	vst v63  }
0xa5: {  	_ =	swait.ge [sflag:s25], $0x4000  }
0xa6: {  	[sflag:s25] =	ssyncset.done $0x0  }
0xa7: {  	[sflag:s25] =	ssyncadd.s32 $0xFFFFC000  }
0xa8: {  	[spmem:s2] =	stream.indirect.scatter.add.f32 [tilespmem:s18], [sflag:$0x6], $0x80, s24, s17, $0xb8;
	[tilespmem:$0x1FF00] =	vst v63  }
0xa9: {  	_ =	swait.ge [sflag:s26], $0x4000  }
0xaa: {  	[sflag:s26] =	ssyncset.done $0x0  }
0xab: {  	[sflag:s26] =	ssyncadd.s32 $0xFFFFC000  }
0xac: {  	[spmem:s2] =	stream.indirect.scatter.add.f32 [tilespmem:s19], [sflag:$0x7], $0x80, s7, s17, $0xb8;
	[tilespmem:$0x1FF00] =	vst v63  }
0xad: {  	_ =	swait.ge [sflag:s29], $0x4000  }
0xae: {  	[sflag:s29] =	ssyncset.done $0x0  }
0xaf: {  	[sflag:s29] =	ssyncadd.s32 $0xFFFFC000  }
0xb0: {  	[spmem:s2] =	stream.indirect.scatter.add.f32 [tilespmem:s21], [sflag:$0x8], $0x80, s8, s17, $0xb8;
	[tilespmem:$0x1FF00] =	vst v63  }
0xb1: {  	_ =	swait.ge [sflag:s16], $0x180  }
0xb2: {  	[sflag:s16] =	ssyncset.done $0x0  }
0xb3: {  	[sflag:s16] =	ssyncadd.s32 $0xFFFFFE80  }
0xb4: {  	_ =	swait.ge [sflag:s16], $0x180  }
0xb5: {  	[sflag:s16] =	ssyncset.done $0x0  }
0xb6: {  	[sflag:s16] =	ssyncadd.s32 $0xFFFFFE80  }
0xb7: {  	_ =	swait.ge [sflag:s0], $0x4000  }
0xb8: {  	[sflag:s0] =	ssyncset.done $0x0  }
0xb9: {  	[sflag:s0] =	ssyncadd.s32 $0xFFFFC000  }
0xba: {  	[tilespmem:s18], [sflag:$0x3] =	stream.indirect.gather [hbm4b:s1+s17], $0x80, s4, s17, $0xb8;
	[tilespmem:$0x1FF00] =	vst v63  }
0xbb: {  	_ =	swait.ge [sflag:s3], $0x4000  }
0xbc: {  	[sflag:s3] =	ssyncset.done $0x0  }
0xbd: {  	[sflag:s3] =	ssyncadd.s32 $0xFFFFC000  }
0xbe: {  	[tilespmem:s19], [sflag:$0x4] =	stream.indirect.gather [hbm4b:s1+s17], $0x80, s17, s17, $0xb8;
	[tilespmem:$0x1FF00] =	vst v63  }
0xbf: {  	_ =	swait.ge [sflag:s6], $0x4000  }
0xc0: {  	p2 =	seq.s32 s14, $0x480;
	[sflag:s6] =	ssyncset.done $0x0  }
0xc1: {  	s12 =	simm.s32 @!p2 $0x180;
	s5 =	rddreg [dreg:$0x5];
	[sflag:s6] =	ssyncadd.s32 $0xFFFFC000  }
0xc2: {  	[tilespmem:s21], [sflag:$0x5] =	stream.indirect.gather [hbm4b:s1+s17], $0x80, s20, s17, $0xb8;
	[tilespmem:$0x1FF00] =	vst v63  }
0xc3: {  	s22 =	simm.s32 @!p2 $0x0;
	s11 =	rddreg [dreg:$0x6];
	s5 =	sadd.s32 @!p2 s14, s5  }
0xc4: {  	[tilespmem:s12], [sflag:$0x2] =	stream.linear.gather @!p2 [hbm4b:s5+s22], $0x180, $0x38;
	[tilespmem:$0x1FF00] =	vst v63  }
0xc5: {  	s5 =	sadd.s32 @!p2 s14, s11;
	s11 =	simm.s32 @!p2 $0x480  }
0xc6: {  	[tilespmem:s11], [sflag:$0x2] =	stream.linear.gather @!p2 [hbm4b:s5+s22], $0x180, $0x38;
	[tilespmem:$0x1FF00] =	vst v63  }
0xc7: {  	_ =	swait.ge [sflag:s25], $0x4000  }
0xc8: {  	[sflag:s25] =	ssyncset.done $0x0  }
0xc9: {  	[sflag:s25] =	ssyncadd.s32 $0xFFFFC000  }
0xca: {  	[spmem:s2] =	stream.indirect.scatter.add.f32 [tilespmem:s18], [sflag:$0x6], $0x80, s15, s17, $0xb8;
	[tilespmem:$0x1FF00] =	vst v63  }
0xcb: {  	s13 =	sadd.s32 $0x60, s13;
	_ =	swait.ge [sflag:s26], $0x4000  }
0xcc: {  	p1 =	sne.s32 s13, $0x4E0;
	[sflag:s26] =	ssyncset.done $0x0  }
.Ltmp0:
0xcd: {  	[sflag:s26] =	ssyncadd.s32 $0xFFFFC000;
	(pc) =	sbr.rel @p1 .LBB2_2-.Ltmp0, $4  }
0xce: {  	[spmem:s2] =	stream.indirect.scatter.add.f32 [tilespmem:s19], [sflag:$0x7], $0x80, s28, s17, $0xb8;
	[tilespmem:$0x1FF00] =	vst v63  }
0xcf: {  	_ =	swait.ge [sflag:s29], $0x4000  }
0xd0: {  	[sflag:s29] =	ssyncset.done $0x0  }
0xd1: {  	[sflag:s29] =	ssyncadd.s32 $0xFFFFC000  }
0xd2: {  	[spmem:s2] =	stream.indirect.scatter.add.f32 [tilespmem:s21], [sflag:$0x8], $0x80, s30, s17, $0xb8;
	[tilespmem:$0x1FF00] =	vst v63  }
0xd3: {  	_ =	swait.ge [sflag:s0], $0x4000  }
0xd4: {  	[sflag:s0] =	ssyncset.done $0x0  }
0xd5: {  	[sflag:s0] =	ssyncadd.s32 $0xFFFFC000  }
0xd6: {  	_ =	swait.ge [sflag:s3], $0x4000  }
0xd7: {  	[sflag:s3] =	ssyncset.done $0x0  }
0xd8: {  	[sflag:s3] =	ssyncadd.s32 $0xFFFFC000  }
0xd9: {  	_ =	swait.ge [sflag:s6], $0x4000  }
0xda: {  	[sflag:s6] =	ssyncset.done $0x0  }
0xdb: {  	[sflag:s6] =	ssyncadd.s32 $0xFFFFC000  }
0xdc: {  	[bflag:$0x0] =	sbarrier.arrive $0xFFFF  }
0xdd: {  	s5 =	rddreg [dreg:$0x12]  }
0xde: {  	s11 =	rddreg [dreg:$0x15]  }
0xdf: {  	[hbm:s5], [sflag:s10] =	dma.local [spmem:s11], $0x2700  }
0xe0: {  	s11 =	simm.s32 $0x9  }
0xe1: {  	_ =	swait.ge [sflag:s11], $0x2700  }
0xe2: {  	[sflag:s11] =	ssyncset.done $0x0;
	s5 =	rddreg [dreg:$0x13]  }
0xe3: {  	s12 =	rddreg [dreg:$0x16];
	[sflag:s11] =	ssyncadd.s32 $0xFFFFD900  }
0xe4: {  	[hbm:s5], [sflag:s10] =	dma.local @!p0 [spmem:s12], $0x100  }
0xe5: {  	s5 =	simm.s32 @!p0 $0x9  }
0xe6: {  	_ =	swait.ge @!p0 [sflag:s5], $0x100  }
0xe7: {  	s9 =	sadd.s32 $0x1, s9;
	s22 =	rddreg [dreg:$0x14]  }
0xe8: {  	p1 =	sne.s32 s9, s22  }
.Ltmp1:
0xe9: {  	_ = 	snop;
	(pc) =	sbr.rel @p1 .LBB2_1-.Ltmp1, $3  }
0xea: {  	_ =	sdelay $0x1  }
0xeb: {  	[sflag:s5] =	ssyncset.done @!p0 $0x0  }
0xec: {  	[sflag:s5] =	ssyncadd.s32 @!p0 $0xFFFFFF00  }
0xed: {  	_ =	sfence.sel $0x180000  }
0xee: {  	[bflag:$0x0] =	sbarrier.arrive $0xFFFF  }
0xef: {  	_ =	strace $0x90000047  }
0xf0: {  	[bflag:$0x2] =	sbarrier.arrive $0xFFFF  }
0xf1: {  	s0 =	rddreg [dreg:$0x4]  }
0xf2: {  	s0 =	sadd.s32 @!p0 $0x100000, s0  }
0xf3: {  	[sflag:s0] =	ssyncadd.tile.s32 @!p0 $0x1;
	_ =	shalt  }
.Lfunc_end2:
_tile_overlayer_lowered:
.L_overlay_start_2:
0xf4: {  	(tag) =	ssettag $0x2  }
0xf5: {  	s0 =	rddreg [dreg:$0x0];
	s2 =	stileid.u32  }
0xf6: {  	s1 =	rddreg [dreg:$0x1];
	p0 =	sne.s32 s2, $0x0  }
0xf7: {  	s3 =	rddreg [dreg:$0x2];
	[bflag:$0x3] =	sbarrier.arrive $0xFFFF;
	s2 =	simm.s32 @!p0 $0x1C09  }
0xf8: {  	[timem:s3], [sflag:s2] =	dma.local @!p0 [hbm:s0], s1  }
0xf9: {  	s0 =	simm.s32 @!p0 $0x9  }
0xfa: {  	_ =	swait.ge @!p0 [sflag:s0], s1  }
0xfb: {  	s1 =	ssub.s32 @!p0 $0x0, s1;
	[sflag:s0] =	ssyncset.done @!p0 $0x0  }
0xfc: {  	[sflag:s0] =	ssyncadd.s32 @!p0 s1  }
0xfd: {  	[bflag:$0x3] =	sbarrier.arrive $0xFFFF  }
0xfe: {  	_ =	shalt  }

// kernel: kernel.9.cloned.1.call-start
scs
__scs_entry_jumppad:
0x0: {  	(pc) =	sbr.rel $0x88, $3  }
0x1: {  	(tag) =	ssettag $0x0;
	lr =	simm.s32 $0x1  }
0x2: {  	[smem:$0x3F9B] =	sst lr;
	_ =	strace $0xD0000000  }
0x3: {  	_ = 	snop  }
0x4: {  	_ = 	snop  }
0x5: {  	_ = 	snop  }
0x6: {  	_ = 	snop  }
0x7: {  	_ = 	snop  }
__scs_overlays_trampoline_lowered:
0x8: {  	[smem:$0x3FAA] =	sst s0  }
0x9: {  	[smem:$0x3FAB] =	sst s1  }
0xa: {  	[smem:$0x3FAC] =	sst s2  }
0xb: {  	[smem:$0x3FAD] =	sst s3  }
0xc: {  	[smem:$0x3FAE] =	sst s4  }
0xd: {  	[smem:$0x3FAF] =	sst s5  }
0xe: {  	[smem:$0x3FB0] =	sst s6  }
0xf: {  	[smem:$0x3FB1] =	sst s7  }
0x10: {  	[smem:$0x3FB2] =	sst s8  }
0x11: {  	[smem:$0x3FB3] =	sst s9;
	s0 =	simm.s32 @!p0 $0x0  }
0x12: {  	s1 =	sld [smem:$0x3F99];
	s0 =	simm.s32 @p0 $0x1  }
0x13: {  	[smem:$0x3FB4] =	sst s0;
	s0 =	simm.s32 @!p1 $0x0  }
0x14: {  	s2 =	sld [smem:$0x3F98];
	s0 =	simm.s32 @p1 $0x1  }
0x15: {  	[smem:$0x3FB5] =	sst s0;
	s0 =	simm.s32 @!p2 $0x0  }
0x16: {  	s3 =	sld [smem:$0x3FDB];
	s0 =	simm.s32 @p2 $0x1  }
0x17: {  	s4 =	simm.s32 $0x1BF5;
	[smem:$0x3FB7] =	sst s0  }
0x18: {  	s0 =	sld [smem:$0x3F9A];
	_ =	swait.ge [sflag:s4], $0x0  }
0x19: {  	s7 =	sld [smem:$0x3F9B]  }
0x1a: {  	s8 =	sadd.s32 $0xFFFFE003, lr  }
0x1b: {  	s9 =	sadd.s32 $0xFFFFFEF7, lr;
	s5 =	simm.s32 $0xFFFFFFFF;
	p2 =	slt.u32 s8, $0xFFFFF086  }
0x1c: {  	p1 =	slt.u32 s9, $0xF7A;
	s5 =	simm.s32 @!p2 $0x0  }
0x1d: {  	s5 =	simm.s32 @p1 $0x1;
	p0 =	seq.s32 s7, s2  }
0x1e: {  	s7 =	smul.u32 @!p0 $0xF7A, s2;
	p2 =	seq.s32 @!p0 s5, $0x0  }
0x1f: {  	s9 =	smul.u32 $0xF7A, s1;
	s8 =	simm.s32 @!p0 $0x1BF5;
	p2 =	por !p2, p0  }
0x20: {  	[sflag:s8] =	ssyncset.s32 @!p0 $0xFFFFF086;
	s6 =	sadd.s32 @!p0 s3, s7;
	s7 =	simm.s32 @!p0 $0x108  }
0x21: {  	s3 =	sadd.s32 s3, s9;
	s6 =	sadd.s32 @!p0 $0x88, s6;
	s7 =	simm.s32 @p2 $0x1082  }
0x22: {  	[simem:s7], [sflag:s8] =	dma.local @!p0 [hbm:s6], $0xF7A  }
0x23: {  	s9 =	sor.u32 $0xD0000000, s2;
	s6 =	simm.s32 $0x108;
	_ =	swait.ge @!p0 [sflag:s8], $0x0  }
0x24: {  	s3 =	sadd.s32 $0x88, s3;
	s6 =	simm.s32 @!p1 $0x1082;
	[sflag:s4] =	ssyncset.s32 $0xFFFFF086  }
0x25: {  	[simem:s6], [sflag:s4] =	dma.local [hbm:s3], $0xF7A  }
0x26: {  	[smem:$0x3F9B] =	sst s1;
	(tag) =	ssettag s2;
	_ =	strace s9  }
0x27: {  	s1 =	sld [smem:$0x3FAB]  }
0x28: {  	s2 =	sld [smem:$0x3FAC]  }
0x29: {  	s4 =	sld [smem:$0x3FAE]  }
0x2a: {  	p0 =	seq.s32 s5, $0x0;
	s5 =	sld [smem:$0x3FAF]  }
0x2b: {  	s6 =	sld [smem:$0x3FB0]  }
0x2c: {  	s7 =	sld [smem:$0x3FB1]  }
0x2d: {  	s3 =	simm.s32 $0x108;
	s8 =	sld [smem:$0x3FB2]  }
0x2e: {  	s3 =	simm.s32 @!p0 $0x1082;
	s9 =	sld [smem:$0x3FB3]  }
0x2f: {  	lr =	sadd.s32 s0, s3;
	s0 =	sld [smem:$0x3FAA]  }
0x30: {  	s3 =	sld [smem:$0x3FAD]  }
0x31: {  	[smem:$0x3FB6] =	sst s10  }
0x32: {  	s10 =	sld [smem:$0x3FB4];
	_ =	sdelay $0x3  }
0x33: {  	p0 =	seq.s32 s10, $0x1;
	s10 =	sld [smem:$0x3FB6];
	_ =	sdelay $0x3  }
0x34: {  	[smem:$0x3FB6] =	sst s10  }
0x35: {  	s10 =	sld [smem:$0x3FB5];
	_ =	sdelay $0x3  }
0x36: {  	p1 =	seq.s32 s10, $0x1;
	s10 =	sld [smem:$0x3FB6];
	_ =	sdelay $0x3  }
0x37: {  	[smem:$0x3FB6] =	sst s10  }
0x38: {  	s10 =	sld [smem:$0x3FB7]  }
0x39: {  	_ = 	snop;
	(pc) =	sbr.ind lr, $3  }
0x3a: {  	_ = 	snop  }
0x3b: {  	_ = 	snop  }
0x3c: {  	p2 =	seq.s32 s10, $0x1;
	s10 =	sld [smem:$0x3FB6]  }
0x3d: {  	_ =	shalt  }
0x3e: {  	_ =	shalt  }
0x3f: {  	_ =	shalt  }
0x40: {  	_ =	shalt  }
0x41: {  	_ =	shalt  }
0x42: {  	_ =	shalt  }
0x43: {  	_ =	shalt  }
0x44: {  	_ =	shalt  }
0x45: {  	_ =	shalt  }
0x46: {  	_ =	shalt  }
0x47: {  	_ =	shalt  }
0x48: {  	_ =	shalt  }
0x49: {  	_ =	shalt  }
0x4a: {  	_ =	shalt  }
0x4b: {  	_ =	shalt  }
0x4c: {  	_ =	shalt  }
0x4d: {  	_ =	shalt  }
0x4e: {  	_ =	shalt  }
0x4f: {  	_ =	shalt  }
0x50: {  	_ =	shalt  }
0x51: {  	_ =	shalt  }
0x52: {  	_ =	shalt  }
0x53: {  	_ =	shalt  }
0x54: {  	_ =	shalt  }
0x55: {  	_ =	shalt  }
0x56: {  	_ =	shalt  }
0x57: {  	_ =	shalt  }
0x58: {  	_ =	shalt  }
0x59: {  	_ =	shalt  }
0x5a: {  	_ =	shalt  }
0x5b: {  	_ =	shalt  }
0x5c: {  	_ =	shalt  }
0x5d: {  	_ =	shalt  }
0x5e: {  	_ =	shalt  }
0x5f: {  	_ =	shalt  }
0x60: {  	_ =	shalt  }
0x61: {  	_ =	shalt  }
0x62: {  	_ =	shalt  }
0x63: {  	_ =	shalt  }
0x64: {  	_ =	shalt  }
0x65: {  	_ =	shalt  }
0x66: {  	_ =	shalt  }
0x67: {  	_ =	shalt  }
0x68: {  	_ =	shalt  }
0x69: {  	_ =	shalt  }
0x6a: {  	_ =	shalt  }
0x6b: {  	_ =	shalt  }
0x6c: {  	_ =	shalt  }
0x6d: {  	_ =	shalt  }
0x6e: {  	_ =	shalt  }
0x6f: {  	_ =	shalt  }
0x70: {  	_ =	shalt  }
0x71: {  	_ =	shalt  }
0x72: {  	_ =	shalt  }
0x73: {  	_ =	shalt  }
0x74: {  	_ =	shalt  }
0x75: {  	_ =	shalt  }
0x76: {  	_ =	shalt  }
0x77: {  	_ =	shalt  }
0x78: {  	_ =	shalt  }
0x79: {  	_ =	shalt  }
0x7a: {  	_ =	shalt  }
0x7b: {  	_ =	shalt  }
0x7c: {  	_ =	shalt  }
0x7d: {  	_ =	shalt  }
0x7e: {  	_ =	shalt  }
0x7f: {  	_ =	shalt  }
0x80: {  	_ =	shalt  }
0x81: {  	_ =	shalt  }
0x82: {  	_ =	shalt  }
0x83: {  	_ =	shalt  }
0x84: {  	_ =	shalt  }
0x85: {  	_ =	shalt  }
0x86: {  	_ =	shalt  }
0x87: {  	_ =	shalt  }
.Lfunc_end0:
.L_simem_size_0:
called_computation.1_lowered:
.L_overlay_start_0:
0x88: {  	s2 =	sld [smem:$0x3FD9]  }
0x89: {  	s3 =	sld [smem:$0x3FFE];
	_ =	sdelay $0x1  }
0x8a: {  	s1 =	srdreg.scid  }
0x8b: {  	s0 =	sand.u32 $0x1, s1  }
0x8c: {  	s17 =	sshll.u32 s0, $0xA;
	s2 =	sadd.s32 s3, s2  }
0x8d: {  	s2 =	sadd.s32 s2, s17  }
0x8e: {  	[smem:$0x3FC2] =	sst s2  }
0x8f: {  	_ = 	snop  }
0x90: {  	s2 =	sld [smem:$0x3FD0];
	(tm) =	ssettm $0x1  }
0x91: {  	s18 =	sld [smem:$0x3FFB];
	_ =	sdelay $0x3  }
0x92: {  	_ =	strace s18  }
0x93: {  	s3 =	sld [smem:$0x3FFC];
	_ =	sdelay $0x3  }
0x94: {  	_ =	strace s3  }
0x95: {  	s3 =	sld [smem:$0x3FFD];
	_ =	sdelay $0x3  }
0x96: {  	_ =	strace s3  }
0x97: {  	_ =	strace $0x8FFFFFFF  }
0x98: {  	s19 =	sld [smem:$0x3FDB];
	_ =	sdelay $0x1  }
0x99: {  	s4 =	simm.s32 $_scs_section_size  }
0x9a: {  	s5 =	simm.s32 $_size__tile_overlayer_lowered;
	s6 =	simm.s32 $_tile_overlayer_lowered  }
0x9b: {  	s22 =	simm.s32 $0x1BFF;
	s21 =	sshll.u32 s6, $0x1;
	s3 =	sadd.s32 s4, s19  }
0x9c: {  	s7 =	simm.s32 $0x0;
	s20 =	sshll.u32 s5, $0x1;
	s5 =	sadd.s32 s21, s3  }
0x9d: {  	[timem:s7], [sflag:s22] =	dma.local [hbm:s5], s20  }
0x9e: {  	_ =	swait.ge [sflag:s22], s20  }
0x9f: {  	s4 =	ssub.s32 $0x0, s20;
	[sflag:s22] =	ssyncset.done $0x0  }
0xa0: {  	[sflag:s22] =	ssyncadd.s32 s4;
	_ =	sdelay $0x1  }
0xa1: {  	s23 =	simm.s32 $0x1B8B  }
0xa2: {  	_ =	swait.ge [sflag:s23], $0x1  }
0xa3: {  	[sflag:s23] =	ssyncset.done $0x0  }
0xa4: {  	s25 =	simm.s32 $0x1B8E;
	s24 =	sld [smem:$0x3FFE];
	[sflag:s23] =	ssyncadd.s32 $0xFFFFFFFF  }
0xa5: {  	s26 =	simm.s32 $execute0_lowered;
	[smem:$0x3FD2] =	sst s25  }
0xa6: {  	s5 =	sshll.u32 s26, $0x1;
	_ =	strace $0x80000049;
	[dreg:$0x1] =	wrdreg $0xFFFFFFFF  }
0xa7: {  	s28 =	simm.s32 $_size_execute0_lowered;
	s3 =	sadd.s32 s3, s5;
	[dreg:$0x0] =	wrdreg $0x0  }
0xa8: {  	s5 =	sshll.u32 s28, $0x1;
	[dreg:$0x2] =	wrdreg s3  }
0xa9: {  	[dreg:$0x3] =	wrdreg s5  }
0xaa: {  	[dreg:$0x4] =	wrdreg $0xC0  }
0xab: {  	_ =	task [dreg:s7], $0x5FFFF  }
0xac: {  	[dreg:$0x1] =	wrdreg $0xFFFFFFFF  }
0xad: {  	[dreg:$0x0] =	wrdreg $0x60  }
0xae: {  	[dreg:$0x2] =	wrdreg s2  }
0xaf: {  	[dreg:$0x3] =	wrdreg s24  }
0xb0: {  	[dreg:$0x4] =	wrdreg $0x110000  }
0xb1: {  	[dreg:$0x5] =	wrdreg $0x9  }
0xb2: {  	_ =	task.clear_ibuf [dreg:s7], $0x6FFFF;
	_ =	strace $0x90000049  }
0xb3: {  	s29 =	simm.s32 $0x9;
	_ =	strace $0x8000004B  }
0xb4: {  	_ =	swait.ge [sflag:s29], $0x1  }
0xb5: {  	[sflag:s29] =	ssyncadd.s32 $0xFFFFFFFF  }
0xb6: {  	_ =	strace $0x9000004B  }
0xb7: {  	_ =	sfence  }
0xb8: {  	s30 =	sld [smem:$0x0];
	_ =	sdelay $0x2  }
0xb9: {  	s31 =	sshll.u32 s1, $0xD;
	s1 =	sshrl.u32 s1, $0x2  }
0xba: {  	s3 =	sand.u32 $0x4000, s31;
	s1 =	sadd.s32 s1, s30  }
0xbb: {  	s0 =	sor.u32 s3, s0;
	s1 =	sshll.u32 s1, $0x11  }
0xbc: {  	s0 =	sor.u32 s1, s0  }
0xbd: {  	s0 =	sadd.s32 $0x8F2B, s0  }
0xbe: {  	[sflag:s0] =	ssyncadd.remote.s32 $0x1  }
0xbf: {  	_ =	sfence.sel $0xFFFF  }
0xc0: {  	[dreg:$0x0] =	wrdreg $0xFFFFFFFF;
	(pc) =	sbr.abs _section_cstart, $3  }
0xc1: {  	[dreg:$0x1] =	wrdreg $0xFFFFFFFF  }
0xc2: {  	_ =	task.clear_ibuf [dreg:s7], $0x2FFFF;
	_ =	strace $0x9FFFFFFF  }
0xc3: {  	(tm) =	ssettm $0x7FFFFFFF  }
tec
execute0_lowered:
.L_overlay_start_1:
0x0: {  	(tag) =	ssettag $0x1  }
0x1: {  	s31 =	rddreg [dreg:$0x0]  }
0x2: {  	s0 =	rddreg [dreg:$0x1]  }
0x3: {  	s2 =	rddreg [dreg:$0x2];
	s1 =	simm.s32 $0x0;
	s4 =	srdreg.scid  }
0x4: {  	s10 =	stileid.u32;
	[smem:$0x7FF] =	sst s1;
	s4 =	sand.u32 $0x1, s4  }
0x5: {  	s5 =	sshll.u32 s10, $0x1;
	s26 =	sadd.s32 $0x5BA00, s0;
	s23 =	sadd.s32 $0x65A00, s0  }
0x6: {  	s7 =	sadd.s32 $0xE00, s0;
	s8 =	smul.u32 $0x9C00, s10;
	s0 =	sadd.s32 $0x2200, s0  }
0x7: {  	s16 =	smul.u32 $0x5000, s10;
	s20 =	sadd.s32 $0x9C000, s2;
	p0 =	sne.s32 s10, $0x0  }
0x8: {  	_ =	strace $0x8000004A;
	s5 =	sor.u32 s4, s5;
	[dreg:$0x7] =	wrdreg s7  }
0x9: {  	s9 =	ssub.s32 $0x2, s4;
	s19 =	smul.u32 $0x2800, s4;
	[dreg:$0xb] =	wrdreg s20  }
0xa: {  	s4 =	smul.u32 $0x9C400, s4;
	s20 =	simm.s32 $0x80;
	[dreg:$0x6] =	wrdreg s23  }
0xb: {  	s5 =	smul.u32 $0x500, s5;
	s15 =	sshrl.u32 s9, $0x1;
	s11 =	sadd.s32 s8, s2  }
0xc: {  	s12 =	ssub.s32 s9, s15;
	[dreg:$0xa] =	wrdreg s11;
	s7 =	sadd.s32 s19, s16  }
0xd: {  	s22 =	sadd.s32 s8, s4;
	s4 =	sshrl.u32 s4, $0x3;
	s17 =	sadd.s32 s26, s5  }
0xe: {  	s9 =	simm.s32 $0x100;
	s18 =	sadd.s32 s23, s5;
	[dreg:$0x8] =	wrdreg s17  }
0xf: {  	s15 =	simm.s32 $0x880;
	s29 =	smax.u32 s12, $0x1;
	[dreg:$0x9] =	wrdreg s18  }
0x10: {  	s5 =	sor.u32 $0x80, s5;
	s30 =	sadd.s32 $0x800, s7;
	[dreg:$0x10] =	wrdreg s29  }
0x11: {  	s24 =	sadd.s32 $0xC00, s7;
	s21 =	sadd.s32 s26, s5;
	[dreg:$0x11] =	wrdreg s30  }
0x12: {  	s5 =	sadd.s32 s23, s5;
	s8 =	sshrl.u32 s24, $0x3;
	[dreg:$0xc] =	wrdreg s21  }
0x13: {  	s24 =	simm.s32 $0x180;
	[dreg:$0xd] =	wrdreg s5;
	s25 =	sadd.s32 s8, s23  }
0x14: {  	s5 =	sshrl.u32 s22, $0x3;
	s28 =	sadd.s32 s8, s26;
	[dreg:$0x4] =	wrdreg s25  }
0x15: {  	s5 =	sadd.s32 s0, s5;
	s0 =	sadd.s32 s0, s4;
	[dreg:$0x5] =	wrdreg s28  }
0x16: {  	s21 =	simm.s32 $0x800;
	[dreg:$0xe] =	wrdreg s5;
	s0 =	sadd.s32 $0x13800, s0  }
0x17: {  	s4 =	simm.s32 $0x1;
	[dreg:$0xf] =	wrdreg s0;
	s0 =	simm.s32 $0x0  }
.LBB2_1:
0x18: {  	[dreg:$0x12] =	wrdreg s0  }
0x19: {  	s12 =	rddreg [dreg:$0x8]  }
0x1a: {  	[tilespmem:s1], [sflag:$0x1] =	stream.linear.gather [hbm4b:s12+s1], $0x400, $0x38;
	[tilespmem:$0x1AC80] =	vst v63  }
0x1b: {  	s11 =	rddreg [dreg:$0x9]  }
0x1c: {  	[tilespmem:s21], [sflag:$0x1] =	stream.linear.gather [hbm4b:s11+s1], $0x400, $0x38;
	[tilespmem:$0x1AC80] =	vst v63  }
0x1d: {  	_ =	swait.ge [sflag:s4], $0x400  }
0x1e: {  	[sflag:s4] =	ssyncset.done $0x0  }
0x1f: {  	[sflag:s4] =	ssyncadd.s32 $0xFFFFFC00  }
0x20: {  	_ =	swait.ge [sflag:s4], $0x400  }
0x21: {  	[sflag:s4] =	ssyncset.done $0x0  }
0x22: {  	s12 =	simm.s32 $0x1000;
	[sflag:s4] =	ssyncadd.s32 $0xFFFFFC00  }
0x23: {  	[tilespmem:s12], [sflag:$0x3] =	stream.indirect.gather [hbm4b:s31+s20], $0x40, s1, s20, $0xb8;
	[tilespmem:$0x1AC80] =	vst v63  }
0x24: {  	s13 =	simm.s32 $0x3000  }
0x25: {  	[tilespmem:s13], [sflag:$0x4] =	stream.indirect.gather [hbm4b:s31+s20], $0x40, s20, s20, $0xb8;
	[tilespmem:$0x1AC80] =	vst v63  }
0x26: {  	s14 =	simm.s32 $0x13;
	s16 =	simm.s32 $0x5000;
	s17 =	simm.s32 $0x7000  }
0x27: {  	[tilespmem:s16], [sflag:$0x5] =	stream.indirect.gather [hbm4b:s31+s20], $0x40, s9, s20, $0xb8;
	[tilespmem:$0x1AC80] =	vst v63  }
0x28: {  	s18 =	simm.s32 $0x200;
	s19 =	simm.s32 $0x9000;
	s22 =	simm.s32 $0x280  }
0x29: {  	[tilespmem:s17], [sflag:$0x6] =	stream.indirect.gather [hbm4b:s31+s20], $0x40, s24, s20, $0xb8;
	[tilespmem:$0x1AC80] =	vst v63  }
0x2a: {  	s25 =	simm.s32 $0x300;
	s28 =	simm.s32 $0xD000;
	s5 =	rddreg [dreg:$0xa]  }
0x2b: {  	[tilespmem:s19], [sflag:$0x7] =	stream.indirect.gather [hbm4b:s31+s20], $0x40, s18, s20, $0xb8;
	[tilespmem:$0x1AC80] =	vst v63  }
0x2c: {  	s6 =	sshrl.u32 s5, $0x3;
	s1 =	stileid.u32;
	s24 =	simm.s32 $0xB000  }
0x2d: {  	[tilespmem:s24], [sflag:$0x8] =	stream.indirect.gather [hbm4b:s31+s20], $0x40, s22, s20, $0xb8;
	[tilespmem:$0x1AC80] =	vst v63  }
0x2e: {  	s29 =	simm.s32 $0x380;
	[dreg:$0x14] =	wrdreg s6;
	s12 =	sshll.u32 s1, $0x6  }
0x2f: {  	[tilespmem:s28], [sflag:$0x9] =	stream.indirect.gather [hbm4b:s31+s20], $0x40, s25, s20, $0xb8;
	[tilespmem:$0x1AC80] =	vst v63  }
0x30: {  	s30 =	simm.s32 $0xF000;
	s0 =	sor.u32 $0x1C13, s12;
	s12 =	rddreg [dreg:$0x7]  }
0x31: {  	[tilespmem:s30], [sflag:$0xA] =	stream.indirect.gather [hbm4b:s31+s20], $0x40, s29, s20, $0xb8;
	[tilespmem:$0x1AC80] =	vst v63  }
0x32: {  	[spmem:s6], [sflag:s0] =	dma.local [hbm:s12], $0x1380  }
0x33: {  	_ =	swait.ge [sflag:s14], $0x1380  }
0x34: {  	s21 =	rddreg [dreg:$0xb]  }
0x35: {  	[dreg:$0x13] =	wrdreg s0;
	[sflag:s14] =	ssyncset.done $0x0;
	s1 =	sshrl.u32 @!p0 s21, $0x3  }
0x36: {  	[sflag:s14] =	ssyncadd.s32 $0xFFFFEC80;
	[dreg:$0x15] =	wrdreg s1  }
0x37: {  	[spmem:s1], [sflag:s0] =	dma.local @!p0 [hbm:s12], $0x100  }
0x38: {  	s12 =	simm.s32 @!p0 $0x13  }
0x39: {  	_ =	swait.ge @!p0 [sflag:s12], $0x100  }
0x3a: {  	[sflag:s12] =	ssyncset.done @!p0 $0x0  }
0x3b: {  	[sflag:s12] =	ssyncadd.s32 @!p0 $0xFFFFFF00  }
0x3c: {  	[bflag:$0x0] =	sbarrier.arrive $0xFFFF  }
0x3d: {  	s8 =	simm.s32 $0x400;
	s4 =	simm.s32 $0x0;
	s7 =	rddreg [dreg:$0xc]  }
0x3e: {  	[tilespmem:s8], [sflag:$0x2] =	stream.linear.gather [hbm4b:s7+s4], $0x400, $0x38;
	[tilespmem:$0x1AC80] =	vst v63  }
0x3f: {  	s14 =	simm.s32 $0xC00;
	s0 =	simm.s32 $0x3;
	s10 =	rddreg [dreg:$0xd]  }
0x40: {  	[tilespmem:s14], [sflag:$0x2] =	stream.linear.gather [hbm4b:s10+s4], $0x400, $0x38;
	[tilespmem:$0x1AC80] =	vst v63  }
0x41: {  	_ =	swait.ge [sflag:s0], $0x2000  }
0x42: {  	s5 =	simm.s32 $0x800;
	[sflag:s0] =	ssyncset.done $0x0  }
0x43: {  	s19 =	simm.s32 $0x1000;
	s10 =	simm.s32 $0x4;
	[sflag:s0] =	ssyncadd.s32 $0xFFFFE000  }
0x44: {  	[spmem:s2] =	stream.indirect.scatter.add.f32 [tilespmem:s19], [sflag:$0xB], $0x40, s5, s20, $0xb8;
	[tilespmem:$0x1AC80] =	vst v63  }
0x45: {  	_ =	swait.ge [sflag:s10], $0x2000  }
0x46: {  	[sflag:s10] =	ssyncset.done $0x0  }
0x47: {  	s25 =	simm.s32 $0x5;
	s14 =	simm.s32 $0x3000;
	[sflag:s10] =	ssyncadd.s32 $0xFFFFE000  }
0x48: {  	[spmem:s2] =	stream.indirect.scatter.add.f32 [tilespmem:s14], [sflag:$0xC], $0x40, s15, s20, $0xb8;
	[tilespmem:$0x1AC80] =	vst v63  }
0x49: {  	_ =	swait.ge [sflag:s25], $0x2000  }
0x4a: {  	s17 =	simm.s32 $0x900;
	[sflag:s25] =	ssyncset.done $0x0  }
0x4b: {  	s30 =	simm.s32 $0x6;
	s21 =	simm.s32 $0x5000;
	[sflag:s25] =	ssyncadd.s32 $0xFFFFE000  }
0x4c: {  	[spmem:s2] =	stream.indirect.scatter.add.f32 [tilespmem:s21], [sflag:$0xD], $0x40, s17, s20, $0xb8;
	[tilespmem:$0x1AC80] =	vst v63  }
0x4d: {  	_ =	swait.ge [sflag:s30], $0x2000  }
0x4e: {  	s18 =	simm.s32 $0x980;
	[sflag:s30] =	ssyncset.done $0x0  }
0x4f: {  	s1 =	simm.s32 $0x7000;
	s7 =	simm.s32 $0x7;
	[sflag:s30] =	ssyncadd.s32 $0xFFFFE000  }
0x50: {  	[spmem:s2] =	stream.indirect.scatter.add.f32 [tilespmem:s1], [sflag:$0xE], $0x40, s18, s20, $0xb8;
	[tilespmem:$0x1AC80] =	vst v63  }
0x51: {  	_ =	swait.ge [sflag:s7], $0x2000  }
0x52: {  	s22 =	simm.s32 $0xA00;
	[sflag:s7] =	ssyncset.done $0x0  }
0x53: {  	s6 =	simm.s32 $0x9000;
	s8 =	simm.s32 $0x8;
	[sflag:s7] =	ssyncadd.s32 $0xFFFFE000  }
0x54: {  	[spmem:s2] =	stream.indirect.scatter.add.f32 [tilespmem:s6], [sflag:$0xF], $0x40, s22, s20, $0xb8;
	[tilespmem:$0x1AC80] =	vst v63  }
0x55: {  	_ =	swait.ge [sflag:s8], $0x2000  }
0x56: {  	s24 =	simm.s32 $0xA80;
	[sflag:s8] =	ssyncset.done $0x0  }
0x57: {  	s5 =	simm.s32 $0x9;
	s17 =	simm.s32 $0xB000;
	[sflag:s8] =	ssyncadd.s32 $0xFFFFE000  }
0x58: {  	[spmem:s2] =	stream.indirect.scatter.add.f32 [tilespmem:s17], [sflag:$0x10], $0x40, s24, s20, $0xb8;
	[tilespmem:$0x1AC80] =	vst v63  }
0x59: {  	_ =	swait.ge [sflag:s5], $0x2000  }
0x5a: {  	s16 =	simm.s32 $0xD000;
	[sflag:s5] =	ssyncset.done $0x0  }
0x5b: {  	s28 =	simm.s32 $0xB00;
	s22 =	simm.s32 $0xA;
	[sflag:s5] =	ssyncadd.s32 $0xFFFFE000  }
0x5c: {  	[spmem:s2] =	stream.indirect.scatter.add.f32 [tilespmem:s16], [sflag:$0x11], $0x40, s28, s20, $0xb8;
	[tilespmem:$0x1AC80] =	vst v63  }
0x5d: {  	_ =	swait.ge [sflag:s22], $0x2000  }
0x5e: {  	[sflag:s22] =	ssyncset.done $0x0  }
0x5f: {  	s11 =	simm.s32 $0xF000;
	s29 =	simm.s32 $0xB80;
	[sflag:s22] =	ssyncadd.s32 $0xFFFFE000  }
0x60: {  	[spmem:s2] =	stream.indirect.scatter.add.f32 [tilespmem:s11], [sflag:$0x12], $0x40, s29, s20, $0xb8;
	[tilespmem:$0x1AC80] =	vst v63  }
0x61: {  	s11 =	simm.s32 $0x2  }
0x62: {  	_ =	swait.ge [sflag:s11], $0x400  }
0x63: {  	[sflag:s11] =	ssyncset.done $0x0  }
0x64: {  	[sflag:s11] =	ssyncadd.s32 $0xFFFFFC00  }
0x65: {  	_ =	swait.ge [sflag:s11], $0x400  }
0x66: {  	[sflag:s11] =	ssyncset.done $0x0  }
0x67: {  	s18 =	simm.s32 $0xB;
	[sflag:s11] =	ssyncadd.s32 $0xFFFFFC00  }
0x68: {  	_ =	swait.ge [sflag:s18], $0x2000  }
0x69: {  	[sflag:s18] =	ssyncset.done $0x0  }
0x6a: {  	s13 =	simm.s32 $0x400;
	s11 =	simm.s32 $0xC;
	[sflag:s18] =	ssyncadd.s32 $0xFFFFE000  }
0x6b: {  	[tilespmem:s19], [sflag:$0x3] =	stream.indirect.gather [hbm4b:s31+s20], $0x40, s13, s20, $0xb8;
	[tilespmem:$0x1AC80] =	vst v63  }
0x6c: {  	_ =	swait.ge [sflag:s11], $0x2000  }
0x6d: {  	[sflag:s11] =	ssyncset.done $0x0  }
0x6e: {  	s13 =	simm.s32 $0x480;
	s19 =	simm.s32 $0xD;
	[sflag:s11] =	ssyncadd.s32 $0xFFFFE000  }
0x6f: {  	[tilespmem:s14], [sflag:$0x4] =	stream.indirect.gather [hbm4b:s31+s20], $0x40, s13, s20, $0xb8;
	[tilespmem:$0x1AC80] =	vst v63  }
0x70: {  	_ =	swait.ge [sflag:s19], $0x2000  }
0x71: {  	[sflag:s19] =	ssyncset.done $0x0  }
0x72: {  	s14 =	simm.s32 $0x500;
	s13 =	simm.s32 $0xE;
	[sflag:s19] =	ssyncadd.s32 $0xFFFFE000  }
0x73: {  	[tilespmem:s21], [sflag:$0x5] =	stream.indirect.gather [hbm4b:s31+s20], $0x40, s14, s20, $0xb8;
	[tilespmem:$0x1AC80] =	vst v63  }
0x74: {  	_ =	swait.ge [sflag:s13], $0x2000  }
0x75: {  	[sflag:s13] =	ssyncset.done $0x0  }
0x76: {  	s24 =	simm.s32 $0x580;
	[sflag:s13] =	ssyncadd.s32 $0xFFFFE000  }
0x77: {  	[tilespmem:s1], [sflag:$0x6] =	stream.indirect.gather [hbm4b:s31+s20], $0x40, s24, s20, $0xb8;
	[tilespmem:$0x1AC80] =	vst v63  }
0x78: {  	s1 =	simm.s32 $0xF  }
0x79: {  	_ =	swait.ge [sflag:s1], $0x2000  }
0x7a: {  	[sflag:s1] =	ssyncset.done $0x0  }
0x7b: {  	s14 =	simm.s32 $0x600;
	[sflag:s1] =	ssyncadd.s32 $0xFFFFE000  }
0x7c: {  	[tilespmem:s6], [sflag:$0x7] =	stream.indirect.gather [hbm4b:s31+s20], $0x40, s14, s20, $0xb8;
	[tilespmem:$0x1AC80] =	vst v63  }
0x7d: {  	s6 =	simm.s32 $0x10  }
0x7e: {  	_ =	swait.ge [sflag:s6], $0x2000  }
0x7f: {  	[sflag:s6] =	ssyncset.done $0x0  }
0x80: {  	s21 =	simm.s32 $0x680;
	[sflag:s6] =	ssyncadd.s32 $0xFFFFE000  }
0x81: {  	[tilespmem:s17], [sflag:$0x8] =	stream.indirect.gather [hbm4b:s31+s20], $0x40, s21, s20, $0xb8;
	[tilespmem:$0x1AC80] =	vst v63  }
0x82: {  	s17 =	simm.s32 $0x11  }
0x83: {  	_ =	swait.ge [sflag:s17], $0x2000  }
0x84: {  	[sflag:s17] =	ssyncset.done $0x0  }
0x85: {  	s24 =	simm.s32 $0x700;
	[sflag:s17] =	ssyncadd.s32 $0xFFFFE000  }
0x86: {  	[tilespmem:s16], [sflag:$0x9] =	stream.indirect.gather [hbm4b:s31+s20], $0x40, s24, s20, $0xb8;
	[tilespmem:$0x1AC80] =	vst v63  }
0x87: {  	s16 =	simm.s32 $0x12  }
0x88: {  	_ =	swait.ge [sflag:s16], $0x2000  }
0x89: {  	s14 =	simm.s32 $0xF000;
	[sflag:s16] =	ssyncset.done $0x0;
	s24 =	rddreg [dreg:$0x11]  }
0x8a: {  	s21 =	simm.s32 $0x780;
	[sflag:s16] =	ssyncadd.s32 $0xFFFFE000;
	s12 =	sshrl.u32 s24, $0x3  }
0x8b: {  	[tilespmem:s14], [sflag:$0xA] =	stream.indirect.gather [hbm4b:s31+s20], $0x40, s21, s20, $0xb8;
	[tilespmem:$0x1AC80] =	vst v63  }
0x8c: {  	s14 =	sadd.s32 s26, s12  }
0x8d: {  	[tilespmem:s4], [sflag:$0x1] =	stream.linear.gather [hbm4b:s14+s4], $0x400, $0x38;
	[tilespmem:$0x1AC80] =	vst v63  }
0x8e: {  	s12 =	sadd.s32 s23, s12;
	s14 =	simm.s32 $0x800  }
0x8f: {  	[tilespmem:s14], [sflag:$0x1] =	stream.linear.gather [hbm4b:s12+s4], $0x400, $0x38;
	[tilespmem:$0x1AC80] =	vst v63  }
0x90: {  	_ =	swait.ge [sflag:s0], $0x2000  }
0x91: {  	[sflag:s0] =	ssyncset.done $0x0  }
0x92: {  	s29 =	simm.s32 $0x1000;
	s23 =	simm.s32 $0xC00;
	[sflag:s0] =	ssyncadd.s32 $0xFFFFE000  }
0x93: {  	[spmem:s2] =	stream.indirect.scatter.add.f32 [tilespmem:s29], [sflag:$0xB], $0x40, s23, s20, $0xb8;
	[tilespmem:$0x1AC80] =	vst v63  }
0x94: {  	_ =	swait.ge [sflag:s10], $0x2000  }
0x95: {  	[sflag:s10] =	ssyncset.done $0x0  }
0x96: {  	s21 =	simm.s32 $0x3000;
	s14 =	simm.s32 $0xC80;
	[sflag:s10] =	ssyncadd.s32 $0xFFFFE000  }
0x97: {  	[spmem:s2] =	stream.indirect.scatter.add.f32 [tilespmem:s21], [sflag:$0xC], $0x40, s14, s20, $0xb8;
	[tilespmem:$0x1AC80] =	vst v63  }
0x98: {  	_ =	swait.ge [sflag:s25], $0x2000  }
0x99: {  	[sflag:s25] =	ssyncset.done $0x0  }
0x9a: {  	s28 =	simm.s32 $0x5000;
	s23 =	simm.s32 $0xD00;
	[sflag:s25] =	ssyncadd.s32 $0xFFFFE000  }
0x9b: {  	[spmem:s2] =	stream.indirect.scatter.add.f32 [tilespmem:s28], [sflag:$0xD], $0x40, s23, s20, $0xb8;
	[tilespmem:$0x1AC80] =	vst v63  }
0x9c: {  	_ =	swait.ge [sflag:s30], $0x2000  }
0x9d: {  	[sflag:s30] =	ssyncset.done $0x0  }
0x9e: {  	s14 =	simm.s32 $0x7000;
	s28 =	simm.s32 $0xD80;
	[sflag:s30] =	ssyncadd.s32 $0xFFFFE000  }
0x9f: {  	[spmem:s2] =	stream.indirect.scatter.add.f32 [tilespmem:s14], [sflag:$0xE], $0x40, s28, s20, $0xb8;
	[tilespmem:$0x1AC80] =	vst v63  }
0xa0: {  	_ =	swait.ge [sflag:s7], $0x2000  }
0xa1: {  	[sflag:s7] =	ssyncset.done $0x0  }
0xa2: {  	s29 =	simm.s32 $0xE00;
	s28 =	simm.s32 $0x9000;
	[sflag:s7] =	ssyncadd.s32 $0xFFFFE000  }
0xa3: {  	[spmem:s2] =	stream.indirect.scatter.add.f32 [tilespmem:s28], [sflag:$0xF], $0x40, s29, s20, $0xb8;
	[tilespmem:$0x1AC80] =	vst v63  }
0xa4: {  	_ =	swait.ge [sflag:s8], $0x2000  }
0xa5: {  	[sflag:s8] =	ssyncset.done $0x0  }
0xa6: {  	s21 =	simm.s32 $0xE80;
	s23 =	simm.s32 $0xB000;
	[sflag:s8] =	ssyncadd.s32 $0xFFFFE000  }
0xa7: {  	[spmem:s2] =	stream.indirect.scatter.add.f32 [tilespmem:s23], [sflag:$0x10], $0x40, s21, s20, $0xb8;
	[tilespmem:$0x1AC80] =	vst v63  }
0xa8: {  	_ =	swait.ge [sflag:s5], $0x2000  }
0xa9: {  	[sflag:s5] =	ssyncset.done $0x0  }
0xaa: {  	s29 =	simm.s32 $0xF00;
	s21 =	simm.s32 $0xD000;
	[sflag:s5] =	ssyncadd.s32 $0xFFFFE000  }
0xab: {  	[spmem:s2] =	stream.indirect.scatter.add.f32 [tilespmem:s21], [sflag:$0x11], $0x40, s29, s20, $0xb8;
	[tilespmem:$0x1AC80] =	vst v63  }
0xac: {  	_ =	swait.ge [sflag:s22], $0x2000  }
0xad: {  	s3 =	simm.s32 $0x1;
	[sflag:s22] =	ssyncset.done $0x0  }
0xae: {  	s12 =	simm.s32 $0xF80;
	s29 =	simm.s32 $0xF000;
	[sflag:s22] =	ssyncadd.s32 $0xFFFFE000  }
0xaf: {  	[spmem:s2] =	stream.indirect.scatter.add.f32 [tilespmem:s29], [sflag:$0x12], $0x40, s12, s20, $0xb8;
	[tilespmem:$0x1AC80] =	vst v63  }
0xb0: {  	_ =	swait.ge [sflag:s3], $0x400  }
0xb1: {  	[sflag:s3] =	ssyncset.done $0x0  }
0xb2: {  	[sflag:s3] =	ssyncadd.s32 $0xFFFFFC00  }
0xb3: {  	_ =	swait.ge [sflag:s3], $0x400  }
0xb4: {  	[sflag:s3] =	ssyncset.done $0x0  }
0xb5: {  	[sflag:s3] =	ssyncadd.s32 $0xFFFFFC00  }
0xb6: {  	_ =	swait.ge [sflag:s18], $0x2000  }
0xb7: {  	[sflag:s18] =	ssyncset.done $0x0  }
0xb8: {  	[sflag:s18] =	ssyncadd.s32 $0xFFFFE000;
	s18 =	simm.s32 $0x1000  }
0xb9: {  	[tilespmem:s18], [sflag:$0x3] =	stream.indirect.gather [hbm4b:s31+s20], $0x40, s4, s20, $0xb8;
	[tilespmem:$0x1AC80] =	vst v63  }
0xba: {  	_ =	swait.ge [sflag:s11], $0x2000  }
0xbb: {  	[sflag:s11] =	ssyncset.done $0x0  }
0xbc: {  	[sflag:s11] =	ssyncadd.s32 $0xFFFFE000;
	s11 =	simm.s32 $0x3000  }
0xbd: {  	[tilespmem:s11], [sflag:$0x4] =	stream.indirect.gather [hbm4b:s31+s20], $0x40, s20, s20, $0xb8;
	[tilespmem:$0x1AC80] =	vst v63  }
0xbe: {  	_ =	swait.ge [sflag:s19], $0x2000  }
0xbf: {  	[sflag:s19] =	ssyncset.done $0x0  }
0xc0: {  	[sflag:s19] =	ssyncadd.s32 $0xFFFFE000;
	s19 =	simm.s32 $0x5000  }
0xc1: {  	[tilespmem:s19], [sflag:$0x5] =	stream.indirect.gather [hbm4b:s31+s20], $0x40, s9, s20, $0xb8;
	[tilespmem:$0x1AC80] =	vst v63  }
0xc2: {  	_ =	swait.ge [sflag:s13], $0x2000  }
0xc3: {  	[sflag:s13] =	ssyncset.done $0x0  }
0xc4: {  	s12 =	simm.s32 $0x180;
	[sflag:s13] =	ssyncadd.s32 $0xFFFFE000  }
0xc5: {  	[tilespmem:s14], [sflag:$0x6] =	stream.indirect.gather [hbm4b:s31+s20], $0x40, s12, s20, $0xb8;
	[tilespmem:$0x1AC80] =	vst v63  }
0xc6: {  	_ =	swait.ge [sflag:s1], $0x2000  }
0xc7: {  	[sflag:s1] =	ssyncset.done $0x0  }
0xc8: {  	s13 =	simm.s32 $0x200;
	[sflag:s1] =	ssyncadd.s32 $0xFFFFE000  }
0xc9: {  	[tilespmem:s28], [sflag:$0x7] =	stream.indirect.gather [hbm4b:s31+s20], $0x40, s13, s20, $0xb8;
	[tilespmem:$0x1AC80] =	vst v63  }
0xca: {  	_ =	swait.ge [sflag:s6], $0x2000  }
0xcb: {  	[sflag:s6] =	ssyncset.done $0x0  }
0xcc: {  	s14 =	simm.s32 $0x280;
	[sflag:s6] =	ssyncadd.s32 $0xFFFFE000  }
0xcd: {  	[tilespmem:s23], [sflag:$0x8] =	stream.indirect.gather [hbm4b:s31+s20], $0x40, s14, s20, $0xb8;
	[tilespmem:$0x1AC80] =	vst v63  }
0xce: {  	_ =	swait.ge [sflag:s17], $0x2000  }
0xcf: {  	[sflag:s17] =	ssyncset.done $0x0  }
0xd0: {  	[sflag:s17] =	ssyncadd.s32 $0xFFFFE000;
	s17 =	simm.s32 $0x300  }
0xd1: {  	[tilespmem:s21], [sflag:$0x9] =	stream.indirect.gather [hbm4b:s31+s20], $0x40, s17, s20, $0xb8;
	[tilespmem:$0x1AC80] =	vst v63  }
0xd2: {  	_ =	swait.ge [sflag:s16], $0x2000  }
0xd3: {  	s29 =	simm.s32 $0xF000;
	[sflag:s16] =	ssyncset.done $0x0  }
0xd4: {  	s28 =	simm.s32 $0x380;
	s21 =	rddreg [dreg:$0x5];
	[sflag:s16] =	ssyncadd.s32 $0xFFFFE000  }
0xd5: {  	[tilespmem:s29], [sflag:$0xA] =	stream.indirect.gather [hbm4b:s31+s20], $0x40, s28, s20, $0xb8;
	[tilespmem:$0x1AC80] =	vst v63  }
0xd6: {  	s14 =	simm.s32 $0x400;
	s23 =	rddreg [dreg:$0x4];
	s12 =	sadd.s32 $0x0, s21  }
0xd7: {  	[tilespmem:s14], [sflag:$0x2] =	stream.linear.gather [hbm4b:s12+s4], $0x400, $0x38;
	[tilespmem:$0x1AC80] =	vst v63  }
0xd8: {  	s17 =	simm.s32 $0xC00;
	s16 =	sadd.s32 $0x0, s23  }
0xd9: {  	[tilespmem:s17], [sflag:$0x2] =	stream.linear.gather [hbm4b:s16+s4], $0x400, $0x38;
	[tilespmem:$0x1AC80] =	vst v63  }
0xda: {  	_ =	swait.ge [sflag:s0], $0x2000  }
0xdb: {  	[sflag:s0] =	ssyncset.done $0x0  }
0xdc: {  	s21 =	simm.s32 $0x800;
	[sflag:s0] =	ssyncadd.s32 $0xFFFFE000  }
0xdd: {  	[spmem:s2] =	stream.indirect.scatter.add.f32 [tilespmem:s18], [sflag:$0xB], $0x40, s21, s20, $0xb8;
	[tilespmem:$0x1AC80] =	vst v63  }
0xde: {  	_ =	swait.ge [sflag:s10], $0x2000  }
0xdf: {  	[sflag:s10] =	ssyncset.done $0x0  }
0xe0: {  	[sflag:s10] =	ssyncadd.s32 $0xFFFFE000  }
0xe1: {  	[spmem:s2] =	stream.indirect.scatter.add.f32 [tilespmem:s11], [sflag:$0xC], $0x40, s15, s20, $0xb8;
	[tilespmem:$0x1AC80] =	vst v63  }
0xe2: {  	_ =	swait.ge [sflag:s25], $0x2000  }
0xe3: {  	[sflag:s25] =	ssyncset.done $0x0  }
0xe4: {  	s23 =	simm.s32 $0x900;
	[sflag:s25] =	ssyncadd.s32 $0xFFFFE000  }
0xe5: {  	[spmem:s2] =	stream.indirect.scatter.add.f32 [tilespmem:s19], [sflag:$0xD], $0x40, s23, s20, $0xb8;
	[tilespmem:$0x1AC80] =	vst v63  }
0xe6: {  	_ =	swait.ge [sflag:s30], $0x2000  }
0xe7: {  	[sflag:s30] =	ssyncset.done $0x0  }
0xe8: {  	s9 =	simm.s32 $0x7000;
	s25 =	simm.s32 $0x980;
	[sflag:s30] =	ssyncadd.s32 $0xFFFFE000  }
0xe9: {  	[spmem:s2] =	stream.indirect.scatter.add.f32 [tilespmem:s9], [sflag:$0xE], $0x40, s25, s20, $0xb8;
	[tilespmem:$0x1AC80] =	vst v63  }
0xea: {  	_ =	swait.ge [sflag:s7], $0x2000  }
0xeb: {  	[sflag:s7] =	ssyncset.done $0x0  }
0xec: {  	s13 =	simm.s32 $0x9000;
	s28 =	simm.s32 $0xA00;
	[sflag:s7] =	ssyncadd.s32 $0xFFFFE000  }
0xed: {  	[spmem:s2] =	stream.indirect.scatter.add.f32 [tilespmem:s13], [sflag:$0xF], $0x40, s28, s20, $0xb8;
	[tilespmem:$0x1AC80] =	vst v63  }
0xee: {  	_ =	swait.ge [sflag:s8], $0x2000  }
0xef: {  	[sflag:s8] =	ssyncset.done $0x0  }
0xf0: {  	s6 =	simm.s32 $0xB000;
	s29 =	simm.s32 $0xA80;
	[sflag:s8] =	ssyncadd.s32 $0xFFFFE000  }
0xf1: {  	[spmem:s2] =	stream.indirect.scatter.add.f32 [tilespmem:s6], [sflag:$0x10], $0x40, s29, s20, $0xb8;
	[tilespmem:$0x1AC80] =	vst v63  }
0xf2: {  	_ =	swait.ge [sflag:s5], $0x2000  }
0xf3: {  	[sflag:s5] =	ssyncset.done $0x0  }
0xf4: {  	s1 =	simm.s32 $0xD000;
	s30 =	simm.s32 $0xB00;
	[sflag:s5] =	ssyncadd.s32 $0xFFFFE000  }
0xf5: {  	[spmem:s2] =	stream.indirect.scatter.add.f32 [tilespmem:s1], [sflag:$0x11], $0x40, s30, s20, $0xb8;
	[tilespmem:$0x1AC80] =	vst v63  }
0xf6: {  	_ =	swait.ge [sflag:s22], $0x2000  }
0xf7: {  	[sflag:s22] =	ssyncset.done $0x0  }
0xf8: {  	s12 =	simm.s32 $0x100;
	s21 =	sadd.s32 $0x800, s24;
	[sflag:s22] =	ssyncadd.s32 $0xFFFFE000  }
.LBB2_2:
0xf9: {  	s1 =	simm.s32 $0xF000;
	s0 =	simm.s32 $0xB80;
	s18 =	simm.s32 $0x2  }
0xfa: {  	[spmem:s2] =	stream.indirect.scatter.add.f32 [tilespmem:s1], [sflag:$0x12], $0x40, s0, s20, $0xb8;
	[tilespmem:$0x1AC80] =	vst v63  }
0xfb: {  	_ =	swait.ge [sflag:s18], $0x400  }
0xfc: {  	[sflag:s18] =	ssyncset.done $0x0  }
0xfd: {  	[sflag:s18] =	ssyncadd.s32 $0xFFFFFC00  }
0xfe: {  	_ =	swait.ge [sflag:s18], $0x400  }
0xff: {  	[sflag:s18] =	ssyncset.done $0x0  }
0x100: {  	[sflag:s18] =	ssyncadd.s32 $0xFFFFFC00;
	s18 =	simm.s32 $0xB  }
0x101: {  	_ =	swait.ge [sflag:s18], $0x2000  }
0x102: {  	s19 =	simm.s32 $0x1000;
	[sflag:s18] =	ssyncset.done $0x0  }
0x103: {  	s23 =	simm.s32 $0x400;
	s11 =	simm.s32 $0xC;
	[sflag:s18] =	ssyncadd.s32 $0xFFFFE000  }
0x104: {  	[tilespmem:s19], [sflag:$0x3] =	stream.indirect.gather [hbm4b:s31+s20], $0x40, s23, s20, $0xb8;
	[tilespmem:$0x1AC80] =	vst v63  }
0x105: {  	_ =	swait.ge [sflag:s11], $0x2000  }
0x106: {  	s24 =	simm.s32 $0x3000;
	[sflag:s11] =	ssyncset.done $0x0  }
0x107: {  	s25 =	simm.s32 $0x480;
	s19 =	simm.s32 $0xD;
	[sflag:s11] =	ssyncadd.s32 $0xFFFFE000  }
0x108: {  	[tilespmem:s24], [sflag:$0x4] =	stream.indirect.gather [hbm4b:s31+s20], $0x40, s25, s20, $0xb8;
	[tilespmem:$0x1AC80] =	vst v63  }
0x109: {  	_ =	swait.ge [sflag:s19], $0x2000  }
0x10a: {  	s9 =	simm.s32 $0x5000;
	[sflag:s19] =	ssyncset.done $0x0  }
0x10b: {  	s28 =	simm.s32 $0x500;
	s13 =	simm.s32 $0xE;
	[sflag:s19] =	ssyncadd.s32 $0xFFFFE000  }
0x10c: {  	[tilespmem:s9], [sflag:$0x5] =	stream.indirect.gather [hbm4b:s31+s20], $0x40, s28, s20, $0xb8;
	[tilespmem:$0x1AC80] =	vst v63  }
0x10d: {  	_ =	swait.ge [sflag:s13], $0x2000  }
0x10e: {  	s29 =	simm.s32 $0x7000;
	[sflag:s13] =	ssyncset.done $0x0  }
0x10f: {  	s30 =	simm.s32 $0x580;
	s0 =	simm.s32 $0xF;
	[sflag:s13] =	ssyncadd.s32 $0xFFFFE000  }
0x110: {  	[tilespmem:s29], [sflag:$0x6] =	stream.indirect.gather [hbm4b:s31+s20], $0x40, s30, s20, $0xb8;
	[tilespmem:$0x1AC80] =	vst v63  }
0x111: {  	_ =	swait.ge [sflag:s0], $0x2000  }
0x112: {  	s3 =	simm.s32 $0x9000;
	[sflag:s0] =	ssyncset.done $0x0  }
0x113: {  	s5 =	simm.s32 $0x600;
	s1 =	simm.s32 $0x10;
	[sflag:s0] =	ssyncadd.s32 $0xFFFFE000  }
0x114: {  	[tilespmem:s3], [sflag:$0x7] =	stream.indirect.gather [hbm4b:s31+s20], $0x40, s5, s20, $0xb8;
	[tilespmem:$0x1AC80] =	vst v63  }
0x115: {  	_ =	swait.ge [sflag:s1], $0x2000  }
0x116: {  	s4 =	simm.s32 $0x680;
	[sflag:s1] =	ssyncset.done $0x0  }
0x117: {  	s28 =	simm.s32 $0x11;
	s3 =	simm.s32 $0xB000;
	[sflag:s1] =	ssyncadd.s32 $0xFFFFE000  }
0x118: {  	[tilespmem:s3], [sflag:$0x8] =	stream.indirect.gather [hbm4b:s31+s20], $0x40, s4, s20, $0xb8;
	[tilespmem:$0x1AC80] =	vst v63  }
0x119: {  	_ =	swait.ge [sflag:s28], $0x2000  }
0x11a: {  	s10 =	simm.s32 $0xD000;
	[sflag:s28] =	ssyncset.done $0x0  }
0x11b: {  	s14 =	simm.s32 $0x700;
	s3 =	simm.s32 $0x12;
	[sflag:s28] =	ssyncadd.s32 $0xFFFFE000  }
0x11c: {  	[tilespmem:s10], [sflag:$0x9] =	stream.indirect.gather [hbm4b:s31+s20], $0x40, s14, s20, $0xb8;
	[tilespmem:$0x1AC80] =	vst v63  }
0x11d: {  	_ =	swait.ge [sflag:s3], $0x2000  }
0x11e: {  	s8 =	simm.s32 $0xF000;
	[sflag:s3] =	ssyncset.done $0x0  }
0x11f: {  	s15 =	simm.s32 $0x780;
	s24 =	sshrl.u32 s21, $0x3;
	[sflag:s3] =	ssyncadd.s32 $0xFFFFE000  }
0x120: {  	[tilespmem:s8], [sflag:$0xA] =	stream.indirect.gather [hbm4b:s31+s20], $0x40, s15, s20, $0xb8;
	[tilespmem:$0x1AC80] =	vst v63  }
0x121: {  	s17 =	sadd.s32 s26, s24;
	s14 =	simm.s32 $0x0;
	s23 =	rddreg [dreg:$0x6]  }
0x122: {  	[tilespmem:s14], [sflag:$0x1] =	stream.linear.gather [hbm4b:s17+s14], $0x400, $0x38;
	[tilespmem:$0x1AC80] =	vst v63  }
0x123: {  	s25 =	simm.s32 $0x800;
	s24 =	sadd.s32 s23, s24;
	s15 =	simm.s32 $0x3  }
0x124: {  	[tilespmem:s25], [sflag:$0x1] =	stream.linear.gather [hbm4b:s24+s14], $0x400, $0x38;
	[tilespmem:$0x1AC80] =	vst v63  }
0x125: {  	_ =	swait.ge [sflag:s15], $0x2000  }
0x126: {  	s7 =	simm.s32 $0x1000;
	s29 =	smov.u32 s26;
	[sflag:s15] =	ssyncset.done $0x0  }
0x127: {  	s26 =	simm.s32 $0xC00;
	s10 =	simm.s32 $0x4;
	[sflag:s15] =	ssyncadd.s32 $0xFFFFE000  }
0x128: {  	[spmem:s2] =	stream.indirect.scatter.add.f32 [tilespmem:s7], [sflag:$0xB], $0x40, s26, s20, $0xb8;
	[tilespmem:$0x1AC80] =	vst v63  }
0x129: {  	_ =	swait.ge [sflag:s10], $0x2000  }
0x12a: {  	s16 =	simm.s32 $0x3000;
	[sflag:s10] =	ssyncset.done $0x0  }
0x12b: {  	s30 =	simm.s32 $0xC80;
	s25 =	simm.s32 $0x5;
	[sflag:s10] =	ssyncadd.s32 $0xFFFFE000  }
0x12c: {  	[spmem:s2] =	stream.indirect.scatter.add.f32 [tilespmem:s16], [sflag:$0xC], $0x40, s30, s20, $0xb8;
	[tilespmem:$0x1AC80] =	vst v63  }
0x12d: {  	_ =	swait.ge [sflag:s25], $0x2000  }
0x12e: {  	[sflag:s25] =	ssyncset.done $0x0  }
0x12f: {  	s7 =	simm.s32 $0xD00;
	s30 =	simm.s32 $0x6;
	[sflag:s25] =	ssyncadd.s32 $0xFFFFE000  }
0x130: {  	[spmem:s2] =	stream.indirect.scatter.add.f32 [tilespmem:s9], [sflag:$0xD], $0x40, s7, s20, $0xb8;
	[tilespmem:$0x1AC80] =	vst v63  }
0x131: {  	_ =	swait.ge [sflag:s30], $0x2000  }
0x132: {  	s8 =	simm.s32 $0xD80;
	[sflag:s30] =	ssyncset.done $0x0  }
0x133: {  	s26 =	simm.s32 $0x7000;
	s7 =	simm.s32 $0x7;
	[sflag:s30] =	ssyncadd.s32 $0xFFFFE000  }
0x134: {  	[spmem:s2] =	stream.indirect.scatter.add.f32 [tilespmem:s26], [sflag:$0xE], $0x40, s8, s20, $0xb8;
	[tilespmem:$0x1AC80] =	vst v63  }
0x135: {  	_ =	swait.ge [sflag:s7], $0x2000  }
0x136: {  	s6 =	simm.s32 $0x9000;
	[sflag:s7] =	ssyncset.done $0x0  }
0x137: {  	s16 =	simm.s32 $0xE00;
	s8 =	simm.s32 $0x8;
	[sflag:s7] =	ssyncadd.s32 $0xFFFFE000  }
0x138: {  	[spmem:s2] =	stream.indirect.scatter.add.f32 [tilespmem:s6], [sflag:$0xF], $0x40, s16, s20, $0xb8;
	[tilespmem:$0x1AC80] =	vst v63  }
0x139: {  	_ =	swait.ge [sflag:s8], $0x2000  }
0x13a: {  	s5 =	simm.s32 $0x9;
	[sflag:s8] =	ssyncset.done $0x0  }
0x13b: {  	s17 =	simm.s32 $0xE80;
	s16 =	simm.s32 $0xB000;
	[sflag:s8] =	ssyncadd.s32 $0xFFFFE000  }
0x13c: {  	[spmem:s2] =	stream.indirect.scatter.add.f32 [tilespmem:s16], [sflag:$0x10], $0x40, s17, s20, $0xb8;
	[tilespmem:$0x1AC80] =	vst v63  }
0x13d: {  	_ =	swait.ge [sflag:s5], $0x2000  }
0x13e: {  	s24 =	simm.s32 $0xF00;
	[sflag:s5] =	ssyncset.done $0x0  }
0x13f: {  	s6 =	simm.s32 $0xA;
	s17 =	simm.s32 $0xD000;
	[sflag:s5] =	ssyncadd.s32 $0xFFFFE000  }
0x140: {  	[spmem:s2] =	stream.indirect.scatter.add.f32 [tilespmem:s17], [sflag:$0x11], $0x40, s24, s20, $0xb8;
	[tilespmem:$0x1AC80] =	vst v63  }
0x141: {  	_ =	swait.ge [sflag:s6], $0x2000  }
0x142: {  	[sflag:s6] =	ssyncset.done $0x0  }
0x143: {  	s4 =	simm.s32 $0xF000;
	s24 =	simm.s32 $0xF80;
	[sflag:s6] =	ssyncadd.s32 $0xFFFFE000  }
0x144: {  	[spmem:s2] =	stream.indirect.scatter.add.f32 [tilespmem:s4], [sflag:$0x12], $0x40, s24, s20, $0xb8;
	[tilespmem:$0x1AC80] =	vst v63  }
0x145: {  	s4 =	simm.s32 $0x1  }
0x146: {  	_ =	swait.ge [sflag:s4], $0x400  }
0x147: {  	[sflag:s4] =	ssyncset.done $0x0  }
0x148: {  	[sflag:s4] =	ssyncadd.s32 $0xFFFFFC00  }
0x149: {  	_ =	swait.ge [sflag:s4], $0x400  }
0x14a: {  	[sflag:s4] =	ssyncset.done $0x0  }
0x14b: {  	[sflag:s4] =	ssyncadd.s32 $0xFFFFFC00  }
0x14c: {  	_ =	swait.ge [sflag:s18], $0x2000  }
0x14d: {  	[sflag:s18] =	ssyncset.done $0x0  }
0x14e: {  	s4 =	simm.s32 $0x1000;
	[sflag:s18] =	ssyncadd.s32 $0xFFFFE000  }
0x14f: {  	[tilespmem:s4], [sflag:$0x3] =	stream.indirect.gather [hbm4b:s31+s20], $0x40, s14, s20, $0xb8;
	[tilespmem:$0x1AC80] =	vst v63  }
0x150: {  	_ =	swait.ge [sflag:s11], $0x2000  }
0x151: {  	[sflag:s11] =	ssyncset.done $0x0  }
0x152: {  	s18 =	simm.s32 $0x3000;
	[sflag:s11] =	ssyncadd.s32 $0xFFFFE000  }
0x153: {  	[tilespmem:s18], [sflag:$0x4] =	stream.indirect.gather [hbm4b:s31+s20], $0x40, s20, s20, $0xb8;
	[tilespmem:$0x1AC80] =	vst v63  }
0x154: {  	_ =	swait.ge [sflag:s19], $0x2000  }
0x155: {  	[sflag:s19] =	ssyncset.done $0x0  }
0x156: {  	[sflag:s19] =	ssyncadd.s32 $0xFFFFE000;
	s19 =	simm.s32 $0x100  }
0x157: {  	[tilespmem:s9], [sflag:$0x5] =	stream.indirect.gather [hbm4b:s31+s20], $0x40, s19, s20, $0xb8;
	[tilespmem:$0x1AC80] =	vst v63  }
0x158: {  	_ =	swait.ge [sflag:s13], $0x2000  }
0x159: {  	[sflag:s13] =	ssyncset.done $0x0  }
0x15a: {  	s24 =	simm.s32 $0x180;
	[sflag:s13] =	ssyncadd.s32 $0xFFFFE000  }
0x15b: {  	[tilespmem:s26], [sflag:$0x6] =	stream.indirect.gather [hbm4b:s31+s20], $0x40, s24, s20, $0xb8;
	[tilespmem:$0x1AC80] =	vst v63  }
0x15c: {  	_ =	swait.ge [sflag:s0], $0x2000  }
0x15d: {  	[sflag:s0] =	ssyncset.done $0x0  }
0x15e: {  	s23 =	simm.s32 $0x9000;
	s26 =	simm.s32 $0x200;
	[sflag:s0] =	ssyncadd.s32 $0xFFFFE000  }
0x15f: {  	[tilespmem:s23], [sflag:$0x7] =	stream.indirect.gather [hbm4b:s31+s20], $0x40, s26, s20, $0xb8;
	[tilespmem:$0x1AC80] =	vst v63  }
0x160: {  	_ =	swait.ge [sflag:s1], $0x2000  }
0x161: {  	[sflag:s1] =	ssyncset.done $0x0  }
0x162: {  	s13 =	simm.s32 $0x280;
	[sflag:s1] =	ssyncadd.s32 $0xFFFFE000  }
0x163: {  	[tilespmem:s16], [sflag:$0x8] =	stream.indirect.gather [hbm4b:s31+s20], $0x40, s13, s20, $0xb8;
	[tilespmem:$0x1AC80] =	vst v63  }
0x164: {  	_ =	swait.ge [sflag:s28], $0x2000  }
0x165: {  	[sflag:s28] =	ssyncset.done $0x0  }
0x166: {  	s16 =	simm.s32 $0x300;
	[sflag:s28] =	ssyncadd.s32 $0xFFFFE000  }
0x167: {  	[tilespmem:s17], [sflag:$0x9] =	stream.indirect.gather [hbm4b:s31+s20], $0x40, s16, s20, $0xb8;
	[tilespmem:$0x1AC80] =	vst v63  }
0x168: {  	_ =	swait.ge [sflag:s3], $0x2000  }
0x169: {  	s22 =	smov.u32 s12;
	s23 =	simm.s32 $0x380;
	[sflag:s3] =	ssyncset.done $0x0  }
0x16a: {  	s28 =	simm.s32 $0xF000;
	s17 =	rddreg [dreg:$0x5];
	[sflag:s3] =	ssyncadd.s32 $0xFFFFE000  }
0x16b: {  	[tilespmem:s28], [sflag:$0xA] =	stream.indirect.gather [hbm4b:s31+s20], $0x40, s23, s20, $0xb8;
	[tilespmem:$0x1AC80] =	vst v63  }
0x16c: {  	s19 =	rddreg [dreg:$0x4];
	s24 =	sadd.s32 s22, s17;
	s3 =	simm.s32 $0x400  }
0x16d: {  	[tilespmem:s3], [sflag:$0x2] =	stream.linear.gather [hbm4b:s24+s14], $0x400, $0x38;
	[tilespmem:$0x1AC80] =	vst v63  }
0x16e: {  	s16 =	simm.s32 $0xC00;
	s22 =	sadd.s32 s22, s19  }
0x16f: {  	[tilespmem:s16], [sflag:$0x2] =	stream.linear.gather [hbm4b:s22+s14], $0x400, $0x38;
	[tilespmem:$0x1AC80] =	vst v63  }
0x170: {  	_ =	swait.ge [sflag:s15], $0x2000  }
0x171: {  	[sflag:s15] =	ssyncset.done $0x0  }
0x172: {  	s17 =	simm.s32 $0x800;
	s19 =	simm.s32 $0x1000;
	[sflag:s15] =	ssyncadd.s32 $0xFFFFE000  }
0x173: {  	[spmem:s2] =	stream.indirect.scatter.add.f32 [tilespmem:s19], [sflag:$0xB], $0x40, s17, s20, $0xb8;
	[tilespmem:$0x1AC80] =	vst v63  }
0x174: {  	_ =	swait.ge [sflag:s10], $0x2000  }
0x175: {  	[sflag:s10] =	ssyncset.done $0x0  }
0x176: {  	s4 =	simm.s32 $0x3000;
	s15 =	simm.s32 $0x880;
	[sflag:s10] =	ssyncadd.s32 $0xFFFFE000  }
0x177: {  	[spmem:s2] =	stream.indirect.scatter.add.f32 [tilespmem:s4], [sflag:$0xC], $0x40, s15, s20, $0xb8;
	[tilespmem:$0x1AC80] =	vst v63  }
0x178: {  	_ =	swait.ge [sflag:s25], $0x2000  }
0x179: {  	[sflag:s25] =	ssyncset.done $0x0  }
0x17a: {  	s22 =	simm.s32 $0x900;
	[sflag:s25] =	ssyncadd.s32 $0xFFFFE000  }
0x17b: {  	[spmem:s2] =	stream.indirect.scatter.add.f32 [tilespmem:s9], [sflag:$0xD], $0x40, s22, s20, $0xb8;
	[tilespmem:$0x1AC80] =	vst v63  }
0x17c: {  	_ =	swait.ge [sflag:s30], $0x2000  }
0x17d: {  	[sflag:s30] =	ssyncset.done $0x0  }
0x17e: {  	s11 =	simm.s32 $0x7000;
	s25 =	simm.s32 $0x980;
	[sflag:s30] =	ssyncadd.s32 $0xFFFFE000  }
0x17f: {  	[spmem:s2] =	stream.indirect.scatter.add.f32 [tilespmem:s11], [sflag:$0xE], $0x40, s25, s20, $0xb8;
	[tilespmem:$0x1AC80] =	vst v63  }
0x180: {  	_ =	swait.ge [sflag:s7], $0x2000  }
0x181: {  	[sflag:s7] =	ssyncset.done $0x0  }
0x182: {  	s18 =	simm.s32 $0x9000;
	s28 =	simm.s32 $0xA00;
	[sflag:s7] =	ssyncadd.s32 $0xFFFFE000  }
0x183: {  	[spmem:s2] =	stream.indirect.scatter.add.f32 [tilespmem:s18], [sflag:$0xF], $0x40, s28, s20, $0xb8;
	[tilespmem:$0x1AC80] =	vst v63  }
0x184: {  	_ =	swait.ge [sflag:s8], $0x2000  }
0x185: {  	s26 =	smov.u32 s29;
	[sflag:s8] =	ssyncset.done $0x0  }
0x186: {  	s29 =	simm.s32 $0xA80;
	s1 =	simm.s32 $0xB000;
	[sflag:s8] =	ssyncadd.s32 $0xFFFFE000  }
0x187: {  	[spmem:s2] =	stream.indirect.scatter.add.f32 [tilespmem:s1], [sflag:$0x10], $0x40, s29, s20, $0xb8;
	[tilespmem:$0x1AC80] =	vst v63  }
0x188: {  	_ =	swait.ge [sflag:s5], $0x2000  }
0x189: {  	p1 =	sne.s32 s12, $0x300;
	s13 =	simm.s32 $0xD000;
	[sflag:s5] =	ssyncset.done $0x0  }
.Ltmp0:
0x18a: {  	s30 =	simm.s32 $0xB00;
	[sflag:s5] =	ssyncadd.s32 $0xFFFFE000;
	(pc) =	sbr.rel @p1 .LBB2_2-.Ltmp0, $4  }
0x18b: {  	[spmem:s2] =	stream.indirect.scatter.add.f32 [tilespmem:s13], [sflag:$0x11], $0x40, s30, s20, $0xb8;
	[tilespmem:$0x1AC80] =	vst v63  }
0x18c: {  	_ =	swait.ge [sflag:s6], $0x2000  }
0x18d: {  	s12 =	sadd.s32 $0x100, s12;
	s21 =	sadd.s32 $0x800, s21;
	[sflag:s6] =	ssyncset.done $0x0  }
0x18e: {  	s23 =	simm.s32 $0x400;
	s24 =	simm.s32 $0xC00;
	[sflag:s6] =	ssyncadd.s32 $0xFFFFE000  }
0x18f: {  	s16 =	simm.s32 $0xF000;
	s0 =	simm.s32 $0xB80;
	s12 =	simm.s32 $0x2  }
0x190: {  	[spmem:s2] =	stream.indirect.scatter.add.f32 [tilespmem:s16], [sflag:$0x12], $0x40, s0, s20, $0xb8;
	[tilespmem:$0x1AC80] =	vst v63  }
0x191: {  	_ =	swait.ge [sflag:s12], $0x400  }
0x192: {  	[sflag:s12] =	ssyncset.done $0x0  }
0x193: {  	[sflag:s12] =	ssyncadd.s32 $0xFFFFFC00  }
0x194: {  	_ =	swait.ge [sflag:s12], $0x400  }
0x195: {  	[sflag:s12] =	ssyncset.done $0x0  }
0x196: {  	s5 =	simm.s32 $0xB;
	[sflag:s12] =	ssyncadd.s32 $0xFFFFFC00  }
0x197: {  	_ =	swait.ge [sflag:s5], $0x2000  }
0x198: {  	[sflag:s5] =	ssyncset.done $0x0  }
0x199: {  	s6 =	simm.s32 $0xC;
	s12 =	simm.s32 $0x1000;
	[sflag:s5] =	ssyncadd.s32 $0xFFFFE000  }
0x19a: {  	[tilespmem:s12], [sflag:$0x3] =	stream.indirect.gather [hbm4b:s31+s20], $0x40, s23, s20, $0xb8;
	[tilespmem:$0x1AC80] =	vst v63  }
0x19b: {  	_ =	swait.ge [sflag:s6], $0x2000  }
0x19c: {  	s4 =	simm.s32 $0x3000;
	[sflag:s6] =	ssyncset.done $0x0  }
0x19d: {  	s13 =	simm.s32 $0x480;
	s7 =	simm.s32 $0xD;
	[sflag:s6] =	ssyncadd.s32 $0xFFFFE000  }
0x19e: {  	[tilespmem:s4], [sflag:$0x4] =	stream.indirect.gather [hbm4b:s31+s20], $0x40, s13, s20, $0xb8;
	[tilespmem:$0x1AC80] =	vst v63  }
0x19f: {  	_ =	swait.ge [sflag:s7], $0x2000  }
0x1a0: {  	s9 =	simm.s32 $0x5000;
	[sflag:s7] =	ssyncset.done $0x0  }
0x1a1: {  	s14 =	simm.s32 $0x500;
	s8 =	simm.s32 $0xE;
	[sflag:s7] =	ssyncadd.s32 $0xFFFFE000  }
0x1a2: {  	[tilespmem:s9], [sflag:$0x5] =	stream.indirect.gather [hbm4b:s31+s20], $0x40, s14, s20, $0xb8;
	[tilespmem:$0x1AC80] =	vst v63  }
0x1a3: {  	_ =	swait.ge [sflag:s8], $0x2000  }
0x1a4: {  	s11 =	simm.s32 $0x7000;
	[sflag:s8] =	ssyncset.done $0x0  }
0x1a5: {  	s17 =	simm.s32 $0x580;
	s10 =	simm.s32 $0xF;
	[sflag:s8] =	ssyncadd.s32 $0xFFFFE000  }
0x1a6: {  	[tilespmem:s11], [sflag:$0x6] =	stream.indirect.gather [hbm4b:s31+s20], $0x40, s17, s20, $0xb8;
	[tilespmem:$0x1AC80] =	vst v63  }
0x1a7: {  	_ =	swait.ge [sflag:s10], $0x2000  }
0x1a8: {  	s18 =	simm.s32 $0x600;
	[sflag:s10] =	ssyncset.done $0x0  }
0x1a9: {  	s1 =	simm.s32 $0x10;
	s13 =	simm.s32 $0x9000;
	[sflag:s10] =	ssyncadd.s32 $0xFFFFE000  }
0x1aa: {  	[tilespmem:s13], [sflag:$0x7] =	stream.indirect.gather [hbm4b:s31+s20], $0x40, s18, s20, $0xb8;
	[tilespmem:$0x1AC80] =	vst v63  }
0x1ab: {  	_ =	swait.ge [sflag:s1], $0x2000  }
0x1ac: {  	s3 =	simm.s32 $0xB000;
	[sflag:s1] =	ssyncset.done $0x0  }
0x1ad: {  	s19 =	simm.s32 $0x680;
	s18 =	simm.s32 $0x11;
	[sflag:s1] =	ssyncadd.s32 $0xFFFFE000  }
0x1ae: {  	[tilespmem:s3], [sflag:$0x8] =	stream.indirect.gather [hbm4b:s31+s20], $0x40, s19, s20, $0xb8;
	[tilespmem:$0x1AC80] =	vst v63  }
0x1af: {  	_ =	swait.ge [sflag:s18], $0x2000  }
0x1b0: {  	s21 =	simm.s32 $0x700;
	[sflag:s18] =	ssyncset.done $0x0  }
0x1b1: {  	s14 =	simm.s32 $0xD000;
	s19 =	simm.s32 $0x12;
	[sflag:s18] =	ssyncadd.s32 $0xFFFFE000  }
0x1b2: {  	[tilespmem:s14], [sflag:$0x9] =	stream.indirect.gather [hbm4b:s31+s20], $0x40, s21, s20, $0xb8;
	[tilespmem:$0x1AC80] =	vst v63  }
0x1b3: {  	_ =	swait.ge [sflag:s19], $0x2000  }
0x1b4: {  	[sflag:s19] =	ssyncset.done $0x0  }
0x1b5: {  	s22 =	simm.s32 $0x780;
	s23 =	simm.s32 $0x3;
	[sflag:s19] =	ssyncadd.s32 $0xFFFFE000  }
0x1b6: {  	[tilespmem:s16], [sflag:$0xA] =	stream.indirect.gather [hbm4b:s31+s20], $0x40, s22, s20, $0xb8;
	[tilespmem:$0x1AC80] =	vst v63  }
0x1b7: {  	_ =	swait.ge [sflag:s23], $0x2000  }
0x1b8: {  	[sflag:s23] =	ssyncset.done $0x0  }
0x1b9: {  	s25 =	simm.s32 $0x4;
	[sflag:s23] =	ssyncadd.s32 $0xFFFFE000  }
0x1ba: {  	[spmem:s2] =	stream.indirect.scatter.add.f32 [tilespmem:s12], [sflag:$0xB], $0x40, s24, s20, $0xb8;
	[tilespmem:$0x1AC80] =	vst v63  }
0x1bb: {  	_ =	swait.ge [sflag:s25], $0x2000  }
0x1bc: {  	[sflag:s25] =	ssyncset.done $0x0  }
0x1bd: {  	s28 =	simm.s32 $0xC80;
	s29 =	simm.s32 $0x5;
	[sflag:s25] =	ssyncadd.s32 $0xFFFFE000  }
0x1be: {  	[spmem:s2] =	stream.indirect.scatter.add.f32 [tilespmem:s4], [sflag:$0xC], $0x40, s28, s20, $0xb8;
	[tilespmem:$0x1AC80] =	vst v63  }
0x1bf: {  	_ =	swait.ge [sflag:s29], $0x2000  }
0x1c0: {  	[sflag:s29] =	ssyncset.done $0x0  }
0x1c1: {  	s30 =	simm.s32 $0xD00;
	s4 =	simm.s32 $0x6;
	[sflag:s29] =	ssyncadd.s32 $0xFFFFE000  }
0x1c2: {  	[spmem:s2] =	stream.indirect.scatter.add.f32 [tilespmem:s9], [sflag:$0xD], $0x40, s30, s20, $0xb8;
	[tilespmem:$0x1AC80] =	vst v63  }
0x1c3: {  	_ =	swait.ge [sflag:s4], $0x2000  }
0x1c4: {  	[sflag:s4] =	ssyncset.done $0x0  }
0x1c5: {  	s9 =	simm.s32 $0xD80;
	[sflag:s4] =	ssyncadd.s32 $0xFFFFE000  }
0x1c6: {  	[spmem:s2] =	stream.indirect.scatter.add.f32 [tilespmem:s11], [sflag:$0xE], $0x40, s9, s20, $0xb8;
	[tilespmem:$0x1AC80] =	vst v63  }
0x1c7: {  	s11 =	simm.s32 $0x7  }
0x1c8: {  	_ =	swait.ge [sflag:s11], $0x2000  }
0x1c9: {  	[sflag:s11] =	ssyncset.done $0x0  }
0x1ca: {  	s12 =	simm.s32 $0xE00;
	[sflag:s11] =	ssyncadd.s32 $0xFFFFE000  }
0x1cb: {  	[spmem:s2] =	stream.indirect.scatter.add.f32 [tilespmem:s13], [sflag:$0xF], $0x40, s12, s20, $0xb8;
	[tilespmem:$0x1AC80] =	vst v63  }
0x1cc: {  	s13 =	simm.s32 $0x8  }
0x1cd: {  	_ =	swait.ge [sflag:s13], $0x2000  }
0x1ce: {  	[sflag:s13] =	ssyncset.done $0x0  }
0x1cf: {  	s17 =	simm.s32 $0xE80;
	s21 =	simm.s32 $0x9;
	[sflag:s13] =	ssyncadd.s32 $0xFFFFE000  }
0x1d0: {  	[spmem:s2] =	stream.indirect.scatter.add.f32 [tilespmem:s3], [sflag:$0x10], $0x40, s17, s20, $0xb8;
	[tilespmem:$0x1AC80] =	vst v63  }
0x1d1: {  	_ =	swait.ge [sflag:s21], $0x2000  }
0x1d2: {  	[sflag:s21] =	ssyncset.done $0x0  }
0x1d3: {  	s22 =	simm.s32 $0xF00;
	s23 =	simm.s32 $0xA;
	[sflag:s21] =	ssyncadd.s32 $0xFFFFE000  }
0x1d4: {  	[spmem:s2] =	stream.indirect.scatter.add.f32 [tilespmem:s14], [sflag:$0x11], $0x40, s22, s20, $0xb8;
	[tilespmem:$0x1AC80] =	vst v63  }
0x1d5: {  	_ =	swait.ge [sflag:s23], $0x2000  }
0x1d6: {  	[sflag:s23] =	ssyncset.done $0x0  }
0x1d7: {  	s24 =	simm.s32 $0xF80;
	[sflag:s23] =	ssyncadd.s32 $0xFFFFE000  }
0x1d8: {  	[spmem:s2] =	stream.indirect.scatter.add.f32 [tilespmem:s16], [sflag:$0x12], $0x40, s24, s20, $0xb8;
	[tilespmem:$0x1AC80] =	vst v63  }
0x1d9: {  	_ =	swait.ge [sflag:s5], $0x2000  }
0x1da: {  	[sflag:s5] =	ssyncset.done $0x0  }
0x1db: {  	[sflag:s5] =	ssyncadd.s32 $0xFFFFE000  }
0x1dc: {  	_ =	swait.ge [sflag:s6], $0x2000  }
0x1dd: {  	[sflag:s6] =	ssyncset.done $0x0  }
0x1de: {  	[sflag:s6] =	ssyncadd.s32 $0xFFFFE000  }
0x1df: {  	_ =	swait.ge [sflag:s7], $0x2000  }
0x1e0: {  	[sflag:s7] =	ssyncset.done $0x0  }
0x1e1: {  	[sflag:s7] =	ssyncadd.s32 $0xFFFFE000  }
0x1e2: {  	_ =	swait.ge [sflag:s8], $0x2000  }
0x1e3: {  	[sflag:s8] =	ssyncset.done $0x0  }
0x1e4: {  	[sflag:s8] =	ssyncadd.s32 $0xFFFFE000  }
0x1e5: {  	_ =	swait.ge [sflag:s10], $0x2000  }
0x1e6: {  	[sflag:s10] =	ssyncset.done $0x0  }
0x1e7: {  	[sflag:s10] =	ssyncadd.s32 $0xFFFFE000  }
0x1e8: {  	_ =	swait.ge [sflag:s1], $0x2000  }
0x1e9: {  	[sflag:s1] =	ssyncset.done $0x0  }
0x1ea: {  	[sflag:s1] =	ssyncadd.s32 $0xFFFFE000  }
0x1eb: {  	_ =	swait.ge [sflag:s18], $0x2000  }
0x1ec: {  	[sflag:s18] =	ssyncset.done $0x0  }
0x1ed: {  	[sflag:s18] =	ssyncadd.s32 $0xFFFFE000  }
0x1ee: {  	_ =	swait.ge [sflag:s19], $0x2000  }
0x1ef: {  	[sflag:s19] =	ssyncset.done $0x0  }
0x1f0: {  	[sflag:s19] =	ssyncadd.s32 $0xFFFFE000  }
0x1f1: {  	[bflag:$0x0] =	sbarrier.arrive $0xFFFF  }
0x1f2: {  	s25 =	rddreg [dreg:$0xe]  }
0x1f3: {  	s1 =	rddreg [dreg:$0x13]  }
0x1f4: {  	s29 =	simm.s32 $0x13;
	s28 =	rddreg [dreg:$0x14]  }
0x1f5: {  	[hbm:s25], [sflag:s1] =	dma.local [spmem:s28], $0x1380  }
0x1f6: {  	_ =	swait.ge [sflag:s29], $0x1380  }
0x1f7: {  	[sflag:s29] =	ssyncset.done $0x0;
	s12 =	rddreg [dreg:$0xf]  }
0x1f8: {  	s0 =	rddreg [dreg:$0x15];
	[sflag:s29] =	ssyncadd.s32 $0xFFFFEC80  }
0x1f9: {  	[hbm:s12], [sflag:s1] =	dma.local @!p0 [spmem:s0], $0x80  }
0x1fa: {  	s12 =	simm.s32 @!p0 $0x13  }
0x1fb: {  	_ =	swait.ge @!p0 [sflag:s12], $0x80  }
0x1fc: {  	s30 =	rddreg [dreg:$0x12]  }
0x1fd: {  	s21 =	rddreg [dreg:$0x10];
	s0 =	sadd.s32 $0x1, s30  }
0x1fe: {  	p1 =	sne.s32 s0, s21  }
.Ltmp1:
0x1ff: {  	_ = 	snop;
	(pc) =	sbr.rel @p1 .LBB2_1-.Ltmp1, $4  }
0x200: {  	_ = 	snop  }
0x201: {  	s4 =	simm.s32 $0x1;
	s9 =	simm.s32 $0x100  }
0x202: {  	s24 =	simm.s32 $0x180;
	s1 =	simm.s32 $0x0;
	[sflag:s12] =	ssyncset.done @!p0 $0x0  }
0x203: {  	s23 =	rddreg [dreg:$0x6];
	[sflag:s12] =	ssyncadd.s32 @!p0 $0xFFFFFF80;
	s21 =	simm.s32 $0x800  }
0x204: {  	_ =	sfence.sel $0x180000  }
0x205: {  	[bflag:$0x0] =	sbarrier.arrive $0xFFFF  }
0x206: {  	_ =	strace $0x9000004A  }
0x207: {  	[bflag:$0x2] =	sbarrier.arrive $0xFFFF  }
0x208: {  	s0 =	rddreg [dreg:$0x3]  }
0x209: {  	s0 =	sadd.s32 @!p0 $0x100000, s0  }
0x20a: {  	[sflag:s0] =	ssyncadd.tile.s32 @!p0 $0x1;
	_ =	shalt  }
.Lfunc_end2:
_tile_overlayer_lowered:
.L_overlay_start_2:
0x20b: {  	(tag) =	ssettag $0x2  }
0x20c: {  	s0 =	rddreg [dreg:$0x0];
	s2 =	stileid.u32  }
0x20d: {  	s1 =	rddreg [dreg:$0x1];
	p0 =	sne.s32 s2, $0x0  }
0x20e: {  	s3 =	rddreg [dreg:$0x2];
	[bflag:$0x3] =	sbarrier.arrive $0xFFFF;
	s2 =	simm.s32 @!p0 $0x1C13  }
0x20f: {  	[timem:s3], [sflag:s2] =	dma.local @!p0 [hbm:s0], s1  }
0x210: {  	s0 =	simm.s32 @!p0 $0x13  }
0x211: {  	_ =	swait.ge @!p0 [sflag:s0], s1  }
0x212: {  	s1 =	ssub.s32 @!p0 $0x0, s1;
	[sflag:s0] =	ssyncset.done @!p0 $0x0  }
0x213: {  	[sflag:s0] =	ssyncadd.s32 @!p0 s1  }
0x214: {  	[bflag:$0x3] =	sbarrier.arrive $0xFFFF  }
0x215: {  	_ =	shalt  }

</sc_bundles>
